<compile_context>
chip_gen: v7x
topology: tpu7x:2x2x1
jax: 0.10.2.dev20260603
libtpu: 0.0.44.dev20260713+nightly
codegen_flags: <defaults>
</compile_context>

<pallas_src>
import functools

import jax
import jax.numpy as jnp
from jax import lax
from jax.experimental import pallas as pl
from jax.experimental.pallas import tpu as pltpu
from jax.experimental.pallas import tpu_sc as plsc

_B = 16384
_D = 64
_LY = 10
_LN = 20
_Z = 32
_L = 16

_NC = 2
_NS = 16
_NW = _NC * _NS
_RPW = _B // _NW
_CB = 8
_NCH = _RPW // _CB
_MASKED_Z = 100.0


def _sc_logits(W_in, W_out, bX, bA):
    mesh = plsc.VectorSubcoreMesh(core_axis_name="c", subcore_axis_name="s")

    @functools.partial(
        pl.kernel,
        out_type=jax.ShapeDtypeStruct((_NW, _RPW * _Z), jnp.float32),
        mesh=mesh,
        compiler_params=pltpu.CompilerParams(
            needs_layout_passes=False, use_tc_tiling_on_sc=False),
        scratch_types=[
            pltpu.VMEM((_RPW,), jnp.int32),
            pltpu.VMEM((_RPW * _Z,), jnp.int32),
            pltpu.VMEM((_CB, _D), jnp.float32),
            pltpu.VMEM((_CB, _D), jnp.float32),
            pltpu.VMEM((_CB * _Z, _D), jnp.float32),
            pltpu.VMEM((_CB * _Z, _D), jnp.float32),
            pltpu.VMEM((_L, _L), jnp.float32),
            pltpu.VMEM((_RPW * _Z,), jnp.float32),
            pltpu.SemaphoreType.DMA,
            pltpu.SemaphoreType.DMA,
        ],
    )
    def k(w_in, w_out, bx, ba, out,
          ix_v, ia_v, xr0, xr1, ar0, ar1, t_v, z_v, sem0, sem1):
        wid = lax.axis_index("s") * _NC + lax.axis_index("c")
        lanes = lax.iota(jnp.int32, _L)
        sign0 = jnp.where(lanes < _LY, 1.0, -1.0)

        pltpu.sync_copy(bx.at[wid], ix_v)
        pltpu.sync_copy(ba.at[wid], ia_v)

        def gather(c, xr, ar, sem):
            pltpu.async_copy(
                w_in.at[ix_v.at[pl.ds(c * _CB, _CB)]], xr, sem)
            pltpu.async_copy(
                w_out.at[ia_v.at[pl.ds(c * _CB * _Z, _CB * _Z)]], ar, sem)

        def drain(c, xr, ar, sem):
            pltpu.make_async_copy(
                w_in.at[ix_v.at[pl.ds(c * _CB, _CB)]], xr, sem).wait()
            pltpu.make_async_copy(
                w_out.at[ia_v.at[pl.ds(c * _CB * _Z, _CB * _Z)]], ar,
                sem).wait()

        def compute(c, xr, ar):
            def row_body(i, carry2):
                xs = [xr[i, pl.ds(16 * t, 16)] for t in range(_D // 16)]
                for g in range(2):
                    base = i * _Z + g * _L
                    for j in range(_L):
                        r = base + j
                        acc = xs[0] * ar[r, pl.ds(0, 16)]
                        for t in range(1, _D // 16):
                            acc += xs[t] * ar[r, pl.ds(16 * t, 16)]
                        plsc.store_scatter(
                            t_v, [lanes, jnp.full((_L,), j, jnp.int32)], acc)
                    z = t_v[0]
                    for d in range(1, _L):
                        z = z + t_v[d]
                    gbase = c * _CB * _Z + base
                    if g == 0:
                        idxv = ia_v[pl.ds(gbase, _L)]
                        z = jnp.where((lanes < _LY) & (idxv == 0),
                                      _MASKED_Z, z * sign0)
                    else:
                        z = jnp.where(lanes >= _L - 2, _MASKED_Z, -z)
                    z_v[pl.ds(gbase, _L)] = z
                return carry2

            lax.fori_loop(0, _CB, row_body, None)

        gather(0, xr0, ar0, sem0)

        def outer(cc, carry):
            c0 = 2 * cc
            gather(c0 + 1, xr1, ar1, sem1)
            drain(c0, xr0, ar0, sem0)
            compute(c0, xr0, ar0)

            @pl.when(cc < _NCH // 2 - 1)
            def _():
                gather(c0 + 2, xr0, ar0, sem0)

            drain(c0 + 1, xr1, ar1, sem1)
            compute(c0 + 1, xr1, ar1)
            return carry

        lax.fori_loop(0, _NCH // 2, outer, None)
        pltpu.sync_copy(z_v, out.at[wid])

    return k(W_in, W_out, bX, bA)


def _tc_loss(z):

    def body(z_ref, o_ref):
        t = -z_ref[...]
        sp = jnp.maximum(t, 0.0) + jnp.log1p(jnp.exp(-jnp.abs(t)))
        o_ref[0, 0] = jnp.sum(sp) * (1.0 / _B)

    out = pl.pallas_call(
        body,
        out_shape=jax.ShapeDtypeStruct((1, 1), jnp.float32),
        out_specs=pl.BlockSpec(memory_space=pltpu.SMEM),
    )(z)
    return out[0, 0]


def kernel(batch_X, batch_Y, batch_N, W_in, W_out):
    pad = (jnp.arange(_B, dtype=jnp.int32) % jnp.int32(W_out.shape[0]))
    pad = jnp.broadcast_to(pad[:, None], (_B, _Z - _LY - _LN))
    bA = jnp.concatenate([batch_Y, batch_N, pad], axis=1)
    bX = batch_X.reshape(_NW, _RPW)
    bA = bA.reshape(_NW, _RPW * _Z)
    z = _sc_logits(W_in, W_out, bX, bA)
    return _tc_loss(z)

# --- scband reference (transcript-rebuilt; emitter-appended) ---
"""Pipeline reference for scband-skip-gram-ns-30631706755266 (READ-ONLY COPY).

The authoritative reference and input builder live on the scoring server;
editing this copy changes nothing except your own understanding.
"""

import jax, jax.numpy as jnp
import numpy as np

VOCAB = 1000000
DIM = 64
B = 16384
LY = 10
LN = 20
PAD = 0

def setup_inputs(seed: int = 0) -> dict:
    key = jax.random.key(seed)
    k1, k2, k3, k4, k5 = jax.random.split(key, 5)
    batch_X = jax.random.randint(k1, (B,), 0, VOCAB, dtype=jnp.int64 if jax.config.jax_enable_x64 else jnp.int32).astype(jnp.int32)
    batch_Y = jax.random.randint(k2, (B, LY), 0, VOCAB).astype(jnp.int32)
    batch_N = jax.random.randint(k3, (B, LN), 0, VOCAB).astype(jnp.int32)
    W_in = jax.random.normal(k4, (VOCAB, DIM), dtype=jnp.float32) * 0.02
    W_out = jax.random.normal(k5, (VOCAB, DIM), dtype=jnp.float32) * 0.02
    return {"batch_X": batch_X, "batch_Y": batch_Y, "batch_N": batch_N, "W_in": W_in, "W_out": W_out}

def reference(batch_X, batch_Y, batch_N, W_in, W_out):
    # in_embedding lookup: (B, D, 1)
    emb_X = jnp.take(W_in, batch_X, axis=0)[:, :, None]
    # out_embedding lookups
    emb_Y = jnp.take(W_out, batch_Y, axis=0)  # (B, LY, D)
    emb_N = jnp.take(W_out, batch_N, axis=0)  # (B, LN, D)
    # positive loss: bmm (B,LY,D) x (B,D,1) -> (B,LY)
    loss_Y = jnp.log(jax.nn.sigmoid(jnp.matmul(emb_Y, emb_X).squeeze(-1)))
    loss_Y = loss_Y * (batch_Y != PAD).astype(jnp.float32)
    loss_Y = loss_Y.sum(axis=1)
    # negative loss: bmm (B,LN,D) x (B,D,1) -> (B,LN)
    loss_N = jnp.log(jax.nn.sigmoid(-jnp.matmul(emb_N, emb_X).squeeze(-1))).sum(axis=1)
    return -(loss_Y + loss_N).mean()

if False:  # reference __main__ guard neutralized (emitter)
    out = reference(**setup_inputs())
    print(out)

if __name__ == "__main__":
    import jax
    _d = setup_inputs()
    print(jax.jit(kernel)(*tuple(_d.values())))

</pallas_src>

<mosaic_0001>
#map = affine_map<(d0, d1) -> (0, 0)>
module attributes {stable_mosaic.version = 14 : i64} {
  func.func @k(%arg0: i32, %arg1: i32, %arg2: memref<1000000x64xf32, #tpu.memory_space<hbm>>, %arg3: memref<1000000x64xf32, #tpu.memory_space<hbm>>, %arg4: memref<32x512xi32, #tpu.memory_space<hbm>>, %arg5: memref<32x16384xi32, #tpu.memory_space<hbm>>, %arg6: memref<32x16384xf32, #tpu.memory_space<hbm>>, %arg7: memref<512xi32, #tpu.memory_space<vmem>>, %arg8: memref<16384xi32, #tpu.memory_space<vmem>>, %arg9: memref<8x64xf32, #tpu.memory_space<vmem>>, %arg10: memref<8x64xf32, #tpu.memory_space<vmem>>, %arg11: memref<256x64xf32, #tpu.memory_space<vmem>>, %arg12: memref<256x64xf32, #tpu.memory_space<vmem>>, %arg13: memref<16x16xf32, #tpu.memory_space<vmem>>, %arg14: memref<16384xf32, #tpu.memory_space<vmem>>, %arg15: memref<!tpu.dma_semaphore, #tpu.memory_space<semaphore_mem>>, %arg16: memref<!tpu.dma_semaphore, #tpu.memory_space<semaphore_mem>>) attributes {dimension_semantics = [#tpu.dimension_semantics<core_parallel>, #tpu.dimension_semantics<subcore_parallel>], iteration_bounds = array<i64: 2, 16>, scalar_prefetch = 0 : i64, scratch_operands = 10 : i64, tpu.core_type = #tpu.core_type<sc_vector_subcore>, window_params = [{transform_indices = #map}, {transform_indices = #map}, {transform_indices = #map}, {transform_indices = #map}, {transform_indices = #map}]} {
    %mul3A = arith.constant 2 : i32
    %mul3A_0 = arith.muli %arg1, %mul3A : i32
    %add3A = arith.addi %mul3A_0, %arg0 : i32
    %iota3A = tpu.iota {dimensions = array<i32: 0>} : vector<16xi32>
    %lt3A = arith.constant 10 : i32
    %lt3A_1 = vector.broadcast %lt3A : i32 to vector<16xi32>
    %lt3A_2 = arith.cmpi slt, %iota3A, %lt3A_1 : vector<16xi32>
    %jit3A = arith.constant 1.000000e+00 : f32
    %jit3A_3 = arith.constant -1.000000e+00 : f32
    %broadcast_in_dim3A = vector.broadcast %jit3A : f32 to vector<16xf32>
    %broadcast_in_dim3A_4 = vector.broadcast %jit3A_3 : f32 to vector<16xf32>
    %select_n3A = arith.select %lt3A_2, %broadcast_in_dim3A, %broadcast_in_dim3A_4 : vector<16xi1>, vector<16xf32>
    "tpu.region"() ({
      %run_scoped3A = tpu.sem_alloc : memref<!tpu.dma_semaphore, #tpu.memory_space<semaphore_mem>>
      %dma_start3A_18 = arith.constant 0 : i32
      %dma_start3A_19 = tpu.memref_slice %arg4[%add3A, %dma_start3A_18] : memref<32x512xi32, #tpu.memory_space<hbm>> -> memref<1x512xi32, #tpu.memory_space<hbm>>
      %dma_start3A_20 = tpu.memref_squeeze %dma_start3A_19 : memref<1x512xi32, #tpu.memory_space<hbm>> -> memref<512xi32, #tpu.memory_space<hbm>>
      %dma_start3A_21 = arith.constant 0 : i32
      %dma_start3A_22 = tpu.memref_slice %arg4[%add3A, %dma_start3A_21] : memref<32x512xi32, #tpu.memory_space<hbm>> -> memref<1x512xi32, #tpu.memory_space<hbm>>
      %dma_start3A_23 = tpu.memref_squeeze %dma_start3A_22 : memref<1x512xi32, #tpu.memory_space<hbm>> -> memref<512xi32, #tpu.memory_space<hbm>>
      tpu.enqueue_dma source(%dma_start3A_23 : memref<512xi32, #tpu.memory_space<hbm>>) target(%arg7 : memref<512xi32, #tpu.memory_space<vmem>>) target_semaphore(%run_scoped3A : memref<!tpu.dma_semaphore, #tpu.memory_space<semaphore_mem>>)
      %dma_wait3A = arith.constant 0 : i32
      %dma_wait3A_24 = tpu.memref_slice %arg4[%add3A, %dma_wait3A] : memref<32x512xi32, #tpu.memory_space<hbm>> -> memref<1x512xi32, #tpu.memory_space<hbm>>
      %dma_wait3A_25 = tpu.memref_squeeze %dma_wait3A_24 : memref<1x512xi32, #tpu.memory_space<hbm>> -> memref<512xi32, #tpu.memory_space<hbm>>
      %dma_wait3A_26 = arith.constant 0 : i32
      %dma_wait3A_27 = tpu.memref_slice %arg4[%add3A, %dma_wait3A_26] : memref<32x512xi32, #tpu.memory_space<hbm>> -> memref<1x512xi32, #tpu.memory_space<hbm>>
      %dma_wait3A_28 = tpu.memref_squeeze %dma_wait3A_27 : memref<1x512xi32, #tpu.memory_space<hbm>> -> memref<512xi32, #tpu.memory_space<hbm>>
      tpu.wait_dma2 semaphore(%run_scoped3A : memref<!tpu.dma_semaphore, #tpu.memory_space<semaphore_mem>>) src(%dma_wait3A_28 : memref<512xi32, #tpu.memory_space<hbm>>) dst(%arg7 : memref<512xi32, #tpu.memory_space<vmem>>)
      tpu.yield
    }) : () -> ()
    "tpu.region"() ({
      %run_scoped3A = tpu.sem_alloc : memref<!tpu.dma_semaphore, #tpu.memory_space<semaphore_mem>>
      %dma_start3A_18 = arith.constant 0 : i32
      %dma_start3A_19 = tpu.memref_slice %arg5[%add3A, %dma_start3A_18] : memref<32x16384xi32, #tpu.memory_space<hbm>> -> memref<1x16384xi32, #tpu.memory_space<hbm>>
      %dma_start3A_20 = tpu.memref_squeeze %dma_start3A_19 : memref<1x16384xi32, #tpu.memory_space<hbm>> -> memref<16384xi32, #tpu.memory_space<hbm>>
      %dma_start3A_21 = arith.constant 0 : i32
      %dma_start3A_22 = tpu.memref_slice %arg5[%add3A, %dma_start3A_21] : memref<32x16384xi32, #tpu.memory_space<hbm>> -> memref<1x16384xi32, #tpu.memory_space<hbm>>
      %dma_start3A_23 = tpu.memref_squeeze %dma_start3A_22 : memref<1x16384xi32, #tpu.memory_space<hbm>> -> memref<16384xi32, #tpu.memory_space<hbm>>
      tpu.enqueue_dma source(%dma_start3A_23 : memref<16384xi32, #tpu.memory_space<hbm>>) target(%arg8 : memref<16384xi32, #tpu.memory_space<vmem>>) target_semaphore(%run_scoped3A : memref<!tpu.dma_semaphore, #tpu.memory_space<semaphore_mem>>)
      %dma_wait3A = arith.constant 0 : i32
      %dma_wait3A_24 = tpu.memref_slice %arg5[%add3A, %dma_wait3A] : memref<32x16384xi32, #tpu.memory_space<hbm>> -> memref<1x16384xi32, #tpu.memory_space<hbm>>
      %dma_wait3A_25 = tpu.memref_squeeze %dma_wait3A_24 : memref<1x16384xi32, #tpu.memory_space<hbm>> -> memref<16384xi32, #tpu.memory_space<hbm>>
      %dma_wait3A_26 = arith.constant 0 : i32
      %dma_wait3A_27 = tpu.memref_slice %arg5[%add3A, %dma_wait3A_26] : memref<32x16384xi32, #tpu.memory_space<hbm>> -> memref<1x16384xi32, #tpu.memory_space<hbm>>
      %dma_wait3A_28 = tpu.memref_squeeze %dma_wait3A_27 : memref<1x16384xi32, #tpu.memory_space<hbm>> -> memref<16384xi32, #tpu.memory_space<hbm>>
      tpu.wait_dma2 semaphore(%run_scoped3A : memref<!tpu.dma_semaphore, #tpu.memory_space<semaphore_mem>>) src(%dma_wait3A_28 : memref<16384xi32, #tpu.memory_space<hbm>>) dst(%arg8 : memref<16384xi32, #tpu.memory_space<vmem>>)
      tpu.yield
    }) : () -> ()
    %dma_start3A = arith.constant 0 : i32
    %dma_start3A_5 = tpu.memref_slice %arg7[%dma_start3A] : memref<512xi32, #tpu.memory_space<vmem>> -> memref<8xi32, #tpu.memory_space<vmem>>
    %dma_start3A_6 = arith.constant 0 : i32
    %dma_start3A_7 = arith.constant 0 : i32
    %dma_start3A_8 = tpu.memref_slice %arg2[%dma_start3A_6, %dma_start3A_7] : memref<1000000x64xf32, #tpu.memory_space<hbm>> -> memref<1000000x64xf32, #tpu.memory_space<hbm>>
    tpu.enqueue_indirect_dma source(%dma_start3A_8 : memref<1000000x64xf32, #tpu.memory_space<hbm>>) target(%arg9 : memref<8x64xf32, #tpu.memory_space<vmem>>) offsets(%dma_start3A_5 : memref<8xi32, #tpu.memory_space<vmem>>) semaphore(%arg15 : memref<!tpu.dma_semaphore, #tpu.memory_space<semaphore_mem>>)
    %dma_start3A_9 = arith.constant 0 : i32
    %dma_start3A_10 = tpu.memref_slice %arg8[%dma_start3A_9] : memref<16384xi32, #tpu.memory_space<vmem>> -> memref<256xi32, #tpu.memory_space<vmem>>
    %dma_start3A_11 = arith.constant 0 : i32
    %dma_start3A_12 = arith.constant 0 : i32
    %dma_start3A_13 = tpu.memref_slice %arg3[%dma_start3A_11, %dma_start3A_12] : memref<1000000x64xf32, #tpu.memory_space<hbm>> -> memref<1000000x64xf32, #tpu.memory_space<hbm>>
    tpu.enqueue_indirect_dma source(%dma_start3A_13 : memref<1000000x64xf32, #tpu.memory_space<hbm>>) target(%arg11 : memref<256x64xf32, #tpu.memory_space<vmem>>) offsets(%dma_start3A_10 : memref<256xi32, #tpu.memory_space<vmem>>) semaphore(%arg15 : memref<!tpu.dma_semaphore, #tpu.memory_space<semaphore_mem>>)
    %scan3A = arith.constant 0 : i32
    %scan3A_14 = arith.constant 32 : i32
    %scan3A_15 = arith.addi %scan3A, %scan3A_14 : i32
    %scan3A_16 = arith.constant 1 : i32
    scf.for %scan3A_18 = %scan3A to %scan3A_15 step %scan3A_16  : i32 {
      %mul3A_19 = arith.constant 2 : i32
      %mul3A_20 = arith.muli %mul3A_19, %scan3A_18 : i32
      %add3A_21 = arith.constant 1 : i32
      %add3A_22 = arith.addi %mul3A_20, %add3A_21 : i32
      %mul3A_23 = arith.constant 8 : i32
      %mul3A_24 = arith.muli %add3A_22, %mul3A_23 : i32
      %dma_start3A_25 = tpu.memref_slice %arg7[%mul3A_24] : memref<512xi32, #tpu.memory_space<vmem>> -> memref<8xi32, #tpu.memory_space<vmem>>
      %dma_start3A_26 = arith.constant 0 : i32
      %dma_start3A_27 = arith.constant 0 : i32
      %dma_start3A_28 = tpu.memref_slice %arg2[%dma_start3A_26, %dma_start3A_27] : memref<1000000x64xf32, #tpu.memory_space<hbm>> -> memref<1000000x64xf32, #tpu.memory_space<hbm>>
      tpu.enqueue_indirect_dma source(%dma_start3A_28 : memref<1000000x64xf32, #tpu.memory_space<hbm>>) target(%arg10 : memref<8x64xf32, #tpu.memory_space<vmem>>) offsets(%dma_start3A_25 : memref<8xi32, #tpu.memory_space<vmem>>) semaphore(%arg16 : memref<!tpu.dma_semaphore, #tpu.memory_space<semaphore_mem>>)
      %mul3A_29 = arith.constant 8 : i32
      %mul3A_30 = arith.muli %add3A_22, %mul3A_29 : i32
      %mul3A_31 = arith.constant 32 : i32
      %mul3A_32 = arith.muli %mul3A_30, %mul3A_31 : i32
      %dma_start3A_33 = tpu.memref_slice %arg8[%mul3A_32] : memref<16384xi32, #tpu.memory_space<vmem>> -> memref<256xi32, #tpu.memory_space<vmem>>
      %dma_start3A_34 = arith.constant 0 : i32
      %dma_start3A_35 = arith.constant 0 : i32
      %dma_start3A_36 = tpu.memref_slice %arg3[%dma_start3A_34, %dma_start3A_35] : memref<1000000x64xf32, #tpu.memory_space<hbm>> -> memref<1000000x64xf32, #tpu.memory_space<hbm>>
      tpu.enqueue_indirect_dma source(%dma_start3A_36 : memref<1000000x64xf32, #tpu.memory_space<hbm>>) target(%arg12 : memref<256x64xf32, #tpu.memory_space<vmem>>) offsets(%dma_start3A_33 : memref<256xi32, #tpu.memory_space<vmem>>) semaphore(%arg16 : memref<!tpu.dma_semaphore, #tpu.memory_space<semaphore_mem>>)
      %mul3A_37 = arith.constant 8 : i32
      %mul3A_38 = arith.muli %mul3A_20, %mul3A_37 : i32
      %dma_wait3A = tpu.memref_slice %arg7[%mul3A_38] : memref<512xi32, #tpu.memory_space<vmem>> -> memref<8xi32, #tpu.memory_space<vmem>>
      %dma_wait3A_39 = arith.constant 0 : i32
      %dma_wait3A_40 = arith.constant 0 : i32
      %dma_wait3A_41 = tpu.memref_slice %arg2[%dma_wait3A_39, %dma_wait3A_40] : memref<1000000x64xf32, #tpu.memory_space<hbm>> -> memref<1000000x64xf32, #tpu.memory_space<hbm>>
      tpu.wait_indirect_dma semaphore(%arg15 : memref<!tpu.dma_semaphore, #tpu.memory_space<semaphore_mem>>) src(%dma_wait3A_41 : memref<1000000x64xf32, #tpu.memory_space<hbm>>) dst(%arg9 : memref<8x64xf32, #tpu.memory_space<vmem>>)
      %mul3A_42 = arith.constant 8 : i32
      %mul3A_43 = arith.muli %mul3A_20, %mul3A_42 : i32
      %mul3A_44 = arith.constant 32 : i32
      %mul3A_45 = arith.muli %mul3A_43, %mul3A_44 : i32
      %dma_wait3A_46 = tpu.memref_slice %arg8[%mul3A_45] : memref<16384xi32, #tpu.memory_space<vmem>> -> memref<256xi32, #tpu.memory_space<vmem>>
      %dma_wait3A_47 = arith.constant 0 : i32
      %dma_wait3A_48 = arith.constant 0 : i32
      %dma_wait3A_49 = tpu.memref_slice %arg3[%dma_wait3A_47, %dma_wait3A_48] : memref<1000000x64xf32, #tpu.memory_space<hbm>> -> memref<1000000x64xf32, #tpu.memory_space<hbm>>
      tpu.wait_indirect_dma semaphore(%arg15 : memref<!tpu.dma_semaphore, #tpu.memory_space<semaphore_mem>>) src(%dma_wait3A_49 : memref<1000000x64xf32, #tpu.memory_space<hbm>>) dst(%arg11 : memref<256x64xf32, #tpu.memory_space<vmem>>)
      %scan3A_50 = arith.constant 0 : i32
      %scan3A_51 = arith.constant 8 : i32
      %scan3A_52 = arith.addi %scan3A_50, %scan3A_51 : i32
      %scan3A_53 = arith.constant 1 : i32
      scf.for %scan3A_81 = %scan3A_50 to %scan3A_52 step %scan3A_53  : i32 {
        %get3A = arith.index_cast %scan3A_81 : i32 to index
        %get3A_82 = arith.constant 0 : index
        %get3A_83 = tpu.vector_load %arg9[%get3A, %get3A_82] {strides = array<i32>} : memref<8x64xf32, #tpu.memory_space<vmem>>, vector<16xf32>,
        %get3A_84 = arith.index_cast %scan3A_81 : i32 to index
        %get3A_85 = arith.constant 16 : index
        %get3A_86 = tpu.vector_load %arg9[%get3A_84, %get3A_85] {strides = array<i32>} : memref<8x64xf32, #tpu.memory_space<vmem>>, vector<16xf32>,
        %get3A_87 = arith.index_cast %scan3A_81 : i32 to index
        %get3A_88 = arith.constant 32 : index
        %get3A_89 = tpu.vector_load %arg9[%get3A_87, %get3A_88] {strides = array<i32>} : memref<8x64xf32, #tpu.memory_space<vmem>>, vector<16xf32>,
        %get3A_90 = arith.index_cast %scan3A_81 : i32 to index
        %get3A_91 = arith.constant 48 : index
        %get3A_92 = tpu.vector_load %arg9[%get3A_90, %get3A_91] {strides = array<i32>} : memref<8x64xf32, #tpu.memory_space<vmem>>, vector<16xf32>,
        %mul3A_93 = arith.constant 32 : i32
        %mul3A_94 = arith.muli %scan3A_81, %mul3A_93 : i32
        %add3A_95 = arith.constant 0 : i32
        %add3A_96 = arith.addi %mul3A_94, %add3A_95 : i32
        %add3A_97 = arith.constant 0 : i32
        %add3A_98 = arith.addi %add3A_96, %add3A_97 : i32
        %get3A_99 = arith.index_cast %add3A_98 : i32 to index
        %get3A_100 = arith.constant 0 : index
        %get3A_101 = tpu.vector_load %arg11[%get3A_99, %get3A_100] {strides = array<i32>} : memref<256x64xf32, #tpu.memory_space<vmem>>, vector<16xf32>,
        %mul3A_102 = arith.mulf %get3A_83, %get3A_101 : vector<16xf32>
        %get3A_103 = arith.index_cast %add3A_98 : i32 to index
        %get3A_104 = arith.constant 16 : index
        %get3A_105 = tpu.vector_load %arg11[%get3A_103, %get3A_104] {strides = array<i32>} : memref<256x64xf32, #tpu.memory_space<vmem>>, vector<16xf32>,
        %mul3A_106 = arith.mulf %get3A_86, %get3A_105 : vector<16xf32>
        %add3A_107 = arith.addf %mul3A_102, %mul3A_106 : vector<16xf32>
        %get3A_108 = arith.index_cast %add3A_98 : i32 to index
        %get3A_109 = arith.constant 32 : index
        %get3A_110 = tpu.vector_load %arg11[%get3A_108, %get3A_109] {strides = array<i32>} : memref<256x64xf32, #tpu.memory_space<vmem>>, vector<16xf32>,
        %mul3A_111 = arith.mulf %get3A_89, %get3A_110 : vector<16xf32>
        %add3A_112 = arith.addf %add3A_107, %mul3A_111 : vector<16xf32>
        %get3A_113 = arith.index_cast %add3A_98 : i32 to index
        %get3A_114 = arith.constant 48 : index
        %get3A_115 = tpu.vector_load %arg11[%get3A_113, %get3A_114] {strides = array<i32>} : memref<256x64xf32, #tpu.memory_space<vmem>>, vector<16xf32>,
        %mul3A_116 = arith.mulf %get3A_92, %get3A_115 : vector<16xf32>
        %add3A_117 = arith.addf %add3A_112, %mul3A_116 : vector<16xf32>
        %broadcast_in_dim3A_118 = arith.constant 0 : i32
        %broadcast_in_dim3A_119 = vector.broadcast %broadcast_in_dim3A_118 : i32 to vector<16xi32>
        tpu.vector_store_idx %arg13[%iota3A, %broadcast_in_dim3A_119], %add3A_117 : memref<16x16xf32, #tpu.memory_space<vmem>>[vector<16xi32>, vector<16xi32>], vector<16xf32>,
        %add3A_120 = arith.constant 1 : i32
        %add3A_121 = arith.addi %add3A_96, %add3A_120 : i32
        %get3A_122 = arith.index_cast %add3A_121 : i32 to index
        %get3A_123 = arith.constant 0 : index
        %get3A_124 = tpu.vector_load %arg11[%get3A_122, %get3A_123] {strides = array<i32>} : memref<256x64xf32, #tpu.memory_space<vmem>>, vector<16xf32>,
        %mul3A_125 = arith.mulf %get3A_83, %get3A_124 : vector<16xf32>
        %get3A_126 = arith.index_cast %add3A_121 : i32 to index
        %get3A_127 = arith.constant 16 : index
        %get3A_128 = tpu.vector_load %arg11[%get3A_126, %get3A_127] {strides = array<i32>} : memref<256x64xf32, #tpu.memory_space<vmem>>, vector<16xf32>,
        %mul3A_129 = arith.mulf %get3A_86, %get3A_128 : vector<16xf32>
        %add3A_130 = arith.addf %mul3A_125, %mul3A_129 : vector<16xf32>
        %get3A_131 = arith.index_cast %add3A_121 : i32 to index
        %get3A_132 = arith.constant 32 : index
        %get3A_133 = tpu.vector_load %arg11[%get3A_131, %get3A_132] {strides = array<i32>} : memref<256x64xf32, #tpu.memory_space<vmem>>, vector<16xf32>,
        %mul3A_134 = arith.mulf %get3A_89, %get3A_133 : vector<16xf32>
        %add3A_135 = arith.addf %add3A_130, %mul3A_134 : vector<16xf32>
        %get3A_136 = arith.index_cast %add3A_121 : i32 to index
        %get3A_137 = arith.constant 48 : index
        %get3A_138 = tpu.vector_load %arg11[%get3A_136, %get3A_137] {strides = array<i32>} : memref<256x64xf32, #tpu.memory_space<vmem>>, vector<16xf32>,
        %mul3A_139 = arith.mulf %get3A_92, %get3A_138 : vector<16xf32>
        %add3A_140 = arith.addf %add3A_135, %mul3A_139 : vector<16xf32>
        %broadcast_in_dim3A_141 = arith.constant 1 : i32
        %broadcast_in_dim3A_142 = vector.broadcast %broadcast_in_dim3A_141 : i32 to vector<16xi32>
        tpu.vector_store_idx %arg13[%iota3A, %broadcast_in_dim3A_142], %add3A_140 : memref<16x16xf32, #tpu.memory_space<vmem>>[vector<16xi32>, vector<16xi32>], vector<16xf32>,
        %add3A_143 = arith.constant 2 : i32
        %add3A_144 = arith.addi %add3A_96, %add3A_143 : i32
        %get3A_145 = arith.index_cast %add3A_144 : i32 to index
        %get3A_146 = arith.constant 0 : index
        %get3A_147 = tpu.vector_load %arg11[%get3A_145, %get3A_146] {strides = array<i32>} : memref<256x64xf32, #tpu.memory_space<vmem>>, vector<16xf32>,
        %mul3A_148 = arith.mulf %get3A_83, %get3A_147 : vector<16xf32>
        %get3A_149 = arith.index_cast %add3A_144 : i32 to index
        %get3A_150 = arith.constant 16 : index
        %get3A_151 = tpu.vector_load %arg11[%get3A_149, %get3A_150] {strides = array<i32>} : memref<256x64xf32, #tpu.memory_space<vmem>>, vector<16xf32>,
        %mul3A_152 = arith.mulf %get3A_86, %get3A_151 : vector<16xf32>
        %add3A_153 = arith.addf %mul3A_148, %mul3A_152 : vector<16xf32>
        %get3A_154 = arith.index_cast %add3A_144 : i32 to index
        %get3A_155 = arith.constant 32 : index
        %get3A_156 = tpu.vector_load %arg11[%get3A_154, %get3A_155] {strides = array<i32>} : memref<256x64xf32, #tpu.memory_space<vmem>>, vector<16xf32>,
        %mul3A_157 = arith.mulf %get3A_89, %get3A_156 : vector<16xf32>
        %add3A_158 = arith.addf %add3A_153, %mul3A_157 : vector<16xf32>
        %get3A_159 = arith.index_cast %add3A_144 : i32 to index
        %get3A_160 = arith.constant 48 : index
        %get3A_161 = tpu.vector_load %arg11[%get3A_159, %get3A_160] {strides = array<i32>} : memref<256x64xf32, #tpu.memory_space<vmem>>, vector<16xf32>,
        %mul3A_162 = arith.mulf %get3A_92, %get3A_161 : vector<16xf32>
        %add3A_163 = arith.addf %add3A_158, %mul3A_162 : vector<16xf32>
        %broadcast_in_dim3A_164 = arith.constant 2 : i32
        %broadcast_in_dim3A_165 = vector.broadcast %broadcast_in_dim3A_164 : i32 to vector<16xi32>
        tpu.vector_store_idx %arg13[%iota3A, %broadcast_in_dim3A_165], %add3A_163 : memref<16x16xf32, #tpu.memory_space<vmem>>[vector<16xi32>, vector<16xi32>], vector<16xf32>,
        %add3A_166 = arith.constant 3 : i32
        %add3A_167 = arith.addi %add3A_96, %add3A_166 : i32
        %get3A_168 = arith.index_cast %add3A_167 : i32 to index
        %get3A_169 = arith.constant 0 : index
        %get3A_170 = tpu.vector_load %arg11[%get3A_168, %get3A_169] {strides = array<i32>} : memref<256x64xf32, #tpu.memory_space<vmem>>, vector<16xf32>,
        %mul3A_171 = arith.mulf %get3A_83, %get3A_170 : vector<16xf32>
        %get3A_172 = arith.index_cast %add3A_167 : i32 to index
        %get3A_173 = arith.constant 16 : index
        %get3A_174 = tpu.vector_load %arg11[%get3A_172, %get3A_173] {strides = array<i32>} : memref<256x64xf32, #tpu.memory_space<vmem>>, vector<16xf32>,
        %mul3A_175 = arith.mulf %get3A_86, %get3A_174 : vector<16xf32>
        %add3A_176 = arith.addf %mul3A_171, %mul3A_175 : vector<16xf32>
        %get3A_177 = arith.index_cast %add3A_167 : i32 to index
        %get3A_178 = arith.constant 32 : index
        %get3A_179 = tpu.vector_load %arg11[%get3A_177, %get3A_178] {strides = array<i32>} : memref<256x64xf32, #tpu.memory_space<vmem>>, vector<16xf32>,
        %mul3A_180 = arith.mulf %get3A_89, %get3A_179 : vector<16xf32>
        %add3A_181 = arith.addf %add3A_176, %mul3A_180 : vector<16xf32>
        %get3A_182 = arith.index_cast %add3A_167 : i32 to index
        %get3A_183 = arith.constant 48 : index
        %get3A_184 = tpu.vector_load %arg11[%get3A_182, %get3A_183] {strides = array<i32>} : memref<256x64xf32, #tpu.memory_space<vmem>>, vector<16xf32>,
        %mul3A_185 = arith.mulf %get3A_92, %get3A_184 : vector<16xf32>
        %add3A_186 = arith.addf %add3A_181, %mul3A_185 : vector<16xf32>
        %broadcast_in_dim3A_187 = arith.constant 3 : i32
        %broadcast_in_dim3A_188 = vector.broadcast %broadcast_in_dim3A_187 : i32 to vector<16xi32>
        tpu.vector_store_idx %arg13[%iota3A, %broadcast_in_dim3A_188], %add3A_186 : memref<16x16xf32, #tpu.memory_space<vmem>>[vector<16xi32>, vector<16xi32>], vector<16xf32>,
        %add3A_189 = arith.constant 4 : i32
        %add3A_190 = arith.addi %add3A_96, %add3A_189 : i32
        %get3A_191 = arith.index_cast %add3A_190 : i32 to index
        %get3A_192 = arith.constant 0 : index
        %get3A_193 = tpu.vector_load %arg11[%get3A_191, %get3A_192] {strides = array<i32>} : memref<256x64xf32, #tpu.memory_space<vmem>>, vector<16xf32>,
        %mul3A_194 = arith.mulf %get3A_83, %get3A_193 : vector<16xf32>
        %get3A_195 = arith.index_cast %add3A_190 : i32 to index
        %get3A_196 = arith.constant 16 : index
        %get3A_197 = tpu.vector_load %arg11[%get3A_195, %get3A_196] {strides = array<i32>} : memref<256x64xf32, #tpu.memory_space<vmem>>, vector<16xf32>,
        %mul3A_198 = arith.mulf %get3A_86, %get3A_197 : vector<16xf32>
        %add3A_199 = arith.addf %mul3A_194, %mul3A_198 : vector<16xf32>
        %get3A_200 = arith.index_cast %add3A_190 : i32 to index
        %get3A_201 = arith.constant 32 : index
        %get3A_202 = tpu.vector_load %arg11[%get3A_200, %get3A_201] {strides = array<i32>} : memref<256x64xf32, #tpu.memory_space<vmem>>, vector<16xf32>,
        %mul3A_203 = arith.mulf %get3A_89, %get3A_202 : vector<16xf32>
        %add3A_204 = arith.addf %add3A_199, %mul3A_203 : vector<16xf32>
        %get3A_205 = arith.index_cast %add3A_190 : i32 to index
        %get3A_206 = arith.constant 48 : index
        %get3A_207 = tpu.vector_load %arg11[%get3A_205, %get3A_206] {strides = array<i32>} : memref<256x64xf32, #tpu.memory_space<vmem>>, vector<16xf32>,
        %mul3A_208 = arith.mulf %get3A_92, %get3A_207 : vector<16xf32>
        %add3A_209 = arith.addf %add3A_204, %mul3A_208 : vector<16xf32>
        %broadcast_in_dim3A_210 = arith.constant 4 : i32
        %broadcast_in_dim3A_211 = vector.broadcast %broadcast_in_dim3A_210 : i32 to vector<16xi32>
        tpu.vector_store_idx %arg13[%iota3A, %broadcast_in_dim3A_211], %add3A_209 : memref<16x16xf32, #tpu.memory_space<vmem>>[vector<16xi32>, vector<16xi32>], vector<16xf32>,
        %add3A_212 = arith.constant 5 : i32
        %add3A_213 = arith.addi %add3A_96, %add3A_212 : i32
        %get3A_214 = arith.index_cast %add3A_213 : i32 to index
        %get3A_215 = arith.constant 0 : index
        %get3A_216 = tpu.vector_load %arg11[%get3A_214, %get3A_215] {strides = array<i32>} : memref<256x64xf32, #tpu.memory_space<vmem>>, vector<16xf32>,
        %mul3A_217 = arith.mulf %get3A_83, %get3A_216 : vector<16xf32>
        %get3A_218 = arith.index_cast %add3A_213 : i32 to index
        %get3A_219 = arith.constant 16 : index
        %get3A_220 = tpu.vector_load %arg11[%get3A_218, %get3A_219] {strides = array<i32>} : memref<256x64xf32, #tpu.memory_space<vmem>>, vector<16xf32>,
        %mul3A_221 = arith.mulf %get3A_86, %get3A_220 : vector<16xf32>
        %add3A_222 = arith.addf %mul3A_217, %mul3A_221 : vector<16xf32>
        %get3A_223 = arith.index_cast %add3A_213 : i32 to index
        %get3A_224 = arith.constant 32 : index
        %get3A_225 = tpu.vector_load %arg11[%get3A_223, %get3A_224] {strides = array<i32>} : memref<256x64xf32, #tpu.memory_space<vmem>>, vector<16xf32>,
        %mul3A_226 = arith.mulf %get3A_89, %get3A_225 : vector<16xf32>
        %add3A_227 = arith.addf %add3A_222, %mul3A_226 : vector<16xf32>
        %get3A_228 = arith.index_cast %add3A_213 : i32 to index
        %get3A_229 = arith.constant 48 : index
        %get3A_230 = tpu.vector_load %arg11[%get3A_228, %get3A_229] {strides = array<i32>} : memref<256x64xf32, #tpu.memory_space<vmem>>, vector<16xf32>,
        %mul3A_231 = arith.mulf %get3A_92, %get3A_230 : vector<16xf32>
        %add3A_232 = arith.addf %add3A_227, %mul3A_231 : vector<16xf32>
        %broadcast_in_dim3A_233 = arith.constant 5 : i32
        %broadcast_in_dim3A_234 = vector.broadcast %broadcast_in_dim3A_233 : i32 to vector<16xi32>
        tpu.vector_store_idx %arg13[%iota3A, %broadcast_in_dim3A_234], %add3A_232 : memref<16x16xf32, #tpu.memory_space<vmem>>[vector<16xi32>, vector<16xi32>], vector<16xf32>,
        %add3A_235 = arith.constant 6 : i32
        %add3A_236 = arith.addi %add3A_96, %add3A_235 : i32
        %get3A_237 = arith.index_cast %add3A_236 : i32 to index
        %get3A_238 = arith.constant 0 : index
        %get3A_239 = tpu.vector_load %arg11[%get3A_237, %get3A_238] {strides = array<i32>} : memref<256x64xf32, #tpu.memory_space<vmem>>, vector<16xf32>,
        %mul3A_240 = arith.mulf %get3A_83, %get3A_239 : vector<16xf32>
        %get3A_241 = arith.index_cast %add3A_236 : i32 to index
        %get3A_242 = arith.constant 16 : index
        %get3A_243 = tpu.vector_load %arg11[%get3A_241, %get3A_242] {strides = array<i32>} : memref<256x64xf32, #tpu.memory_space<vmem>>, vector<16xf32>,
        %mul3A_244 = arith.mulf %get3A_86, %get3A_243 : vector<16xf32>
        %add3A_245 = arith.addf %mul3A_240, %mul3A_244 : vector<16xf32>
        %get3A_246 = arith.index_cast %add3A_236 : i32 to index
        %get3A_247 = arith.constant 32 : index
        %get3A_248 = tpu.vector_load %arg11[%get3A_246, %get3A_247] {strides = array<i32>} : memref<256x64xf32, #tpu.memory_space<vmem>>, vector<16xf32>,
        %mul3A_249 = arith.mulf %get3A_89, %get3A_248 : vector<16xf32>
        %add3A_250 = arith.addf %add3A_245, %mul3A_249 : vector<16xf32>
        %get3A_251 = arith.index_cast %add3A_236 : i32 to index
        %get3A_252 = arith.constant 48 : index
        %get3A_253 = tpu.vector_load %arg11[%get3A_251, %get3A_252] {strides = array<i32>} : memref<256x64xf32, #tpu.memory_space<vmem>>, vector<16xf32>,
        %mul3A_254 = arith.mulf %get3A_92, %get3A_253 : vector<16xf32>
        %add3A_255 = arith.addf %add3A_250, %mul3A_254 : vector<16xf32>
        %broadcast_in_dim3A_256 = arith.constant 6 : i32
        %broadcast_in_dim3A_257 = vector.broadcast %broadcast_in_dim3A_256 : i32 to vector<16xi32>
        tpu.vector_store_idx %arg13[%iota3A, %broadcast_in_dim3A_257], %add3A_255 : memref<16x16xf32, #tpu.memory_space<vmem>>[vector<16xi32>, vector<16xi32>], vector<16xf32>,
        %add3A_258 = arith.constant 7 : i32
        %add3A_259 = arith.addi %add3A_96, %add3A_258 : i32
        %get3A_260 = arith.index_cast %add3A_259 : i32 to index
        %get3A_261 = arith.constant 0 : index
        %get3A_262 = tpu.vector_load %arg11[%get3A_260, %get3A_261] {strides = array<i32>} : memref<256x64xf32, #tpu.memory_space<vmem>>, vector<16xf32>,
        %mul3A_263 = arith.mulf %get3A_83, %get3A_262 : vector<16xf32>
        %get3A_264 = arith.index_cast %add3A_259 : i32 to index
        %get3A_265 = arith.constant 16 : index
        %get3A_266 = tpu.vector_load %arg11[%get3A_264, %get3A_265] {strides = array<i32>} : memref<256x64xf32, #tpu.memory_space<vmem>>, vector<16xf32>,
        %mul3A_267 = arith.mulf %get3A_86, %get3A_266 : vector<16xf32>
        %add3A_268 = arith.addf %mul3A_263, %mul3A_267 : vector<16xf32>
        %get3A_269 = arith.index_cast %add3A_259 : i32 to index
        %get3A_270 = arith.constant 32 : index
        %get3A_271 = tpu.vector_load %arg11[%get3A_269, %get3A_270] {strides = array<i32>} : memref<256x64xf32, #tpu.memory_space<vmem>>, vector<16xf32>,
        %mul3A_272 = arith.mulf %get3A_89, %get3A_271 : vector<16xf32>
        %add3A_273 = arith.addf %add3A_268, %mul3A_272 : vector<16xf32>
        %get3A_274 = arith.index_cast %add3A_259 : i32 to index
        %get3A_275 = arith.constant 48 : index
        %get3A_276 = tpu.vector_load %arg11[%get3A_274, %get3A_275] {strides = array<i32>} : memref<256x64xf32, #tpu.memory_space<vmem>>, vector<16xf32>,
        %mul3A_277 = arith.mulf %get3A_92, %get3A_276 : vector<16xf32>
        %add3A_278 = arith.addf %add3A_273, %mul3A_277 : vector<16xf32>
        %broadcast_in_dim3A_279 = arith.constant 7 : i32
        %broadcast_in_dim3A_280 = vector.broadcast %broadcast_in_dim3A_279 : i32 to vector<16xi32>
        tpu.vector_store_idx %arg13[%iota3A, %broadcast_in_dim3A_280], %add3A_278 : memref<16x16xf32, #tpu.memory_space<vmem>>[vector<16xi32>, vector<16xi32>], vector<16xf32>,
        %add3A_281 = arith.constant 8 : i32
        %add3A_282 = arith.addi %add3A_96, %add3A_281 : i32
        %get3A_283 = arith.index_cast %add3A_282 : i32 to index
        %get3A_284 = arith.constant 0 : index
        %get3A_285 = tpu.vector_load %arg11[%get3A_283, %get3A_284] {strides = array<i32>} : memref<256x64xf32, #tpu.memory_space<vmem>>, vector<16xf32>,
        %mul3A_286 = arith.mulf %get3A_83, %get3A_285 : vector<16xf32>
        %get3A_287 = arith.index_cast %add3A_282 : i32 to index
        %get3A_288 = arith.constant 16 : index
        %get3A_289 = tpu.vector_load %arg11[%get3A_287, %get3A_288] {strides = array<i32>} : memref<256x64xf32, #tpu.memory_space<vmem>>, vector<16xf32>,
        %mul3A_290 = arith.mulf %get3A_86, %get3A_289 : vector<16xf32>
        %add3A_291 = arith.addf %mul3A_286, %mul3A_290 : vector<16xf32>
        %get3A_292 = arith.index_cast %add3A_282 : i32 to index
        %get3A_293 = arith.constant 32 : index
        %get3A_294 = tpu.vector_load %arg11[%get3A_292, %get3A_293] {strides = array<i32>} : memref<256x64xf32, #tpu.memory_space<vmem>>, vector<16xf32>,
        %mul3A_295 = arith.mulf %get3A_89, %get3A_294 : vector<16xf32>
        %add3A_296 = arith.addf %add3A_291, %mul3A_295 : vector<16xf32>
        %get3A_297 = arith.index_cast %add3A_282 : i32 to index
        %get3A_298 = arith.constant 48 : index
        %get3A_299 = tpu.vector_load %arg11[%get3A_297, %get3A_298] {strides = array<i32>} : memref<256x64xf32, #tpu.memory_space<vmem>>, vector<16xf32>,
        %mul3A_300 = arith.mulf %get3A_92, %get3A_299 : vector<16xf32>
        %add3A_301 = arith.addf %add3A_296, %mul3A_300 : vector<16xf32>
        %broadcast_in_dim3A_302 = arith.constant 8 : i32
        %broadcast_in_dim3A_303 = vector.broadcast %broadcast_in_dim3A_302 : i32 to vector<16xi32>
        tpu.vector_store_idx %arg13[%iota3A, %broadcast_in_dim3A_303], %add3A_301 : memref<16x16xf32, #tpu.memory_space<vmem>>[vector<16xi32>, vector<16xi32>], vector<16xf32>,
        %add3A_304 = arith.constant 9 : i32
        %add3A_305 = arith.addi %add3A_96, %add3A_304 : i32
        %get3A_306 = arith.index_cast %add3A_305 : i32 to index
        %get3A_307 = arith.constant 0 : index
        %get3A_308 = tpu.vector_load %arg11[%get3A_306, %get3A_307] {strides = array<i32>} : memref<256x64xf32, #tpu.memory_space<vmem>>, vector<16xf32>,
        %mul3A_309 = arith.mulf %get3A_83, %get3A_308 : vector<16xf32>
        %get3A_310 = arith.index_cast %add3A_305 : i32 to index
        %get3A_311 = arith.constant 16 : index
        %get3A_312 = tpu.vector_load %arg11[%get3A_310, %get3A_311] {strides = array<i32>} : memref<256x64xf32, #tpu.memory_space<vmem>>, vector<16xf32>,
        %mul3A_313 = arith.mulf %get3A_86, %get3A_312 : vector<16xf32>
        %add3A_314 = arith.addf %mul3A_309, %mul3A_313 : vector<16xf32>
        %get3A_315 = arith.index_cast %add3A_305 : i32 to index
        %get3A_316 = arith.constant 32 : index
        %get3A_317 = tpu.vector_load %arg11[%get3A_315, %get3A_316] {strides = array<i32>} : memref<256x64xf32, #tpu.memory_space<vmem>>, vector<16xf32>,
        %mul3A_318 = arith.mulf %get3A_89, %get3A_317 : vector<16xf32>
        %add3A_319 = arith.addf %add3A_314, %mul3A_318 : vector<16xf32>
        %get3A_320 = arith.index_cast %add3A_305 : i32 to index
        %get3A_321 = arith.constant 48 : index
        %get3A_322 = tpu.vector_load %arg11[%get3A_320, %get3A_321] {strides = array<i32>} : memref<256x64xf32, #tpu.memory_space<vmem>>, vector<16xf32>,
        %mul3A_323 = arith.mulf %get3A_92, %get3A_322 : vector<16xf32>
        %add3A_324 = arith.addf %add3A_319, %mul3A_323 : vector<16xf32>
        %broadcast_in_dim3A_325 = arith.constant 9 : i32
        %broadcast_in_dim3A_326 = vector.broadcast %broadcast_in_dim3A_325 : i32 to vector<16xi32>
        tpu.vector_store_idx %arg13[%iota3A, %broadcast_in_dim3A_326], %add3A_324 : memref<16x16xf32, #tpu.memory_space<vmem>>[vector<16xi32>, vector<16xi32>], vector<16xf32>,
        %add3A_327 = arith.constant 10 : i32
        %add3A_328 = arith.addi %add3A_96, %add3A_327 : i32
        %get3A_329 = arith.index_cast %add3A_328 : i32 to index
        %get3A_330 = arith.constant 0 : index
        %get3A_331 = tpu.vector_load %arg11[%get3A_329, %get3A_330] {strides = array<i32>} : memref<256x64xf32, #tpu.memory_space<vmem>>, vector<16xf32>,
        %mul3A_332 = arith.mulf %get3A_83, %get3A_331 : vector<16xf32>
        %get3A_333 = arith.index_cast %add3A_328 : i32 to index
        %get3A_334 = arith.constant 16 : index
        %get3A_335 = tpu.vector_load %arg11[%get3A_333, %get3A_334] {strides = array<i32>} : memref<256x64xf32, #tpu.memory_space<vmem>>, vector<16xf32>,
        %mul3A_336 = arith.mulf %get3A_86, %get3A_335 : vector<16xf32>
        %add3A_337 = arith.addf %mul3A_332, %mul3A_336 : vector<16xf32>
        %get3A_338 = arith.index_cast %add3A_328 : i32 to index
        %get3A_339 = arith.constant 32 : index
        %get3A_340 = tpu.vector_load %arg11[%get3A_338, %get3A_339] {strides = array<i32>} : memref<256x64xf32, #tpu.memory_space<vmem>>, vector<16xf32>,
        %mul3A_341 = arith.mulf %get3A_89, %get3A_340 : vector<16xf32>
        %add3A_342 = arith.addf %add3A_337, %mul3A_341 : vector<16xf32>
        %get3A_343 = arith.index_cast %add3A_328 : i32 to index
        %get3A_344 = arith.constant 48 : index
        %get3A_345 = tpu.vector_load %arg11[%get3A_343, %get3A_344] {strides = array<i32>} : memref<256x64xf32, #tpu.memory_space<vmem>>, vector<16xf32>,
        %mul3A_346 = arith.mulf %get3A_92, %get3A_345 : vector<16xf32>
        %add3A_347 = arith.addf %add3A_342, %mul3A_346 : vector<16xf32>
        %broadcast_in_dim3A_348 = arith.constant 10 : i32
        %broadcast_in_dim3A_349 = vector.broadcast %broadcast_in_dim3A_348 : i32 to vector<16xi32>
        tpu.vector_store_idx %arg13[%iota3A, %broadcast_in_dim3A_349], %add3A_347 : memref<16x16xf32, #tpu.memory_space<vmem>>[vector<16xi32>, vector<16xi32>], vector<16xf32>,
        %add3A_350 = arith.constant 11 : i32
        %add3A_351 = arith.addi %add3A_96, %add3A_350 : i32
        %get3A_352 = arith.index_cast %add3A_351 : i32 to index
        %get3A_353 = arith.constant 0 : index
        %get3A_354 = tpu.vector_load %arg11[%get3A_352, %get3A_353] {strides = array<i32>} : memref<256x64xf32, #tpu.memory_space<vmem>>, vector<16xf32>,
        %mul3A_355 = arith.mulf %get3A_83, %get3A_354 : vector<16xf32>
        %get3A_356 = arith.index_cast %add3A_351 : i32 to index
        %get3A_357 = arith.constant 16 : index
        %get3A_358 = tpu.vector_load %arg11[%get3A_356, %get3A_357] {strides = array<i32>} : memref<256x64xf32, #tpu.memory_space<vmem>>, vector<16xf32>,
        %mul3A_359 = arith.mulf %get3A_86, %get3A_358 : vector<16xf32>
        %add3A_360 = arith.addf %mul3A_355, %mul3A_359 : vector<16xf32>
        %get3A_361 = arith.index_cast %add3A_351 : i32 to index
        %get3A_362 = arith.constant 32 : index
        %get3A_363 = tpu.vector_load %arg11[%get3A_361, %get3A_362] {strides = array<i32>} : memref<256x64xf32, #tpu.memory_space<vmem>>, vector<16xf32>,
        %mul3A_364 = arith.mulf %get3A_89, %get3A_363 : vector<16xf32>
        %add3A_365 = arith.addf %add3A_360, %mul3A_364 : vector<16xf32>
        %get3A_366 = arith.index_cast %add3A_351 : i32 to index
        %get3A_367 = arith.constant 48 : index
        %get3A_368 = tpu.vector_load %arg11[%get3A_366, %get3A_367] {strides = array<i32>} : memref<256x64xf32, #tpu.memory_space<vmem>>, vector<16xf32>,
        %mul3A_369 = arith.mulf %get3A_92, %get3A_368 : vector<16xf32>
        %add3A_370 = arith.addf %add3A_365, %mul3A_369 : vector<16xf32>
        %broadcast_in_dim3A_371 = arith.constant 11 : i32
        %broadcast_in_dim3A_372 = vector.broadcast %broadcast_in_dim3A_371 : i32 to vector<16xi32>
        tpu.vector_store_idx %arg13[%iota3A, %broadcast_in_dim3A_372], %add3A_370 : memref<16x16xf32, #tpu.memory_space<vmem>>[vector<16xi32>, vector<16xi32>], vector<16xf32>,
        %add3A_373 = arith.constant 12 : i32
        %add3A_374 = arith.addi %add3A_96, %add3A_373 : i32
        %get3A_375 = arith.index_cast %add3A_374 : i32 to index
        %get3A_376 = arith.constant 0 : index
        %get3A_377 = tpu.vector_load %arg11[%get3A_375, %get3A_376] {strides = array<i32>} : memref<256x64xf32, #tpu.memory_space<vmem>>, vector<16xf32>,
        %mul3A_378 = arith.mulf %get3A_83, %get3A_377 : vector<16xf32>
        %get3A_379 = arith.index_cast %add3A_374 : i32 to index
        %get3A_380 = arith.constant 16 : index
        %get3A_381 = tpu.vector_load %arg11[%get3A_379, %get3A_380] {strides = array<i32>} : memref<256x64xf32, #tpu.memory_space<vmem>>, vector<16xf32>,
        %mul3A_382 = arith.mulf %get3A_86, %get3A_381 : vector<16xf32>
        %add3A_383 = arith.addf %mul3A_378, %mul3A_382 : vector<16xf32>
        %get3A_384 = arith.index_cast %add3A_374 : i32 to index
        %get3A_385 = arith.constant 32 : index
        %get3A_386 = tpu.vector_load %arg11[%get3A_384, %get3A_385] {strides = array<i32>} : memref<256x64xf32, #tpu.memory_space<vmem>>, vector<16xf32>,
        %mul3A_387 = arith.mulf %get3A_89, %get3A_386 : vector<16xf32>
        %add3A_388 = arith.addf %add3A_383, %mul3A_387 : vector<16xf32>
        %get3A_389 = arith.index_cast %add3A_374 : i32 to index
        %get3A_390 = arith.constant 48 : index
        %get3A_391 = tpu.vector_load %arg11[%get3A_389, %get3A_390] {strides = array<i32>} : memref<256x64xf32, #tpu.memory_space<vmem>>, vector<16xf32>,
        %mul3A_392 = arith.mulf %get3A_92, %get3A_391 : vector<16xf32>
        %add3A_393 = arith.addf %add3A_388, %mul3A_392 : vector<16xf32>
        %broadcast_in_dim3A_394 = arith.constant 12 : i32
        %broadcast_in_dim3A_395 = vector.broadcast %broadcast_in_dim3A_394 : i32 to vector<16xi32>
        tpu.vector_store_idx %arg13[%iota3A, %broadcast_in_dim3A_395], %add3A_393 : memref<16x16xf32, #tpu.memory_space<vmem>>[vector<16xi32>, vector<16xi32>], vector<16xf32>,
        %add3A_396 = arith.constant 13 : i32
        %add3A_397 = arith.addi %add3A_96, %add3A_396 : i32
        %get3A_398 = arith.index_cast %add3A_397 : i32 to index
        %get3A_399 = arith.constant 0 : index
        %get3A_400 = tpu.vector_load %arg11[%get3A_398, %get3A_399] {strides = array<i32>} : memref<256x64xf32, #tpu.memory_space<vmem>>, vector<16xf32>,
        %mul3A_401 = arith.mulf %get3A_83, %get3A_400 : vector<16xf32>
        %get3A_402 = arith.index_cast %add3A_397 : i32 to index
        %get3A_403 = arith.constant 16 : index
        %get3A_404 = tpu.vector_load %arg11[%get3A_402, %get3A_403] {strides = array<i32>} : memref<256x64xf32, #tpu.memory_space<vmem>>, vector<16xf32>,
        %mul3A_405 = arith.mulf %get3A_86, %get3A_404 : vector<16xf32>
        %add3A_406 = arith.addf %mul3A_401, %mul3A_405 : vector<16xf32>
        %get3A_407 = arith.index_cast %add3A_397 : i32 to index
        %get3A_408 = arith.constant 32 : index
        %get3A_409 = tpu.vector_load %arg11[%get3A_407, %get3A_408] {strides = array<i32>} : memref<256x64xf32, #tpu.memory_space<vmem>>, vector<16xf32>,
        %mul3A_410 = arith.mulf %get3A_89, %get3A_409 : vector<16xf32>
        %add3A_411 = arith.addf %add3A_406, %mul3A_410 : vector<16xf32>
        %get3A_412 = arith.index_cast %add3A_397 : i32 to index
        %get3A_413 = arith.constant 48 : index
        %get3A_414 = tpu.vector_load %arg11[%get3A_412, %get3A_413] {strides = array<i32>} : memref<256x64xf32, #tpu.memory_space<vmem>>, vector<16xf32>,
        %mul3A_415 = arith.mulf %get3A_92, %get3A_414 : vector<16xf32>
        %add3A_416 = arith.addf %add3A_411, %mul3A_415 : vector<16xf32>
        %broadcast_in_dim3A_417 = arith.constant 13 : i32
        %broadcast_in_dim3A_418 = vector.broadcast %broadcast_in_dim3A_417 : i32 to vector<16xi32>
        tpu.vector_store_idx %arg13[%iota3A, %broadcast_in_dim3A_418], %add3A_416 : memref<16x16xf32, #tpu.memory_space<vmem>>[vector<16xi32>, vector<16xi32>], vector<16xf32>,
        %add3A_419 = arith.constant 14 : i32
        %add3A_420 = arith.addi %add3A_96, %add3A_419 : i32
        %get3A_421 = arith.index_cast %add3A_420 : i32 to index
        %get3A_422 = arith.constant 0 : index
        %get3A_423 = tpu.vector_load %arg11[%get3A_421, %get3A_422] {strides = array<i32>} : memref<256x64xf32, #tpu.memory_space<vmem>>, vector<16xf32>,
        %mul3A_424 = arith.mulf %get3A_83, %get3A_423 : vector<16xf32>
        %get3A_425 = arith.index_cast %add3A_420 : i32 to index
        %get3A_426 = arith.constant 16 : index
        %get3A_427 = tpu.vector_load %arg11[%get3A_425, %get3A_426] {strides = array<i32>} : memref<256x64xf32, #tpu.memory_space<vmem>>, vector<16xf32>,
        %mul3A_428 = arith.mulf %get3A_86, %get3A_427 : vector<16xf32>
        %add3A_429 = arith.addf %mul3A_424, %mul3A_428 : vector<16xf32>
        %get3A_430 = arith.index_cast %add3A_420 : i32 to index
        %get3A_431 = arith.constant 32 : index
        %get3A_432 = tpu.vector_load %arg11[%get3A_430, %get3A_431] {strides = array<i32>} : memref<256x64xf32, #tpu.memory_space<vmem>>, vector<16xf32>,
        %mul3A_433 = arith.mulf %get3A_89, %get3A_432 : vector<16xf32>
        %add3A_434 = arith.addf %add3A_429, %mul3A_433 : vector<16xf32>
        %get3A_435 = arith.index_cast %add3A_420 : i32 to index
        %get3A_436 = arith.constant 48 : index
        %get3A_437 = tpu.vector_load %arg11[%get3A_435, %get3A_436] {strides = array<i32>} : memref<256x64xf32, #tpu.memory_space<vmem>>, vector<16xf32>,
        %mul3A_438 = arith.mulf %get3A_92, %get3A_437 : vector<16xf32>
        %add3A_439 = arith.addf %add3A_434, %mul3A_438 : vector<16xf32>
        %broadcast_in_dim3A_440 = arith.constant 14 : i32
        %broadcast_in_dim3A_441 = vector.broadcast %broadcast_in_dim3A_440 : i32 to vector<16xi32>
        tpu.vector_store_idx %arg13[%iota3A, %broadcast_in_dim3A_441], %add3A_439 : memref<16x16xf32, #tpu.memory_space<vmem>>[vector<16xi32>, vector<16xi32>], vector<16xf32>,
        %add3A_442 = arith.constant 15 : i32
        %add3A_443 = arith.addi %add3A_96, %add3A_442 : i32
        %get3A_444 = arith.index_cast %add3A_443 : i32 to index
        %get3A_445 = arith.constant 0 : index
        %get3A_446 = tpu.vector_load %arg11[%get3A_444, %get3A_445] {strides = array<i32>} : memref<256x64xf32, #tpu.memory_space<vmem>>, vector<16xf32>,
        %mul3A_447 = arith.mulf %get3A_83, %get3A_446 : vector<16xf32>
        %get3A_448 = arith.index_cast %add3A_443 : i32 to index
        %get3A_449 = arith.constant 16 : index
        %get3A_450 = tpu.vector_load %arg11[%get3A_448, %get3A_449] {strides = array<i32>} : memref<256x64xf32, #tpu.memory_space<vmem>>, vector<16xf32>,
        %mul3A_451 = arith.mulf %get3A_86, %get3A_450 : vector<16xf32>
        %add3A_452 = arith.addf %mul3A_447, %mul3A_451 : vector<16xf32>
        %get3A_453 = arith.index_cast %add3A_443 : i32 to index
        %get3A_454 = arith.constant 32 : index
        %get3A_455 = tpu.vector_load %arg11[%get3A_453, %get3A_454] {strides = array<i32>} : memref<256x64xf32, #tpu.memory_space<vmem>>, vector<16xf32>,
        %mul3A_456 = arith.mulf %get3A_89, %get3A_455 : vector<16xf32>
        %add3A_457 = arith.addf %add3A_452, %mul3A_456 : vector<16xf32>
        %get3A_458 = arith.index_cast %add3A_443 : i32 to index
        %get3A_459 = arith.constant 48 : index
        %get3A_460 = tpu.vector_load %arg11[%get3A_458, %get3A_459] {strides = array<i32>} : memref<256x64xf32, #tpu.memory_space<vmem>>, vector<16xf32>,
        %mul3A_461 = arith.mulf %get3A_92, %get3A_460 : vector<16xf32>
        %add3A_462 = arith.addf %add3A_457, %mul3A_461 : vector<16xf32>
        %broadcast_in_dim3A_463 = arith.constant 15 : i32
        %broadcast_in_dim3A_464 = vector.broadcast %broadcast_in_dim3A_463 : i32 to vector<16xi32>
        tpu.vector_store_idx %arg13[%iota3A, %broadcast_in_dim3A_464], %add3A_462 : memref<16x16xf32, #tpu.memory_space<vmem>>[vector<16xi32>, vector<16xi32>], vector<16xf32>,
        %get3A_465 = arith.constant 0 : i32
        %get3A_466 = arith.index_cast %get3A_465 : i32 to index
        %get3A_467 = arith.constant 0 : index
        %get3A_468 = tpu.vector_load %arg13[%get3A_466, %get3A_467] {strides = array<i32>} : memref<16x16xf32, #tpu.memory_space<vmem>>, vector<16xf32>,
        %get3A_469 = arith.constant 1 : i32
        %get3A_470 = arith.index_cast %get3A_469 : i32 to index
        %get3A_471 = arith.constant 0 : index
        %get3A_472 = tpu.vector_load %arg13[%get3A_470, %get3A_471] {strides = array<i32>} : memref<16x16xf32, #tpu.memory_space<vmem>>, vector<16xf32>,
        %add3A_473 = arith.addf %get3A_468, %get3A_472 : vector<16xf32>
        %get3A_474 = arith.constant 2 : i32
        %get3A_475 = arith.index_cast %get3A_474 : i32 to index
        %get3A_476 = arith.constant 0 : index
        %get3A_477 = tpu.vector_load %arg13[%get3A_475, %get3A_476] {strides = array<i32>} : memref<16x16xf32, #tpu.memory_space<vmem>>, vector<16xf32>,
        %add3A_478 = arith.addf %add3A_473, %get3A_477 : vector<16xf32>
        %get3A_479 = arith.constant 3 : i32
        %get3A_480 = arith.index_cast %get3A_479 : i32 to index
        %get3A_481 = arith.constant 0 : index
        %get3A_482 = tpu.vector_load %arg13[%get3A_480, %get3A_481] {strides = array<i32>} : memref<16x16xf32, #tpu.memory_space<vmem>>, vector<16xf32>,
        %add3A_483 = arith.addf %add3A_478, %get3A_482 : vector<16xf32>
        %get3A_484 = arith.constant 4 : i32
        %get3A_485 = arith.index_cast %get3A_484 : i32 to index
        %get3A_486 = arith.constant 0 : index
        %get3A_487 = tpu.vector_load %arg13[%get3A_485, %get3A_486] {strides = array<i32>} : memref<16x16xf32, #tpu.memory_space<vmem>>, vector<16xf32>,
        %add3A_488 = arith.addf %add3A_483, %get3A_487 : vector<16xf32>
        %get3A_489 = arith.constant 5 : i32
        %get3A_490 = arith.index_cast %get3A_489 : i32 to index
        %get3A_491 = arith.constant 0 : index
        %get3A_492 = tpu.vector_load %arg13[%get3A_490, %get3A_491] {strides = array<i32>} : memref<16x16xf32, #tpu.memory_space<vmem>>, vector<16xf32>,
        %add3A_493 = arith.addf %add3A_488, %get3A_492 : vector<16xf32>
        %get3A_494 = arith.constant 6 : i32
        %get3A_495 = arith.index_cast %get3A_494 : i32 to index
        %get3A_496 = arith.constant 0 : index
        %get3A_497 = tpu.vector_load %arg13[%get3A_495, %get3A_496] {strides = array<i32>} : memref<16x16xf32, #tpu.memory_space<vmem>>, vector<16xf32>,
        %add3A_498 = arith.addf %add3A_493, %get3A_497 : vector<16xf32>
        %get3A_499 = arith.constant 7 : i32
        %get3A_500 = arith.index_cast %get3A_499 : i32 to index
        %get3A_501 = arith.constant 0 : index
        %get3A_502 = tpu.vector_load %arg13[%get3A_500, %get3A_501] {strides = array<i32>} : memref<16x16xf32, #tpu.memory_space<vmem>>, vector<16xf32>,
        %add3A_503 = arith.addf %add3A_498, %get3A_502 : vector<16xf32>
        %get3A_504 = arith.constant 8 : i32
        %get3A_505 = arith.index_cast %get3A_504 : i32 to index
        %get3A_506 = arith.constant 0 : index
        %get3A_507 = tpu.vector_load %arg13[%get3A_505, %get3A_506] {strides = array<i32>} : memref<16x16xf32, #tpu.memory_space<vmem>>, vector<16xf32>,
        %add3A_508 = arith.addf %add3A_503, %get3A_507 : vector<16xf32>
        %get3A_509 = arith.constant 9 : i32
        %get3A_510 = arith.index_cast %get3A_509 : i32 to index
        %get3A_511 = arith.constant 0 : index
        %get3A_512 = tpu.vector_load %arg13[%get3A_510, %get3A_511] {strides = array<i32>} : memref<16x16xf32, #tpu.memory_space<vmem>>, vector<16xf32>,
        %add3A_513 = arith.addf %add3A_508, %get3A_512 : vector<16xf32>
        %get3A_514 = arith.constant 10 : i32
        %get3A_515 = arith.index_cast %get3A_514 : i32 to index
        %get3A_516 = arith.constant 0 : index
        %get3A_517 = tpu.vector_load %arg13[%get3A_515, %get3A_516] {strides = array<i32>} : memref<16x16xf32, #tpu.memory_space<vmem>>, vector<16xf32>,
        %add3A_518 = arith.addf %add3A_513, %get3A_517 : vector<16xf32>
        %get3A_519 = arith.constant 11 : i32
        %get3A_520 = arith.index_cast %get3A_519 : i32 to index
        %get3A_521 = arith.constant 0 : index
        %get3A_522 = tpu.vector_load %arg13[%get3A_520, %get3A_521] {strides = array<i32>} : memref<16x16xf32, #tpu.memory_space<vmem>>, vector<16xf32>,
        %add3A_523 = arith.addf %add3A_518, %get3A_522 : vector<16xf32>
        %get3A_524 = arith.constant 12 : i32
        %get3A_525 = arith.index_cast %get3A_524 : i32 to index
        %get3A_526 = arith.constant 0 : index
        %get3A_527 = tpu.vector_load %arg13[%get3A_525, %get3A_526] {strides = array<i32>} : memref<16x16xf32, #tpu.memory_space<vmem>>, vector<16xf32>,
        %add3A_528 = arith.addf %add3A_523, %get3A_527 : vector<16xf32>
        %get3A_529 = arith.constant 13 : i32
        %get3A_530 = arith.index_cast %get3A_529 : i32 to index
        %get3A_531 = arith.constant 0 : index
        %get3A_532 = tpu.vector_load %arg13[%get3A_530, %get3A_531] {strides = array<i32>} : memref<16x16xf32, #tpu.memory_space<vmem>>, vector<16xf32>,
        %add3A_533 = arith.addf %add3A_528, %get3A_532 : vector<16xf32>
        %get3A_534 = arith.constant 14 : i32
        %get3A_535 = arith.index_cast %get3A_534 : i32 to index
        %get3A_536 = arith.constant 0 : index
        %get3A_537 = tpu.vector_load %arg13[%get3A_535, %get3A_536] {strides = array<i32>} : memref<16x16xf32, #tpu.memory_space<vmem>>, vector<16xf32>,
        %add3A_538 = arith.addf %add3A_533, %get3A_537 : vector<16xf32>
        %get3A_539 = arith.constant 15 : i32
        %get3A_540 = arith.index_cast %get3A_539 : i32 to index
        %get3A_541 = arith.constant 0 : index
        %get3A_542 = tpu.vector_load %arg13[%get3A_540, %get3A_541] {strides = array<i32>} : memref<16x16xf32, #tpu.memory_space<vmem>>, vector<16xf32>,
        %add3A_543 = arith.addf %add3A_538, %get3A_542 : vector<16xf32>
        %mul3A_544 = arith.constant 8 : i32
        %mul3A_545 = arith.muli %mul3A_20, %mul3A_544 : i32
        %mul3A_546 = arith.constant 32 : i32
        %mul3A_547 = arith.muli %mul3A_545, %mul3A_546 : i32
        %add3A_548 = arith.addi %mul3A_547, %add3A_96 : i32
        %get3A_549 = arith.index_cast %add3A_548 : i32 to index
        %get3A_550 = tpu.vector_load %arg8[%get3A_549] {strides = array<i32>} : memref<16384xi32, #tpu.memory_space<vmem>>, vector<16xi32>,
        %lt3A_551 = arith.constant 10 : i32
        %lt3A_552 = vector.broadcast %lt3A_551 : i32 to vector<16xi32>
        %lt3A_553 = arith.cmpi slt, %iota3A, %lt3A_552 : vector<16xi32>
        %eq3A = arith.constant 0 : i32
        %eq3A_554 = vector.broadcast %eq3A : i32 to vector<16xi32>
        %eq3A_555 = arith.cmpi eq, %get3A_550, %eq3A_554 : vector<16xi32>
        %and3A = arith.andi %lt3A_553, %eq3A_555 : vector<16xi1>
        %mul3A_556 = arith.mulf %add3A_543, %select_n3A : vector<16xf32>
        %jit3A_557 = arith.constant 1.000000e+02 : f32
        %broadcast_in_dim3A_558 = vector.broadcast %jit3A_557 : f32 to vector<16xf32>
        %select_n3A_559 = arith.select %and3A, %broadcast_in_dim3A_558, %mul3A_556 : vector<16xi1>, vector<16xf32>
        %swap3A = arith.index_cast %add3A_548 : i32 to index
        %swap3A_560 = tpu.vector_load %arg14[%swap3A] {strides = array<i32>} : memref<16384xf32, #tpu.memory_space<vmem>>, vector<16xf32>,
        tpu.vector_store %arg14[%swap3A], %select_n3A_559 {strides = array<i32>} : memref<16384xf32, #tpu.memory_space<vmem>>, vector<16xf32>,
        %mul3A_561 = arith.constant 32 : i32
        %mul3A_562 = arith.muli %scan3A_81, %mul3A_561 : i32
        %add3A_563 = arith.constant 16 : i32
        %add3A_564 = arith.addi %mul3A_562, %add3A_563 : i32
        %add3A_565 = arith.constant 0 : i32
        %add3A_566 = arith.addi %add3A_564, %add3A_565 : i32
        %get3A_567 = arith.index_cast %add3A_566 : i32 to index
        %get3A_568 = arith.constant 0 : index
        %get3A_569 = tpu.vector_load %arg11[%get3A_567, %get3A_568] {strides = array<i32>} : memref<256x64xf32, #tpu.memory_space<vmem>>, vector<16xf32>,
        %mul3A_570 = arith.mulf %get3A_83, %get3A_569 : vector<16xf32>
        %get3A_571 = arith.index_cast %add3A_566 : i32 to index
        %get3A_572 = arith.constant 16 : index
        %get3A_573 = tpu.vector_load %arg11[%get3A_571, %get3A_572] {strides = array<i32>} : memref<256x64xf32, #tpu.memory_space<vmem>>, vector<16xf32>,
        %mul3A_574 = arith.mulf %get3A_86, %get3A_573 : vector<16xf32>
        %add3A_575 = arith.addf %mul3A_570, %mul3A_574 : vector<16xf32>
        %get3A_576 = arith.index_cast %add3A_566 : i32 to index
        %get3A_577 = arith.constant 32 : index
        %get3A_578 = tpu.vector_load %arg11[%get3A_576, %get3A_577] {strides = array<i32>} : memref<256x64xf32, #tpu.memory_space<vmem>>, vector<16xf32>,
        %mul3A_579 = arith.mulf %get3A_89, %get3A_578 : vector<16xf32>
        %add3A_580 = arith.addf %add3A_575, %mul3A_579 : vector<16xf32>
        %get3A_581 = arith.index_cast %add3A_566 : i32 to index
        %get3A_582 = arith.constant 48 : index
        %get3A_583 = tpu.vector_load %arg11[%get3A_581, %get3A_582] {strides = array<i32>} : memref<256x64xf32, #tpu.memory_space<vmem>>, vector<16xf32>,
        %mul3A_584 = arith.mulf %get3A_92, %get3A_583 : vector<16xf32>
        %add3A_585 = arith.addf %add3A_580, %mul3A_584 : vector<16xf32>
        %broadcast_in_dim3A_586 = arith.constant 0 : i32
        %broadcast_in_dim3A_587 = vector.broadcast %broadcast_in_dim3A_586 : i32 to vector<16xi32>
        tpu.vector_store_idx %arg13[%iota3A, %broadcast_in_dim3A_587], %add3A_585 : memref<16x16xf32, #tpu.memory_space<vmem>>[vector<16xi32>, vector<16xi32>], vector<16xf32>,
        %add3A_588 = arith.constant 1 : i32
        %add3A_589 = arith.addi %add3A_564, %add3A_588 : i32
        %get3A_590 = arith.index_cast %add3A_589 : i32 to index
        %get3A_591 = arith.constant 0 : index
        %get3A_592 = tpu.vector_load %arg11[%get3A_590, %get3A_591] {strides = array<i32>} : memref<256x64xf32, #tpu.memory_space<vmem>>, vector<16xf32>,
        %mul3A_593 = arith.mulf %get3A_83, %get3A_592 : vector<16xf32>
        %get3A_594 = arith.index_cast %add3A_589 : i32 to index
        %get3A_595 = arith.constant 16 : index
        %get3A_596 = tpu.vector_load %arg11[%get3A_594, %get3A_595] {strides = array<i32>} : memref<256x64xf32, #tpu.memory_space<vmem>>, vector<16xf32>,
        %mul3A_597 = arith.mulf %get3A_86, %get3A_596 : vector<16xf32>
        %add3A_598 = arith.addf %mul3A_593, %mul3A_597 : vector<16xf32>
        %get3A_599 = arith.index_cast %add3A_589 : i32 to index
        %get3A_600 = arith.constant 32 : index
        %get3A_601 = tpu.vector_load %arg11[%get3A_599, %get3A_600] {strides = array<i32>} : memref<256x64xf32, #tpu.memory_space<vmem>>, vector<16xf32>,
        %mul3A_602 = arith.mulf %get3A_89, %get3A_601 : vector<16xf32>
        %add3A_603 = arith.addf %add3A_598, %mul3A_602 : vector<16xf32>
        %get3A_604 = arith.index_cast %add3A_589 : i32 to index
        %get3A_605 = arith.constant 48 : index
        %get3A_606 = tpu.vector_load %arg11[%get3A_604, %get3A_605] {strides = array<i32>} : memref<256x64xf32, #tpu.memory_space<vmem>>, vector<16xf32>,
        %mul3A_607 = arith.mulf %get3A_92, %get3A_606 : vector<16xf32>
        %add3A_608 = arith.addf %add3A_603, %mul3A_607 : vector<16xf32>
        %broadcast_in_dim3A_609 = arith.constant 1 : i32
        %broadcast_in_dim3A_610 = vector.broadcast %broadcast_in_dim3A_609 : i32 to vector<16xi32>
        tpu.vector_store_idx %arg13[%iota3A, %broadcast_in_dim3A_610], %add3A_608 : memref<16x16xf32, #tpu.memory_space<vmem>>[vector<16xi32>, vector<16xi32>], vector<16xf32>,
        %add3A_611 = arith.constant 2 : i32
        %add3A_612 = arith.addi %add3A_564, %add3A_611 : i32
        %get3A_613 = arith.index_cast %add3A_612 : i32 to index
        %get3A_614 = arith.constant 0 : index
        %get3A_615 = tpu.vector_load %arg11[%get3A_613, %get3A_614] {strides = array<i32>} : memref<256x64xf32, #tpu.memory_space<vmem>>, vector<16xf32>,
        %mul3A_616 = arith.mulf %get3A_83, %get3A_615 : vector<16xf32>
        %get3A_617 = arith.index_cast %add3A_612 : i32 to index
        %get3A_618 = arith.constant 16 : index
        %get3A_619 = tpu.vector_load %arg11[%get3A_617, %get3A_618] {strides = array<i32>} : memref<256x64xf32, #tpu.memory_space<vmem>>, vector<16xf32>,
        %mul3A_620 = arith.mulf %get3A_86, %get3A_619 : vector<16xf32>
        %add3A_621 = arith.addf %mul3A_616, %mul3A_620 : vector<16xf32>
        %get3A_622 = arith.index_cast %add3A_612 : i32 to index
        %get3A_623 = arith.constant 32 : index
        %get3A_624 = tpu.vector_load %arg11[%get3A_622, %get3A_623] {strides = array<i32>} : memref<256x64xf32, #tpu.memory_space<vmem>>, vector<16xf32>,
        %mul3A_625 = arith.mulf %get3A_89, %get3A_624 : vector<16xf32>
        %add3A_626 = arith.addf %add3A_621, %mul3A_625 : vector<16xf32>
        %get3A_627 = arith.index_cast %add3A_612 : i32 to index
        %get3A_628 = arith.constant 48 : index
        %get3A_629 = tpu.vector_load %arg11[%get3A_627, %get3A_628] {strides = array<i32>} : memref<256x64xf32, #tpu.memory_space<vmem>>, vector<16xf32>,
        %mul3A_630 = arith.mulf %get3A_92, %get3A_629 : vector<16xf32>
        %add3A_631 = arith.addf %add3A_626, %mul3A_630 : vector<16xf32>
        %broadcast_in_dim3A_632 = arith.constant 2 : i32
        %broadcast_in_dim3A_633 = vector.broadcast %broadcast_in_dim3A_632 : i32 to vector<16xi32>
        tpu.vector_store_idx %arg13[%iota3A, %broadcast_in_dim3A_633], %add3A_631 : memref<16x16xf32, #tpu.memory_space<vmem>>[vector<16xi32>, vector<16xi32>], vector<16xf32>,
        %add3A_634 = arith.constant 3 : i32
        %add3A_635 = arith.addi %add3A_564, %add3A_634 : i32
        %get3A_636 = arith.index_cast %add3A_635 : i32 to index
        %get3A_637 = arith.constant 0 : index
        %get3A_638 = tpu.vector_load %arg11[%get3A_636, %get3A_637] {strides = array<i32>} : memref<256x64xf32, #tpu.memory_space<vmem>>, vector<16xf32>,
        %mul3A_639 = arith.mulf %get3A_83, %get3A_638 : vector<16xf32>
        %get3A_640 = arith.index_cast %add3A_635 : i32 to index
        %get3A_641 = arith.constant 16 : index
        %get3A_642 = tpu.vector_load %arg11[%get3A_640, %get3A_641] {strides = array<i32>} : memref<256x64xf32, #tpu.memory_space<vmem>>, vector<16xf32>,
        %mul3A_643 = arith.mulf %get3A_86, %get3A_642 : vector<16xf32>
        %add3A_644 = arith.addf %mul3A_639, %mul3A_643 : vector<16xf32>
        %get3A_645 = arith.index_cast %add3A_635 : i32 to index
        %get3A_646 = arith.constant 32 : index
        %get3A_647 = tpu.vector_load %arg11[%get3A_645, %get3A_646] {strides = array<i32>} : memref<256x64xf32, #tpu.memory_space<vmem>>, vector<16xf32>,
        %mul3A_648 = arith.mulf %get3A_89, %get3A_647 : vector<16xf32>
        %add3A_649 = arith.addf %add3A_644, %mul3A_648 : vector<16xf32>
        %get3A_650 = arith.index_cast %add3A_635 : i32 to index
        %get3A_651 = arith.constant 48 : index
        %get3A_652 = tpu.vector_load %arg11[%get3A_650, %get3A_651] {strides = array<i32>} : memref<256x64xf32, #tpu.memory_space<vmem>>, vector<16xf32>,
        %mul3A_653 = arith.mulf %get3A_92, %get3A_652 : vector<16xf32>
        %add3A_654 = arith.addf %add3A_649, %mul3A_653 : vector<16xf32>
        %broadcast_in_dim3A_655 = arith.constant 3 : i32
        %broadcast_in_dim3A_656 = vector.broadcast %broadcast_in_dim3A_655 : i32 to vector<16xi32>
        tpu.vector_store_idx %arg13[%iota3A, %broadcast_in_dim3A_656], %add3A_654 : memref<16x16xf32, #tpu.memory_space<vmem>>[vector<16xi32>, vector<16xi32>], vector<16xf32>,
        %add3A_657 = arith.constant 4 : i32
        %add3A_658 = arith.addi %add3A_564, %add3A_657 : i32
        %get3A_659 = arith.index_cast %add3A_658 : i32 to index
        %get3A_660 = arith.constant 0 : index
        %get3A_661 = tpu.vector_load %arg11[%get3A_659, %get3A_660] {strides = array<i32>} : memref<256x64xf32, #tpu.memory_space<vmem>>, vector<16xf32>,
        %mul3A_662 = arith.mulf %get3A_83, %get3A_661 : vector<16xf32>
        %get3A_663 = arith.index_cast %add3A_658 : i32 to index
        %get3A_664 = arith.constant 16 : index
        %get3A_665 = tpu.vector_load %arg11[%get3A_663, %get3A_664] {strides = array<i32>} : memref<256x64xf32, #tpu.memory_space<vmem>>, vector<16xf32>,
        %mul3A_666 = arith.mulf %get3A_86, %get3A_665 : vector<16xf32>
        %add3A_667 = arith.addf %mul3A_662, %mul3A_666 : vector<16xf32>
        %get3A_668 = arith.index_cast %add3A_658 : i32 to index
        %get3A_669 = arith.constant 32 : index
        %get3A_670 = tpu.vector_load %arg11[%get3A_668, %get3A_669] {strides = array<i32>} : memref<256x64xf32, #tpu.memory_space<vmem>>, vector<16xf32>,
        %mul3A_671 = arith.mulf %get3A_89, %get3A_670 : vector<16xf32>
        %add3A_672 = arith.addf %add3A_667, %mul3A_671 : vector<16xf32>
        %get3A_673 = arith.index_cast %add3A_658 : i32 to index
        %get3A_674 = arith.constant 48 : index
        %get3A_675 = tpu.vector_load %arg11[%get3A_673, %get3A_674] {strides = array<i32>} : memref<256x64xf32, #tpu.memory_space<vmem>>, vector<16xf32>,
        %mul3A_676 = arith.mulf %get3A_92, %get3A_675 : vector<16xf32>
        %add3A_677 = arith.addf %add3A_672, %mul3A_676 : vector<16xf32>
        %broadcast_in_dim3A_678 = arith.constant 4 : i32
        %broadcast_in_dim3A_679 = vector.broadcast %broadcast_in_dim3A_678 : i32 to vector<16xi32>
        tpu.vector_store_idx %arg13[%iota3A, %broadcast_in_dim3A_679], %add3A_677 : memref<16x16xf32, #tpu.memory_space<vmem>>[vector<16xi32>, vector<16xi32>], vector<16xf32>,
        %add3A_680 = arith.constant 5 : i32
        %add3A_681 = arith.addi %add3A_564, %add3A_680 : i32
        %get3A_682 = arith.index_cast %add3A_681 : i32 to index
        %get3A_683 = arith.constant 0 : index
        %get3A_684 = tpu.vector_load %arg11[%get3A_682, %get3A_683] {strides = array<i32>} : memref<256x64xf32, #tpu.memory_space<vmem>>, vector<16xf32>,
        %mul3A_685 = arith.mulf %get3A_83, %get3A_684 : vector<16xf32>
        %get3A_686 = arith.index_cast %add3A_681 : i32 to index
        %get3A_687 = arith.constant 16 : index
        %get3A_688 = tpu.vector_load %arg11[%get3A_686, %get3A_687] {strides = array<i32>} : memref<256x64xf32, #tpu.memory_space<vmem>>, vector<16xf32>,
        %mul3A_689 = arith.mulf %get3A_86, %get3A_688 : vector<16xf32>
        %add3A_690 = arith.addf %mul3A_685, %mul3A_689 : vector<16xf32>
        %get3A_691 = arith.index_cast %add3A_681 : i32 to index
        %get3A_692 = arith.constant 32 : index
        %get3A_693 = tpu.vector_load %arg11[%get3A_691, %get3A_692] {strides = array<i32>} : memref<256x64xf32, #tpu.memory_space<vmem>>, vector<16xf32>,
        %mul3A_694 = arith.mulf %get3A_89, %get3A_693 : vector<16xf32>
        %add3A_695 = arith.addf %add3A_690, %mul3A_694 : vector<16xf32>
        %get3A_696 = arith.index_cast %add3A_681 : i32 to index
        %get3A_697 = arith.constant 48 : index
        %get3A_698 = tpu.vector_load %arg11[%get3A_696, %get3A_697] {strides = array<i32>} : memref<256x64xf32, #tpu.memory_space<vmem>>, vector<16xf32>,
        %mul3A_699 = arith.mulf %get3A_92, %get3A_698 : vector<16xf32>
        %add3A_700 = arith.addf %add3A_695, %mul3A_699 : vector<16xf32>
        %broadcast_in_dim3A_701 = arith.constant 5 : i32
        %broadcast_in_dim3A_702 = vector.broadcast %broadcast_in_dim3A_701 : i32 to vector<16xi32>
        tpu.vector_store_idx %arg13[%iota3A, %broadcast_in_dim3A_702], %add3A_700 : memref<16x16xf32, #tpu.memory_space<vmem>>[vector<16xi32>, vector<16xi32>], vector<16xf32>,
        %add3A_703 = arith.constant 6 : i32
        %add3A_704 = arith.addi %add3A_564, %add3A_703 : i32
        %get3A_705 = arith.index_cast %add3A_704 : i32 to index
        %get3A_706 = arith.constant 0 : index
        %get3A_707 = tpu.vector_load %arg11[%get3A_705, %get3A_706] {strides = array<i32>} : memref<256x64xf32, #tpu.memory_space<vmem>>, vector<16xf32>,
        %mul3A_708 = arith.mulf %get3A_83, %get3A_707 : vector<16xf32>
        %get3A_709 = arith.index_cast %add3A_704 : i32 to index
        %get3A_710 = arith.constant 16 : index
        %get3A_711 = tpu.vector_load %arg11[%get3A_709, %get3A_710] {strides = array<i32>} : memref<256x64xf32, #tpu.memory_space<vmem>>, vector<16xf32>,
        %mul3A_712 = arith.mulf %get3A_86, %get3A_711 : vector<16xf32>
        %add3A_713 = arith.addf %mul3A_708, %mul3A_712 : vector<16xf32>
        %get3A_714 = arith.index_cast %add3A_704 : i32 to index
        %get3A_715 = arith.constant 32 : index
        %get3A_716 = tpu.vector_load %arg11[%get3A_714, %get3A_715] {strides = array<i32>} : memref<256x64xf32, #tpu.memory_space<vmem>>, vector<16xf32>,
        %mul3A_717 = arith.mulf %get3A_89, %get3A_716 : vector<16xf32>
        %add3A_718 = arith.addf %add3A_713, %mul3A_717 : vector<16xf32>
        %get3A_719 = arith.index_cast %add3A_704 : i32 to index
        %get3A_720 = arith.constant 48 : index
        %get3A_721 = tpu.vector_load %arg11[%get3A_719, %get3A_720] {strides = array<i32>} : memref<256x64xf32, #tpu.memory_space<vmem>>, vector<16xf32>,
        %mul3A_722 = arith.mulf %get3A_92, %get3A_721 : vector<16xf32>
        %add3A_723 = arith.addf %add3A_718, %mul3A_722 : vector<16xf32>
        %broadcast_in_dim3A_724 = arith.constant 6 : i32
        %broadcast_in_dim3A_725 = vector.broadcast %broadcast_in_dim3A_724 : i32 to vector<16xi32>
        tpu.vector_store_idx %arg13[%iota3A, %broadcast_in_dim3A_725], %add3A_723 : memref<16x16xf32, #tpu.memory_space<vmem>>[vector<16xi32>, vector<16xi32>], vector<16xf32>,
        %add3A_726 = arith.constant 7 : i32
        %add3A_727 = arith.addi %add3A_564, %add3A_726 : i32
        %get3A_728 = arith.index_cast %add3A_727 : i32 to index
        %get3A_729 = arith.constant 0 : index
        %get3A_730 = tpu.vector_load %arg11[%get3A_728, %get3A_729] {strides = array<i32>} : memref<256x64xf32, #tpu.memory_space<vmem>>, vector<16xf32>,
        %mul3A_731 = arith.mulf %get3A_83, %get3A_730 : vector<16xf32>
        %get3A_732 = arith.index_cast %add3A_727 : i32 to index
        %get3A_733 = arith.constant 16 : index
        %get3A_734 = tpu.vector_load %arg11[%get3A_732, %get3A_733] {strides = array<i32>} : memref<256x64xf32, #tpu.memory_space<vmem>>, vector<16xf32>,
        %mul3A_735 = arith.mulf %get3A_86, %get3A_734 : vector<16xf32>
        %add3A_736 = arith.addf %mul3A_731, %mul3A_735 : vector<16xf32>
        %get3A_737 = arith.index_cast %add3A_727 : i32 to index
        %get3A_738 = arith.constant 32 : index
        %get3A_739 = tpu.vector_load %arg11[%get3A_737, %get3A_738] {strides = array<i32>} : memref<256x64xf32, #tpu.memory_space<vmem>>, vector<16xf32>,
        %mul3A_740 = arith.mulf %get3A_89, %get3A_739 : vector<16xf32>
        %add3A_741 = arith.addf %add3A_736, %mul3A_740 : vector<16xf32>
        %get3A_742 = arith.index_cast %add3A_727 : i32 to index
        %get3A_743 = arith.constant 48 : index
        %get3A_744 = tpu.vector_load %arg11[%get3A_742, %get3A_743] {strides = array<i32>} : memref<256x64xf32, #tpu.memory_space<vmem>>, vector<16xf32>,
        %mul3A_745 = arith.mulf %get3A_92, %get3A_744 : vector<16xf32>
        %add3A_746 = arith.addf %add3A_741, %mul3A_745 : vector<16xf32>
        %broadcast_in_dim3A_747 = arith.constant 7 : i32
        %broadcast_in_dim3A_748 = vector.broadcast %broadcast_in_dim3A_747 : i32 to vector<16xi32>
        tpu.vector_store_idx %arg13[%iota3A, %broadcast_in_dim3A_748], %add3A_746 : memref<16x16xf32, #tpu.memory_space<vmem>>[vector<16xi32>, vector<16xi32>], vector<16xf32>,
        %add3A_749 = arith.constant 8 : i32
        %add3A_750 = arith.addi %add3A_564, %add3A_749 : i32
        %get3A_751 = arith.index_cast %add3A_750 : i32 to index
        %get3A_752 = arith.constant 0 : index
        %get3A_753 = tpu.vector_load %arg11[%get3A_751, %get3A_752] {strides = array<i32>} : memref<256x64xf32, #tpu.memory_space<vmem>>, vector<16xf32>,
        %mul3A_754 = arith.mulf %get3A_83, %get3A_753 : vector<16xf32>
        %get3A_755 = arith.index_cast %add3A_750 : i32 to index
        %get3A_756 = arith.constant 16 : index
        %get3A_757 = tpu.vector_load %arg11[%get3A_755, %get3A_756] {strides = array<i32>} : memref<256x64xf32, #tpu.memory_space<vmem>>, vector<16xf32>,
        %mul3A_758 = arith.mulf %get3A_86, %get3A_757 : vector<16xf32>
        %add3A_759 = arith.addf %mul3A_754, %mul3A_758 : vector<16xf32>
        %get3A_760 = arith.index_cast %add3A_750 : i32 to index
        %get3A_761 = arith.constant 32 : index
        %get3A_762 = tpu.vector_load %arg11[%get3A_760, %get3A_761] {strides = array<i32>} : memref<256x64xf32, #tpu.memory_space<vmem>>, vector<16xf32>,
        %mul3A_763 = arith.mulf %get3A_89, %get3A_762 : vector<16xf32>
        %add3A_764 = arith.addf %add3A_759, %mul3A_763 : vector<16xf32>
        %get3A_765 = arith.index_cast %add3A_750 : i32 to index
        %get3A_766 = arith.constant 48 : index
        %get3A_767 = tpu.vector_load %arg11[%get3A_765, %get3A_766] {strides = array<i32>} : memref<256x64xf32, #tpu.memory_space<vmem>>, vector<16xf32>,
        %mul3A_768 = arith.mulf %get3A_92, %get3A_767 : vector<16xf32>
        %add3A_769 = arith.addf %add3A_764, %mul3A_768 : vector<16xf32>
        %broadcast_in_dim3A_770 = arith.constant 8 : i32
        %broadcast_in_dim3A_771 = vector.broadcast %broadcast_in_dim3A_770 : i32 to vector<16xi32>
        tpu.vector_store_idx %arg13[%iota3A, %broadcast_in_dim3A_771], %add3A_769 : memref<16x16xf32, #tpu.memory_space<vmem>>[vector<16xi32>, vector<16xi32>], vector<16xf32>,
        %add3A_772 = arith.constant 9 : i32
        %add3A_773 = arith.addi %add3A_564, %add3A_772 : i32
        %get3A_774 = arith.index_cast %add3A_773 : i32 to index
        %get3A_775 = arith.constant 0 : index
        %get3A_776 = tpu.vector_load %arg11[%get3A_774, %get3A_775] {strides = array<i32>} : memref<256x64xf32, #tpu.memory_space<vmem>>, vector<16xf32>,
        %mul3A_777 = arith.mulf %get3A_83, %get3A_776 : vector<16xf32>
        %get3A_778 = arith.index_cast %add3A_773 : i32 to index
        %get3A_779 = arith.constant 16 : index
        %get3A_780 = tpu.vector_load %arg11[%get3A_778, %get3A_779] {strides = array<i32>} : memref<256x64xf32, #tpu.memory_space<vmem>>, vector<16xf32>,
        %mul3A_781 = arith.mulf %get3A_86, %get3A_780 : vector<16xf32>
        %add3A_782 = arith.addf %mul3A_777, %mul3A_781 : vector<16xf32>
        %get3A_783 = arith.index_cast %add3A_773 : i32 to index
        %get3A_784 = arith.constant 32 : index
        %get3A_785 = tpu.vector_load %arg11[%get3A_783, %get3A_784] {strides = array<i32>} : memref<256x64xf32, #tpu.memory_space<vmem>>, vector<16xf32>,
        %mul3A_786 = arith.mulf %get3A_89, %get3A_785 : vector<16xf32>
        %add3A_787 = arith.addf %add3A_782, %mul3A_786 : vector<16xf32>
        %get3A_788 = arith.index_cast %add3A_773 : i32 to index
        %get3A_789 = arith.constant 48 : index
        %get3A_790 = tpu.vector_load %arg11[%get3A_788, %get3A_789] {strides = array<i32>} : memref<256x64xf32, #tpu.memory_space<vmem>>, vector<16xf32>,
        %mul3A_791 = arith.mulf %get3A_92, %get3A_790 : vector<16xf32>
        %add3A_792 = arith.addf %add3A_787, %mul3A_791 : vector<16xf32>
        %broadcast_in_dim3A_793 = arith.constant 9 : i32
        %broadcast_in_dim3A_794 = vector.broadcast %broadcast_in_dim3A_793 : i32 to vector<16xi32>
        tpu.vector_store_idx %arg13[%iota3A, %broadcast_in_dim3A_794], %add3A_792 : memref<16x16xf32, #tpu.memory_space<vmem>>[vector<16xi32>, vector<16xi32>], vector<16xf32>,
        %add3A_795 = arith.constant 10 : i32
        %add3A_796 = arith.addi %add3A_564, %add3A_795 : i32
        %get3A_797 = arith.index_cast %add3A_796 : i32 to index
        %get3A_798 = arith.constant 0 : index
        %get3A_799 = tpu.vector_load %arg11[%get3A_797, %get3A_798] {strides = array<i32>} : memref<256x64xf32, #tpu.memory_space<vmem>>, vector<16xf32>,
        %mul3A_800 = arith.mulf %get3A_83, %get3A_799 : vector<16xf32>
        %get3A_801 = arith.index_cast %add3A_796 : i32 to index
        %get3A_802 = arith.constant 16 : index
        %get3A_803 = tpu.vector_load %arg11[%get3A_801, %get3A_802] {strides = array<i32>} : memref<256x64xf32, #tpu.memory_space<vmem>>, vector<16xf32>,
        %mul3A_804 = arith.mulf %get3A_86, %get3A_803 : vector<16xf32>
        %add3A_805 = arith.addf %mul3A_800, %mul3A_804 : vector<16xf32>
        %get3A_806 = arith.index_cast %add3A_796 : i32 to index
        %get3A_807 = arith.constant 32 : index
        %get3A_808 = tpu.vector_load %arg11[%get3A_806, %get3A_807] {strides = array<i32>} : memref<256x64xf32, #tpu.memory_space<vmem>>, vector<16xf32>,
        %mul3A_809 = arith.mulf %get3A_89, %get3A_808 : vector<16xf32>
        %add3A_810 = arith.addf %add3A_805, %mul3A_809 : vector<16xf32>
        %get3A_811 = arith.index_cast %add3A_796 : i32 to index
        %get3A_812 = arith.constant 48 : index
        %get3A_813 = tpu.vector_load %arg11[%get3A_811, %get3A_812] {strides = array<i32>} : memref<256x64xf32, #tpu.memory_space<vmem>>, vector<16xf32>,
        %mul3A_814 = arith.mulf %get3A_92, %get3A_813 : vector<16xf32>
        %add3A_815 = arith.addf %add3A_810, %mul3A_814 : vector<16xf32>
        %broadcast_in_dim3A_816 = arith.constant 10 : i32
        %broadcast_in_dim3A_817 = vector.broadcast %broadcast_in_dim3A_816 : i32 to vector<16xi32>
        tpu.vector_store_idx %arg13[%iota3A, %broadcast_in_dim3A_817], %add3A_815 : memref<16x16xf32, #tpu.memory_space<vmem>>[vector<16xi32>, vector<16xi32>], vector<16xf32>,
        %add3A_818 = arith.constant 11 : i32
        %add3A_819 = arith.addi %add3A_564, %add3A_818 : i32
        %get3A_820 = arith.index_cast %add3A_819 : i32 to index
        %get3A_821 = arith.constant 0 : index
        %get3A_822 = tpu.vector_load %arg11[%get3A_820, %get3A_821] {strides = array<i32>} : memref<256x64xf32, #tpu.memory_space<vmem>>, vector<16xf32>,
        %mul3A_823 = arith.mulf %get3A_83, %get3A_822 : vector<16xf32>
        %get3A_824 = arith.index_cast %add3A_819 : i32 to index
        %get3A_825 = arith.constant 16 : index
        %get3A_826 = tpu.vector_load %arg11[%get3A_824, %get3A_825] {strides = array<i32>} : memref<256x64xf32, #tpu.memory_space<vmem>>, vector<16xf32>,
        %mul3A_827 = arith.mulf %get3A_86, %get3A_826 : vector<16xf32>
        %add3A_828 = arith.addf %mul3A_823, %mul3A_827 : vector<16xf32>
        %get3A_829 = arith.index_cast %add3A_819 : i32 to index
        %get3A_830 = arith.constant 32 : index
        %get3A_831 = tpu.vector_load %arg11[%get3A_829, %get3A_830] {strides = array<i32>} : memref<256x64xf32, #tpu.memory_space<vmem>>, vector<16xf32>,
        %mul3A_832 = arith.mulf %get3A_89, %get3A_831 : vector<16xf32>
        %add3A_833 = arith.addf %add3A_828, %mul3A_832 : vector<16xf32>
        %get3A_834 = arith.index_cast %add3A_819 : i32 to index
        %get3A_835 = arith.constant 48 : index
        %get3A_836 = tpu.vector_load %arg11[%get3A_834, %get3A_835] {strides = array<i32>} : memref<256x64xf32, #tpu.memory_space<vmem>>, vector<16xf32>,
        %mul3A_837 = arith.mulf %get3A_92, %get3A_836 : vector<16xf32>
        %add3A_838 = arith.addf %add3A_833, %mul3A_837 : vector<16xf32>
        %broadcast_in_dim3A_839 = arith.constant 11 : i32
        %broadcast_in_dim3A_840 = vector.broadcast %broadcast_in_dim3A_839 : i32 to vector<16xi32>
        tpu.vector_store_idx %arg13[%iota3A, %broadcast_in_dim3A_840], %add3A_838 : memref<16x16xf32, #tpu.memory_space<vmem>>[vector<16xi32>, vector<16xi32>], vector<16xf32>,
        %add3A_841 = arith.constant 12 : i32
        %add3A_842 = arith.addi %add3A_564, %add3A_841 : i32
        %get3A_843 = arith.index_cast %add3A_842 : i32 to index
        %get3A_844 = arith.constant 0 : index
        %get3A_845 = tpu.vector_load %arg11[%get3A_843, %get3A_844] {strides = array<i32>} : memref<256x64xf32, #tpu.memory_space<vmem>>, vector<16xf32>,
        %mul3A_846 = arith.mulf %get3A_83, %get3A_845 : vector<16xf32>
        %get3A_847 = arith.index_cast %add3A_842 : i32 to index
        %get3A_848 = arith.constant 16 : index
        %get3A_849 = tpu.vector_load %arg11[%get3A_847, %get3A_848] {strides = array<i32>} : memref<256x64xf32, #tpu.memory_space<vmem>>, vector<16xf32>,
        %mul3A_850 = arith.mulf %get3A_86, %get3A_849 : vector<16xf32>
        %add3A_851 = arith.addf %mul3A_846, %mul3A_850 : vector<16xf32>
        %get3A_852 = arith.index_cast %add3A_842 : i32 to index
        %get3A_853 = arith.constant 32 : index
        %get3A_854 = tpu.vector_load %arg11[%get3A_852, %get3A_853] {strides = array<i32>} : memref<256x64xf32, #tpu.memory_space<vmem>>, vector<16xf32>,
        %mul3A_855 = arith.mulf %get3A_89, %get3A_854 : vector<16xf32>
        %add3A_856 = arith.addf %add3A_851, %mul3A_855 : vector<16xf32>
        %get3A_857 = arith.index_cast %add3A_842 : i32 to index
        %get3A_858 = arith.constant 48 : index
        %get3A_859 = tpu.vector_load %arg11[%get3A_857, %get3A_858] {strides = array<i32>} : memref<256x64xf32, #tpu.memory_space<vmem>>, vector<16xf32>,
        %mul3A_860 = arith.mulf %get3A_92, %get3A_859 : vector<16xf32>
        %add3A_861 = arith.addf %add3A_856, %mul3A_860 : vector<16xf32>
        %broadcast_in_dim3A_862 = arith.constant 12 : i32
        %broadcast_in_dim3A_863 = vector.broadcast %broadcast_in_dim3A_862 : i32 to vector<16xi32>
        tpu.vector_store_idx %arg13[%iota3A, %broadcast_in_dim3A_863], %add3A_861 : memref<16x16xf32, #tpu.memory_space<vmem>>[vector<16xi32>, vector<16xi32>], vector<16xf32>,
        %add3A_864 = arith.constant 13 : i32
        %add3A_865 = arith.addi %add3A_564, %add3A_864 : i32
        %get3A_866 = arith.index_cast %add3A_865 : i32 to index
        %get3A_867 = arith.constant 0 : index
        %get3A_868 = tpu.vector_load %arg11[%get3A_866, %get3A_867] {strides = array<i32>} : memref<256x64xf32, #tpu.memory_space<vmem>>, vector<16xf32>,
        %mul3A_869 = arith.mulf %get3A_83, %get3A_868 : vector<16xf32>
        %get3A_870 = arith.index_cast %add3A_865 : i32 to index
        %get3A_871 = arith.constant 16 : index
        %get3A_872 = tpu.vector_load %arg11[%get3A_870, %get3A_871] {strides = array<i32>} : memref<256x64xf32, #tpu.memory_space<vmem>>, vector<16xf32>,
        %mul3A_873 = arith.mulf %get3A_86, %get3A_872 : vector<16xf32>
        %add3A_874 = arith.addf %mul3A_869, %mul3A_873 : vector<16xf32>
        %get3A_875 = arith.index_cast %add3A_865 : i32 to index
        %get3A_876 = arith.constant 32 : index
        %get3A_877 = tpu.vector_load %arg11[%get3A_875, %get3A_876] {strides = array<i32>} : memref<256x64xf32, #tpu.memory_space<vmem>>, vector<16xf32>,
        %mul3A_878 = arith.mulf %get3A_89, %get3A_877 : vector<16xf32>
        %add3A_879 = arith.addf %add3A_874, %mul3A_878 : vector<16xf32>
        %get3A_880 = arith.index_cast %add3A_865 : i32 to index
        %get3A_881 = arith.constant 48 : index
        %get3A_882 = tpu.vector_load %arg11[%get3A_880, %get3A_881] {strides = array<i32>} : memref<256x64xf32, #tpu.memory_space<vmem>>, vector<16xf32>,
        %mul3A_883 = arith.mulf %get3A_92, %get3A_882 : vector<16xf32>
        %add3A_884 = arith.addf %add3A_879, %mul3A_883 : vector<16xf32>
        %broadcast_in_dim3A_885 = arith.constant 13 : i32
        %broadcast_in_dim3A_886 = vector.broadcast %broadcast_in_dim3A_885 : i32 to vector<16xi32>
        tpu.vector_store_idx %arg13[%iota3A, %broadcast_in_dim3A_886], %add3A_884 : memref<16x16xf32, #tpu.memory_space<vmem>>[vector<16xi32>, vector<16xi32>], vector<16xf32>,
        %add3A_887 = arith.constant 14 : i32
        %add3A_888 = arith.addi %add3A_564, %add3A_887 : i32
        %get3A_889 = arith.index_cast %add3A_888 : i32 to index
        %get3A_890 = arith.constant 0 : index
        %get3A_891 = tpu.vector_load %arg11[%get3A_889, %get3A_890] {strides = array<i32>} : memref<256x64xf32, #tpu.memory_space<vmem>>, vector<16xf32>,
        %mul3A_892 = arith.mulf %get3A_83, %get3A_891 : vector<16xf32>
        %get3A_893 = arith.index_cast %add3A_888 : i32 to index
        %get3A_894 = arith.constant 16 : index
        %get3A_895 = tpu.vector_load %arg11[%get3A_893, %get3A_894] {strides = array<i32>} : memref<256x64xf32, #tpu.memory_space<vmem>>, vector<16xf32>,
        %mul3A_896 = arith.mulf %get3A_86, %get3A_895 : vector<16xf32>
        %add3A_897 = arith.addf %mul3A_892, %mul3A_896 : vector<16xf32>
        %get3A_898 = arith.index_cast %add3A_888 : i32 to index
        %get3A_899 = arith.constant 32 : index
        %get3A_900 = tpu.vector_load %arg11[%get3A_898, %get3A_899] {strides = array<i32>} : memref<256x64xf32, #tpu.memory_space<vmem>>, vector<16xf32>,
        %mul3A_901 = arith.mulf %get3A_89, %get3A_900 : vector<16xf32>
        %add3A_902 = arith.addf %add3A_897, %mul3A_901 : vector<16xf32>
        %get3A_903 = arith.index_cast %add3A_888 : i32 to index
        %get3A_904 = arith.constant 48 : index
        %get3A_905 = tpu.vector_load %arg11[%get3A_903, %get3A_904] {strides = array<i32>} : memref<256x64xf32, #tpu.memory_space<vmem>>, vector<16xf32>,
        %mul3A_906 = arith.mulf %get3A_92, %get3A_905 : vector<16xf32>
        %add3A_907 = arith.addf %add3A_902, %mul3A_906 : vector<16xf32>
        %broadcast_in_dim3A_908 = arith.constant 14 : i32
        %broadcast_in_dim3A_909 = vector.broadcast %broadcast_in_dim3A_908 : i32 to vector<16xi32>
        tpu.vector_store_idx %arg13[%iota3A, %broadcast_in_dim3A_909], %add3A_907 : memref<16x16xf32, #tpu.memory_space<vmem>>[vector<16xi32>, vector<16xi32>], vector<16xf32>,
        %add3A_910 = arith.constant 15 : i32
        %add3A_911 = arith.addi %add3A_564, %add3A_910 : i32
        %get3A_912 = arith.index_cast %add3A_911 : i32 to index
        %get3A_913 = arith.constant 0 : index
        %get3A_914 = tpu.vector_load %arg11[%get3A_912, %get3A_913] {strides = array<i32>} : memref<256x64xf32, #tpu.memory_space<vmem>>, vector<16xf32>,
        %mul3A_915 = arith.mulf %get3A_83, %get3A_914 : vector<16xf32>
        %get3A_916 = arith.index_cast %add3A_911 : i32 to index
        %get3A_917 = arith.constant 16 : index
        %get3A_918 = tpu.vector_load %arg11[%get3A_916, %get3A_917] {strides = array<i32>} : memref<256x64xf32, #tpu.memory_space<vmem>>, vector<16xf32>,
        %mul3A_919 = arith.mulf %get3A_86, %get3A_918 : vector<16xf32>
        %add3A_920 = arith.addf %mul3A_915, %mul3A_919 : vector<16xf32>
        %get3A_921 = arith.index_cast %add3A_911 : i32 to index
        %get3A_922 = arith.constant 32 : index
        %get3A_923 = tpu.vector_load %arg11[%get3A_921, %get3A_922] {strides = array<i32>} : memref<256x64xf32, #tpu.memory_space<vmem>>, vector<16xf32>,
        %mul3A_924 = arith.mulf %get3A_89, %get3A_923 : vector<16xf32>
        %add3A_925 = arith.addf %add3A_920, %mul3A_924 : vector<16xf32>
        %get3A_926 = arith.index_cast %add3A_911 : i32 to index
        %get3A_927 = arith.constant 48 : index
        %get3A_928 = tpu.vector_load %arg11[%get3A_926, %get3A_927] {strides = array<i32>} : memref<256x64xf32, #tpu.memory_space<vmem>>, vector<16xf32>,
        %mul3A_929 = arith.mulf %get3A_92, %get3A_928 : vector<16xf32>
        %add3A_930 = arith.addf %add3A_925, %mul3A_929 : vector<16xf32>
        %broadcast_in_dim3A_931 = arith.constant 15 : i32
        %broadcast_in_dim3A_932 = vector.broadcast %broadcast_in_dim3A_931 : i32 to vector<16xi32>
        tpu.vector_store_idx %arg13[%iota3A, %broadcast_in_dim3A_932], %add3A_930 : memref<16x16xf32, #tpu.memory_space<vmem>>[vector<16xi32>, vector<16xi32>], vector<16xf32>,
        %get3A_933 = arith.constant 0 : i32
        %get3A_934 = arith.index_cast %get3A_933 : i32 to index
        %get3A_935 = arith.constant 0 : index
        %get3A_936 = tpu.vector_load %arg13[%get3A_934, %get3A_935] {strides = array<i32>} : memref<16x16xf32, #tpu.memory_space<vmem>>, vector<16xf32>,
        %get3A_937 = arith.constant 1 : i32
        %get3A_938 = arith.index_cast %get3A_937 : i32 to index
        %get3A_939 = arith.constant 0 : index
        %get3A_940 = tpu.vector_load %arg13[%get3A_938, %get3A_939] {strides = array<i32>} : memref<16x16xf32, #tpu.memory_space<vmem>>, vector<16xf32>,
        %add3A_941 = arith.addf %get3A_936, %get3A_940 : vector<16xf32>
        %get3A_942 = arith.constant 2 : i32
        %get3A_943 = arith.index_cast %get3A_942 : i32 to index
        %get3A_944 = arith.constant 0 : index
        %get3A_945 = tpu.vector_load %arg13[%get3A_943, %get3A_944] {strides = array<i32>} : memref<16x16xf32, #tpu.memory_space<vmem>>, vector<16xf32>,
        %add3A_946 = arith.addf %add3A_941, %get3A_945 : vector<16xf32>
        %get3A_947 = arith.constant 3 : i32
        %get3A_948 = arith.index_cast %get3A_947 : i32 to index
        %get3A_949 = arith.constant 0 : index
        %get3A_950 = tpu.vector_load %arg13[%get3A_948, %get3A_949] {strides = array<i32>} : memref<16x16xf32, #tpu.memory_space<vmem>>, vector<16xf32>,
        %add3A_951 = arith.addf %add3A_946, %get3A_950 : vector<16xf32>
        %get3A_952 = arith.constant 4 : i32
        %get3A_953 = arith.index_cast %get3A_952 : i32 to index
        %get3A_954 = arith.constant 0 : index
        %get3A_955 = tpu.vector_load %arg13[%get3A_953, %get3A_954] {strides = array<i32>} : memref<16x16xf32, #tpu.memory_space<vmem>>, vector<16xf32>,
        %add3A_956 = arith.addf %add3A_951, %get3A_955 : vector<16xf32>
        %get3A_957 = arith.constant 5 : i32
        %get3A_958 = arith.index_cast %get3A_957 : i32 to index
        %get3A_959 = arith.constant 0 : index
        %get3A_960 = tpu.vector_load %arg13[%get3A_958, %get3A_959] {strides = array<i32>} : memref<16x16xf32, #tpu.memory_space<vmem>>, vector<16xf32>,
        %add3A_961 = arith.addf %add3A_956, %get3A_960 : vector<16xf32>
        %get3A_962 = arith.constant 6 : i32
        %get3A_963 = arith.index_cast %get3A_962 : i32 to index
        %get3A_964 = arith.constant 0 : index
        %get3A_965 = tpu.vector_load %arg13[%get3A_963, %get3A_964] {strides = array<i32>} : memref<16x16xf32, #tpu.memory_space<vmem>>, vector<16xf32>,
        %add3A_966 = arith.addf %add3A_961, %get3A_965 : vector<16xf32>
        %get3A_967 = arith.constant 7 : i32
        %get3A_968 = arith.index_cast %get3A_967 : i32 to index
        %get3A_969 = arith.constant 0 : index
        %get3A_970 = tpu.vector_load %arg13[%get3A_968, %get3A_969] {strides = array<i32>} : memref<16x16xf32, #tpu.memory_space<vmem>>, vector<16xf32>,
        %add3A_971 = arith.addf %add3A_966, %get3A_970 : vector<16xf32>
        %get3A_972 = arith.constant 8 : i32
        %get3A_973 = arith.index_cast %get3A_972 : i32 to index
        %get3A_974 = arith.constant 0 : index
        %get3A_975 = tpu.vector_load %arg13[%get3A_973, %get3A_974] {strides = array<i32>} : memref<16x16xf32, #tpu.memory_space<vmem>>, vector<16xf32>,
        %add3A_976 = arith.addf %add3A_971, %get3A_975 : vector<16xf32>
        %get3A_977 = arith.constant 9 : i32
        %get3A_978 = arith.index_cast %get3A_977 : i32 to index
        %get3A_979 = arith.constant 0 : index
        %get3A_980 = tpu.vector_load %arg13[%get3A_978, %get3A_979] {strides = array<i32>} : memref<16x16xf32, #tpu.memory_space<vmem>>, vector<16xf32>,
        %add3A_981 = arith.addf %add3A_976, %get3A_980 : vector<16xf32>
        %get3A_982 = arith.constant 10 : i32
        %get3A_983 = arith.index_cast %get3A_982 : i32 to index
        %get3A_984 = arith.constant 0 : index
        %get3A_985 = tpu.vector_load %arg13[%get3A_983, %get3A_984] {strides = array<i32>} : memref<16x16xf32, #tpu.memory_space<vmem>>, vector<16xf32>,
        %add3A_986 = arith.addf %add3A_981, %get3A_985 : vector<16xf32>
        %get3A_987 = arith.constant 11 : i32
        %get3A_988 = arith.index_cast %get3A_987 : i32 to index
        %get3A_989 = arith.constant 0 : index
        %get3A_990 = tpu.vector_load %arg13[%get3A_988, %get3A_989] {strides = array<i32>} : memref<16x16xf32, #tpu.memory_space<vmem>>, vector<16xf32>,
        %add3A_991 = arith.addf %add3A_986, %get3A_990 : vector<16xf32>
        %get3A_992 = arith.constant 12 : i32
        %get3A_993 = arith.index_cast %get3A_992 : i32 to index
        %get3A_994 = arith.constant 0 : index
        %get3A_995 = tpu.vector_load %arg13[%get3A_993, %get3A_994] {strides = array<i32>} : memref<16x16xf32, #tpu.memory_space<vmem>>, vector<16xf32>,
        %add3A_996 = arith.addf %add3A_991, %get3A_995 : vector<16xf32>
        %get3A_997 = arith.constant 13 : i32
        %get3A_998 = arith.index_cast %get3A_997 : i32 to index
        %get3A_999 = arith.constant 0 : index
        %get3A_1000 = tpu.vector_load %arg13[%get3A_998, %get3A_999] {strides = array<i32>} : memref<16x16xf32, #tpu.memory_space<vmem>>, vector<16xf32>,
        %add3A_1001 = arith.addf %add3A_996, %get3A_1000 : vector<16xf32>
        %get3A_1002 = arith.constant 14 : i32
        %get3A_1003 = arith.index_cast %get3A_1002 : i32 to index
        %get3A_1004 = arith.constant 0 : index
        %get3A_1005 = tpu.vector_load %arg13[%get3A_1003, %get3A_1004] {strides = array<i32>} : memref<16x16xf32, #tpu.memory_space<vmem>>, vector<16xf32>,
        %add3A_1006 = arith.addf %add3A_1001, %get3A_1005 : vector<16xf32>
        %get3A_1007 = arith.constant 15 : i32
        %get3A_1008 = arith.index_cast %get3A_1007 : i32 to index
        %get3A_1009 = arith.constant 0 : index
        %get3A_1010 = tpu.vector_load %arg13[%get3A_1008, %get3A_1009] {strides = array<i32>} : memref<16x16xf32, #tpu.memory_space<vmem>>, vector<16xf32>,
        %add3A_1011 = arith.addf %add3A_1006, %get3A_1010 : vector<16xf32>
        %mul3A_1012 = arith.constant 8 : i32
        %mul3A_1013 = arith.muli %mul3A_20, %mul3A_1012 : i32
        %mul3A_1014 = arith.constant 32 : i32
        %mul3A_1015 = arith.muli %mul3A_1013, %mul3A_1014 : i32
        %add3A_1016 = arith.addi %mul3A_1015, %add3A_564 : i32
        %ge3A = arith.constant 14 : i32
        %ge3A_1017 = vector.broadcast %ge3A : i32 to vector<16xi32>
        %ge3A_1018 = arith.cmpi sge, %iota3A, %ge3A_1017 : vector<16xi32>
        %neg3A = arith.constant 0.000000e+00 : f32
        %neg3A_1019 = vector.broadcast %neg3A : f32 to vector<16xf32>
        %neg3A_1020 = arith.subf %neg3A_1019, %add3A_1011 : vector<16xf32>
        %jit3A_1021 = arith.constant 1.000000e+02 : f32
        %broadcast_in_dim3A_1022 = vector.broadcast %jit3A_1021 : f32 to vector<16xf32>
        %select_n3A_1023 = arith.select %ge3A_1018, %broadcast_in_dim3A_1022, %neg3A_1020 : vector<16xi1>, vector<16xf32>
        %swap3A_1024 = arith.index_cast %add3A_1016 : i32 to index
        %swap3A_1025 = tpu.vector_load %arg14[%swap3A_1024] {strides = array<i32>} : memref<16384xf32, #tpu.memory_space<vmem>>, vector<16xf32>,
        tpu.vector_store %arg14[%swap3A_1024], %select_n3A_1023 {strides = array<i32>} : memref<16384xf32, #tpu.memory_space<vmem>>, vector<16xf32>,
      }
      %scan3A_54 = arith.constant 8 : i32
      %lt3A_55 = arith.constant 31 : i32
      %lt3A_56 = arith.cmpi slt, %scan3A_18, %lt3A_55 : i32
      %convert_element_type3A = arith.extui %lt3A_56 : i1 to i32
      %cond3A = arith.constant 0 : i32
      %cond3A_57 = arith.cmpi ne, %convert_element_type3A, %cond3A : i32
      scf.if %cond3A_57 {
        %add3A_81 = arith.constant 2 : i32
        %add3A_82 = arith.addi %mul3A_20, %add3A_81 : i32
        %mul3A_83 = arith.constant 8 : i32
        %mul3A_84 = arith.muli %add3A_82, %mul3A_83 : i32
        %dma_start3A_85 = tpu.memref_slice %arg7[%mul3A_84] : memref<512xi32, #tpu.memory_space<vmem>> -> memref<8xi32, #tpu.memory_space<vmem>>
        %dma_start3A_86 = arith.constant 0 : i32
        %dma_start3A_87 = arith.constant 0 : i32
        %dma_start3A_88 = tpu.memref_slice %arg2[%dma_start3A_86, %dma_start3A_87] : memref<1000000x64xf32, #tpu.memory_space<hbm>> -> memref<1000000x64xf32, #tpu.memory_space<hbm>>
        tpu.enqueue_indirect_dma source(%dma_start3A_88 : memref<1000000x64xf32, #tpu.memory_space<hbm>>) target(%arg9 : memref<8x64xf32, #tpu.memory_space<vmem>>) offsets(%dma_start3A_85 : memref<8xi32, #tpu.memory_space<vmem>>) semaphore(%arg15 : memref<!tpu.dma_semaphore, #tpu.memory_space<semaphore_mem>>)
        %mul3A_89 = arith.constant 8 : i32
        %mul3A_90 = arith.muli %add3A_82, %mul3A_89 : i32
        %mul3A_91 = arith.constant 32 : i32
        %mul3A_92 = arith.muli %mul3A_90, %mul3A_91 : i32
        %dma_start3A_93 = tpu.memref_slice %arg8[%mul3A_92] : memref<16384xi32, #tpu.memory_space<vmem>> -> memref<256xi32, #tpu.memory_space<vmem>>
        %dma_start3A_94 = arith.constant 0 : i32
        %dma_start3A_95 = arith.constant 0 : i32
        %dma_start3A_96 = tpu.memref_slice %arg3[%dma_start3A_94, %dma_start3A_95] : memref<1000000x64xf32, #tpu.memory_space<hbm>> -> memref<1000000x64xf32, #tpu.memory_space<hbm>>
        tpu.enqueue_indirect_dma source(%dma_start3A_96 : memref<1000000x64xf32, #tpu.memory_space<hbm>>) target(%arg11 : memref<256x64xf32, #tpu.memory_space<vmem>>) offsets(%dma_start3A_93 : memref<256xi32, #tpu.memory_space<vmem>>) semaphore(%arg15 : memref<!tpu.dma_semaphore, #tpu.memory_space<semaphore_mem>>)
      } else {
      }
      %add3A_58 = arith.constant 1 : i32
      %add3A_59 = arith.addi %mul3A_20, %add3A_58 : i32
      %mul3A_60 = arith.constant 8 : i32
      %mul3A_61 = arith.muli %add3A_59, %mul3A_60 : i32
      %dma_wait3A_62 = tpu.memref_slice %arg7[%mul3A_61] : memref<512xi32, #tpu.memory_space<vmem>> -> memref<8xi32, #tpu.memory_space<vmem>>
      %dma_wait3A_63 = arith.constant 0 : i32
      %dma_wait3A_64 = arith.constant 0 : i32
      %dma_wait3A_65 = tpu.memref_slice %arg2[%dma_wait3A_63, %dma_wait3A_64] : memref<1000000x64xf32, #tpu.memory_space<hbm>> -> memref<1000000x64xf32, #tpu.memory_space<hbm>>
      tpu.wait_indirect_dma semaphore(%arg16 : memref<!tpu.dma_semaphore, #tpu.memory_space<semaphore_mem>>) src(%dma_wait3A_65 : memref<1000000x64xf32, #tpu.memory_space<hbm>>) dst(%arg10 : memref<8x64xf32, #tpu.memory_space<vmem>>)
      %mul3A_66 = arith.constant 8 : i32
      %mul3A_67 = arith.muli %add3A_59, %mul3A_66 : i32
      %mul3A_68 = arith.constant 32 : i32
      %mul3A_69 = arith.muli %mul3A_67, %mul3A_68 : i32
      %dma_wait3A_70 = tpu.memref_slice %arg8[%mul3A_69] : memref<16384xi32, #tpu.memory_space<vmem>> -> memref<256xi32, #tpu.memory_space<vmem>>
      %dma_wait3A_71 = arith.constant 0 : i32
      %dma_wait3A_72 = arith.constant 0 : i32
      %dma_wait3A_73 = tpu.memref_slice %arg3[%dma_wait3A_71, %dma_wait3A_72] : memref<1000000x64xf32, #tpu.memory_space<hbm>> -> memref<1000000x64xf32, #tpu.memory_space<hbm>>
      tpu.wait_indirect_dma semaphore(%arg16 : memref<!tpu.dma_semaphore, #tpu.memory_space<semaphore_mem>>) src(%dma_wait3A_73 : memref<1000000x64xf32, #tpu.memory_space<hbm>>) dst(%arg12 : memref<256x64xf32, #tpu.memory_space<vmem>>)
      %add3A_74 = arith.constant 1 : i32
      %add3A_75 = arith.addi %mul3A_20, %add3A_74 : i32
      %scan3A_76 = arith.constant 0 : i32
      %scan3A_77 = arith.constant 8 : i32
      %scan3A_78 = arith.addi %scan3A_76, %scan3A_77 : i32
      %scan3A_79 = arith.constant 1 : i32
      scf.for %scan3A_81 = %scan3A_76 to %scan3A_78 step %scan3A_79  : i32 {
        %get3A = arith.index_cast %scan3A_81 : i32 to index
        %get3A_82 = arith.constant 0 : index
        %get3A_83 = tpu.vector_load %arg10[%get3A, %get3A_82] {strides = array<i32>} : memref<8x64xf32, #tpu.memory_space<vmem>>, vector<16xf32>,
        %get3A_84 = arith.index_cast %scan3A_81 : i32 to index
        %get3A_85 = arith.constant 16 : index
        %get3A_86 = tpu.vector_load %arg10[%get3A_84, %get3A_85] {strides = array<i32>} : memref<8x64xf32, #tpu.memory_space<vmem>>, vector<16xf32>,
        %get3A_87 = arith.index_cast %scan3A_81 : i32 to index
        %get3A_88 = arith.constant 32 : index
        %get3A_89 = tpu.vector_load %arg10[%get3A_87, %get3A_88] {strides = array<i32>} : memref<8x64xf32, #tpu.memory_space<vmem>>, vector<16xf32>,
        %get3A_90 = arith.index_cast %scan3A_81 : i32 to index
        %get3A_91 = arith.constant 48 : index
        %get3A_92 = tpu.vector_load %arg10[%get3A_90, %get3A_91] {strides = array<i32>} : memref<8x64xf32, #tpu.memory_space<vmem>>, vector<16xf32>,
        %mul3A_93 = arith.constant 32 : i32
        %mul3A_94 = arith.muli %scan3A_81, %mul3A_93 : i32
        %add3A_95 = arith.constant 0 : i32
        %add3A_96 = arith.addi %mul3A_94, %add3A_95 : i32
        %add3A_97 = arith.constant 0 : i32
        %add3A_98 = arith.addi %add3A_96, %add3A_97 : i32
        %get3A_99 = arith.index_cast %add3A_98 : i32 to index
        %get3A_100 = arith.constant 0 : index
        %get3A_101 = tpu.vector_load %arg12[%get3A_99, %get3A_100] {strides = array<i32>} : memref<256x64xf32, #tpu.memory_space<vmem>>, vector<16xf32>,
        %mul3A_102 = arith.mulf %get3A_83, %get3A_101 : vector<16xf32>
        %get3A_103 = arith.index_cast %add3A_98 : i32 to index
        %get3A_104 = arith.constant 16 : index
        %get3A_105 = tpu.vector_load %arg12[%get3A_103, %get3A_104] {strides = array<i32>} : memref<256x64xf32, #tpu.memory_space<vmem>>, vector<16xf32>,
        %mul3A_106 = arith.mulf %get3A_86, %get3A_105 : vector<16xf32>
        %add3A_107 = arith.addf %mul3A_102, %mul3A_106 : vector<16xf32>
        %get3A_108 = arith.index_cast %add3A_98 : i32 to index
        %get3A_109 = arith.constant 32 : index
        %get3A_110 = tpu.vector_load %arg12[%get3A_108, %get3A_109] {strides = array<i32>} : memref<256x64xf32, #tpu.memory_space<vmem>>, vector<16xf32>,
        %mul3A_111 = arith.mulf %get3A_89, %get3A_110 : vector<16xf32>
        %add3A_112 = arith.addf %add3A_107, %mul3A_111 : vector<16xf32>
        %get3A_113 = arith.index_cast %add3A_98 : i32 to index
        %get3A_114 = arith.constant 48 : index
        %get3A_115 = tpu.vector_load %arg12[%get3A_113, %get3A_114] {strides = array<i32>} : memref<256x64xf32, #tpu.memory_space<vmem>>, vector<16xf32>,
        %mul3A_116 = arith.mulf %get3A_92, %get3A_115 : vector<16xf32>
        %add3A_117 = arith.addf %add3A_112, %mul3A_116 : vector<16xf32>
        %broadcast_in_dim3A_118 = arith.constant 0 : i32
        %broadcast_in_dim3A_119 = vector.broadcast %broadcast_in_dim3A_118 : i32 to vector<16xi32>
        tpu.vector_store_idx %arg13[%iota3A, %broadcast_in_dim3A_119], %add3A_117 : memref<16x16xf32, #tpu.memory_space<vmem>>[vector<16xi32>, vector<16xi32>], vector<16xf32>,
        %add3A_120 = arith.constant 1 : i32
        %add3A_121 = arith.addi %add3A_96, %add3A_120 : i32
        %get3A_122 = arith.index_cast %add3A_121 : i32 to index
        %get3A_123 = arith.constant 0 : index
        %get3A_124 = tpu.vector_load %arg12[%get3A_122, %get3A_123] {strides = array<i32>} : memref<256x64xf32, #tpu.memory_space<vmem>>, vector<16xf32>,
        %mul3A_125 = arith.mulf %get3A_83, %get3A_124 : vector<16xf32>
        %get3A_126 = arith.index_cast %add3A_121 : i32 to index
        %get3A_127 = arith.constant 16 : index
        %get3A_128 = tpu.vector_load %arg12[%get3A_126, %get3A_127] {strides = array<i32>} : memref<256x64xf32, #tpu.memory_space<vmem>>, vector<16xf32>,
        %mul3A_129 = arith.mulf %get3A_86, %get3A_128 : vector<16xf32>
        %add3A_130 = arith.addf %mul3A_125, %mul3A_129 : vector<16xf32>
        %get3A_131 = arith.index_cast %add3A_121 : i32 to index
        %get3A_132 = arith.constant 32 : index
        %get3A_133 = tpu.vector_load %arg12[%get3A_131, %get3A_132] {strides = array<i32>} : memref<256x64xf32, #tpu.memory_space<vmem>>, vector<16xf32>,
        %mul3A_134 = arith.mulf %get3A_89, %get3A_133 : vector<16xf32>
        %add3A_135 = arith.addf %add3A_130, %mul3A_134 : vector<16xf32>
        %get3A_136 = arith.index_cast %add3A_121 : i32 to index
        %get3A_137 = arith.constant 48 : index
        %get3A_138 = tpu.vector_load %arg12[%get3A_136, %get3A_137] {strides = array<i32>} : memref<256x64xf32, #tpu.memory_space<vmem>>, vector<16xf32>,
        %mul3A_139 = arith.mulf %get3A_92, %get3A_138 : vector<16xf32>
        %add3A_140 = arith.addf %add3A_135, %mul3A_139 : vector<16xf32>
        %broadcast_in_dim3A_141 = arith.constant 1 : i32
        %broadcast_in_dim3A_142 = vector.broadcast %broadcast_in_dim3A_141 : i32 to vector<16xi32>
        tpu.vector_store_idx %arg13[%iota3A, %broadcast_in_dim3A_142], %add3A_140 : memref<16x16xf32, #tpu.memory_space<vmem>>[vector<16xi32>, vector<16xi32>], vector<16xf32>,
        %add3A_143 = arith.constant 2 : i32
        %add3A_144 = arith.addi %add3A_96, %add3A_143 : i32
        %get3A_145 = arith.index_cast %add3A_144 : i32 to index
        %get3A_146 = arith.constant 0 : index
        %get3A_147 = tpu.vector_load %arg12[%get3A_145, %get3A_146] {strides = array<i32>} : memref<256x64xf32, #tpu.memory_space<vmem>>, vector<16xf32>,
        %mul3A_148 = arith.mulf %get3A_83, %get3A_147 : vector<16xf32>
        %get3A_149 = arith.index_cast %add3A_144 : i32 to index
        %get3A_150 = arith.constant 16 : index
        %get3A_151 = tpu.vector_load %arg12[%get3A_149, %get3A_150] {strides = array<i32>} : memref<256x64xf32, #tpu.memory_space<vmem>>, vector<16xf32>,
        %mul3A_152 = arith.mulf %get3A_86, %get3A_151 : vector<16xf32>
        %add3A_153 = arith.addf %mul3A_148, %mul3A_152 : vector<16xf32>
        %get3A_154 = arith.index_cast %add3A_144 : i32 to index
        %get3A_155 = arith.constant 32 : index
        %get3A_156 = tpu.vector_load %arg12[%get3A_154, %get3A_155] {strides = array<i32>} : memref<256x64xf32, #tpu.memory_space<vmem>>, vector<16xf32>,
        %mul3A_157 = arith.mulf %get3A_89, %get3A_156 : vector<16xf32>
        %add3A_158 = arith.addf %add3A_153, %mul3A_157 : vector<16xf32>
        %get3A_159 = arith.index_cast %add3A_144 : i32 to index
        %get3A_160 = arith.constant 48 : index
        %get3A_161 = tpu.vector_load %arg12[%get3A_159, %get3A_160] {strides = array<i32>} : memref<256x64xf32, #tpu.memory_space<vmem>>, vector<16xf32>,
        %mul3A_162 = arith.mulf %get3A_92, %get3A_161 : vector<16xf32>
        %add3A_163 = arith.addf %add3A_158, %mul3A_162 : vector<16xf32>
        %broadcast_in_dim3A_164 = arith.constant 2 : i32
        %broadcast_in_dim3A_165 = vector.broadcast %broadcast_in_dim3A_164 : i32 to vector<16xi32>
        tpu.vector_store_idx %arg13[%iota3A, %broadcast_in_dim3A_165], %add3A_163 : memref<16x16xf32, #tpu.memory_space<vmem>>[vector<16xi32>, vector<16xi32>], vector<16xf32>,
        %add3A_166 = arith.constant 3 : i32
        %add3A_167 = arith.addi %add3A_96, %add3A_166 : i32
        %get3A_168 = arith.index_cast %add3A_167 : i32 to index
        %get3A_169 = arith.constant 0 : index
        %get3A_170 = tpu.vector_load %arg12[%get3A_168, %get3A_169] {strides = array<i32>} : memref<256x64xf32, #tpu.memory_space<vmem>>, vector<16xf32>,
        %mul3A_171 = arith.mulf %get3A_83, %get3A_170 : vector<16xf32>
        %get3A_172 = arith.index_cast %add3A_167 : i32 to index
        %get3A_173 = arith.constant 16 : index
        %get3A_174 = tpu.vector_load %arg12[%get3A_172, %get3A_173] {strides = array<i32>} : memref<256x64xf32, #tpu.memory_space<vmem>>, vector<16xf32>,
        %mul3A_175 = arith.mulf %get3A_86, %get3A_174 : vector<16xf32>
        %add3A_176 = arith.addf %mul3A_171, %mul3A_175 : vector<16xf32>
        %get3A_177 = arith.index_cast %add3A_167 : i32 to index
        %get3A_178 = arith.constant 32 : index
        %get3A_179 = tpu.vector_load %arg12[%get3A_177, %get3A_178] {strides = array<i32>} : memref<256x64xf32, #tpu.memory_space<vmem>>, vector<16xf32>,
        %mul3A_180 = arith.mulf %get3A_89, %get3A_179 : vector<16xf32>
        %add3A_181 = arith.addf %add3A_176, %mul3A_180 : vector<16xf32>
        %get3A_182 = arith.index_cast %add3A_167 : i32 to index
        %get3A_183 = arith.constant 48 : index
        %get3A_184 = tpu.vector_load %arg12[%get3A_182, %get3A_183] {strides = array<i32>} : memref<256x64xf32, #tpu.memory_space<vmem>>, vector<16xf32>,
        %mul3A_185 = arith.mulf %get3A_92, %get3A_184 : vector<16xf32>
        %add3A_186 = arith.addf %add3A_181, %mul3A_185 : vector<16xf32>
        %broadcast_in_dim3A_187 = arith.constant 3 : i32
        %broadcast_in_dim3A_188 = vector.broadcast %broadcast_in_dim3A_187 : i32 to vector<16xi32>
        tpu.vector_store_idx %arg13[%iota3A, %broadcast_in_dim3A_188], %add3A_186 : memref<16x16xf32, #tpu.memory_space<vmem>>[vector<16xi32>, vector<16xi32>], vector<16xf32>,
        %add3A_189 = arith.constant 4 : i32
        %add3A_190 = arith.addi %add3A_96, %add3A_189 : i32
        %get3A_191 = arith.index_cast %add3A_190 : i32 to index
        %get3A_192 = arith.constant 0 : index
        %get3A_193 = tpu.vector_load %arg12[%get3A_191, %get3A_192] {strides = array<i32>} : memref<256x64xf32, #tpu.memory_space<vmem>>, vector<16xf32>,
        %mul3A_194 = arith.mulf %get3A_83, %get3A_193 : vector<16xf32>
        %get3A_195 = arith.index_cast %add3A_190 : i32 to index
        %get3A_196 = arith.constant 16 : index
        %get3A_197 = tpu.vector_load %arg12[%get3A_195, %get3A_196] {strides = array<i32>} : memref<256x64xf32, #tpu.memory_space<vmem>>, vector<16xf32>,
        %mul3A_198 = arith.mulf %get3A_86, %get3A_197 : vector<16xf32>
        %add3A_199 = arith.addf %mul3A_194, %mul3A_198 : vector<16xf32>
        %get3A_200 = arith.index_cast %add3A_190 : i32 to index
        %get3A_201 = arith.constant 32 : index
        %get3A_202 = tpu.vector_load %arg12[%get3A_200, %get3A_201] {strides = array<i32>} : memref<256x64xf32, #tpu.memory_space<vmem>>, vector<16xf32>,
        %mul3A_203 = arith.mulf %get3A_89, %get3A_202 : vector<16xf32>
        %add3A_204 = arith.addf %add3A_199, %mul3A_203 : vector<16xf32>
        %get3A_205 = arith.index_cast %add3A_190 : i32 to index
        %get3A_206 = arith.constant 48 : index
        %get3A_207 = tpu.vector_load %arg12[%get3A_205, %get3A_206] {strides = array<i32>} : memref<256x64xf32, #tpu.memory_space<vmem>>, vector<16xf32>,
        %mul3A_208 = arith.mulf %get3A_92, %get3A_207 : vector<16xf32>
        %add3A_209 = arith.addf %add3A_204, %mul3A_208 : vector<16xf32>
        %broadcast_in_dim3A_210 = arith.constant 4 : i32
        %broadcast_in_dim3A_211 = vector.broadcast %broadcast_in_dim3A_210 : i32 to vector<16xi32>
        tpu.vector_store_idx %arg13[%iota3A, %broadcast_in_dim3A_211], %add3A_209 : memref<16x16xf32, #tpu.memory_space<vmem>>[vector<16xi32>, vector<16xi32>], vector<16xf32>,
        %add3A_212 = arith.constant 5 : i32
        %add3A_213 = arith.addi %add3A_96, %add3A_212 : i32
        %get3A_214 = arith.index_cast %add3A_213 : i32 to index
        %get3A_215 = arith.constant 0 : index
        %get3A_216 = tpu.vector_load %arg12[%get3A_214, %get3A_215] {strides = array<i32>} : memref<256x64xf32, #tpu.memory_space<vmem>>, vector<16xf32>,
        %mul3A_217 = arith.mulf %get3A_83, %get3A_216 : vector<16xf32>
        %get3A_218 = arith.index_cast %add3A_213 : i32 to index
        %get3A_219 = arith.constant 16 : index
        %get3A_220 = tpu.vector_load %arg12[%get3A_218, %get3A_219] {strides = array<i32>} : memref<256x64xf32, #tpu.memory_space<vmem>>, vector<16xf32>,
        %mul3A_221 = arith.mulf %get3A_86, %get3A_220 : vector<16xf32>
        %add3A_222 = arith.addf %mul3A_217, %mul3A_221 : vector<16xf32>
        %get3A_223 = arith.index_cast %add3A_213 : i32 to index
        %get3A_224 = arith.constant 32 : index
        %get3A_225 = tpu.vector_load %arg12[%get3A_223, %get3A_224] {strides = array<i32>} : memref<256x64xf32, #tpu.memory_space<vmem>>, vector<16xf32>,
        %mul3A_226 = arith.mulf %get3A_89, %get3A_225 : vector<16xf32>
        %add3A_227 = arith.addf %add3A_222, %mul3A_226 : vector<16xf32>
        %get3A_228 = arith.index_cast %add3A_213 : i32 to index
        %get3A_229 = arith.constant 48 : index
        %get3A_230 = tpu.vector_load %arg12[%get3A_228, %get3A_229] {strides = array<i32>} : memref<256x64xf32, #tpu.memory_space<vmem>>, vector<16xf32>,
        %mul3A_231 = arith.mulf %get3A_92, %get3A_230 : vector<16xf32>
        %add3A_232 = arith.addf %add3A_227, %mul3A_231 : vector<16xf32>
        %broadcast_in_dim3A_233 = arith.constant 5 : i32
        %broadcast_in_dim3A_234 = vector.broadcast %broadcast_in_dim3A_233 : i32 to vector<16xi32>
        tpu.vector_store_idx %arg13[%iota3A, %broadcast_in_dim3A_234], %add3A_232 : memref<16x16xf32, #tpu.memory_space<vmem>>[vector<16xi32>, vector<16xi32>], vector<16xf32>,
        %add3A_235 = arith.constant 6 : i32
        %add3A_236 = arith.addi %add3A_96, %add3A_235 : i32
        %get3A_237 = arith.index_cast %add3A_236 : i32 to index
        %get3A_238 = arith.constant 0 : index
        %get3A_239 = tpu.vector_load %arg12[%get3A_237, %get3A_238] {strides = array<i32>} : memref<256x64xf32, #tpu.memory_space<vmem>>, vector<16xf32>,
        %mul3A_240 = arith.mulf %get3A_83, %get3A_239 : vector<16xf32>
        %get3A_241 = arith.index_cast %add3A_236 : i32 to index
        %get3A_242 = arith.constant 16 : index
        %get3A_243 = tpu.vector_load %arg12[%get3A_241, %get3A_242] {strides = array<i32>} : memref<256x64xf32, #tpu.memory_space<vmem>>, vector<16xf32>,
        %mul3A_244 = arith.mulf %get3A_86, %get3A_243 : vector<16xf32>
        %add3A_245 = arith.addf %mul3A_240, %mul3A_244 : vector<16xf32>
        %get3A_246 = arith.index_cast %add3A_236 : i32 to index
        %get3A_247 = arith.constant 32 : index
        %get3A_248 = tpu.vector_load %arg12[%get3A_246, %get3A_247] {strides = array<i32>} : memref<256x64xf32, #tpu.memory_space<vmem>>, vector<16xf32>,
        %mul3A_249 = arith.mulf %get3A_89, %get3A_248 : vector<16xf32>
        %add3A_250 = arith.addf %add3A_245, %mul3A_249 : vector<16xf32>
        %get3A_251 = arith.index_cast %add3A_236 : i32 to index
        %get3A_252 = arith.constant 48 : index
        %get3A_253 = tpu.vector_load %arg12[%get3A_251, %get3A_252] {strides = array<i32>} : memref<256x64xf32, #tpu.memory_space<vmem>>, vector<16xf32>,
        %mul3A_254 = arith.mulf %get3A_92, %get3A_253 : vector<16xf32>
        %add3A_255 = arith.addf %add3A_250, %mul3A_254 : vector<16xf32>
        %broadcast_in_dim3A_256 = arith.constant 6 : i32
        %broadcast_in_dim3A_257 = vector.broadcast %broadcast_in_dim3A_256 : i32 to vector<16xi32>
        tpu.vector_store_idx %arg13[%iota3A, %broadcast_in_dim3A_257], %add3A_255 : memref<16x16xf32, #tpu.memory_space<vmem>>[vector<16xi32>, vector<16xi32>], vector<16xf32>,
        %add3A_258 = arith.constant 7 : i32
        %add3A_259 = arith.addi %add3A_96, %add3A_258 : i32
        %get3A_260 = arith.index_cast %add3A_259 : i32 to index
        %get3A_261 = arith.constant 0 : index
        %get3A_262 = tpu.vector_load %arg12[%get3A_260, %get3A_261] {strides = array<i32>} : memref<256x64xf32, #tpu.memory_space<vmem>>, vector<16xf32>,
        %mul3A_263 = arith.mulf %get3A_83, %get3A_262 : vector<16xf32>
        %get3A_264 = arith.index_cast %add3A_259 : i32 to index
        %get3A_265 = arith.constant 16 : index
        %get3A_266 = tpu.vector_load %arg12[%get3A_264, %get3A_265] {strides = array<i32>} : memref<256x64xf32, #tpu.memory_space<vmem>>, vector<16xf32>,
        %mul3A_267 = arith.mulf %get3A_86, %get3A_266 : vector<16xf32>
        %add3A_268 = arith.addf %mul3A_263, %mul3A_267 : vector<16xf32>
        %get3A_269 = arith.index_cast %add3A_259 : i32 to index
        %get3A_270 = arith.constant 32 : index
        %get3A_271 = tpu.vector_load %arg12[%get3A_269, %get3A_270] {strides = array<i32>} : memref<256x64xf32, #tpu.memory_space<vmem>>, vector<16xf32>,
        %mul3A_272 = arith.mulf %get3A_89, %get3A_271 : vector<16xf32>
        %add3A_273 = arith.addf %add3A_268, %mul3A_272 : vector<16xf32>
        %get3A_274 = arith.index_cast %add3A_259 : i32 to index
        %get3A_275 = arith.constant 48 : index
        %get3A_276 = tpu.vector_load %arg12[%get3A_274, %get3A_275] {strides = array<i32>} : memref<256x64xf32, #tpu.memory_space<vmem>>, vector<16xf32>,
        %mul3A_277 = arith.mulf %get3A_92, %get3A_276 : vector<16xf32>
        %add3A_278 = arith.addf %add3A_273, %mul3A_277 : vector<16xf32>
        %broadcast_in_dim3A_279 = arith.constant 7 : i32
        %broadcast_in_dim3A_280 = vector.broadcast %broadcast_in_dim3A_279 : i32 to vector<16xi32>
        tpu.vector_store_idx %arg13[%iota3A, %broadcast_in_dim3A_280], %add3A_278 : memref<16x16xf32, #tpu.memory_space<vmem>>[vector<16xi32>, vector<16xi32>], vector<16xf32>,
        %add3A_281 = arith.constant 8 : i32
        %add3A_282 = arith.addi %add3A_96, %add3A_281 : i32
        %get3A_283 = arith.index_cast %add3A_282 : i32 to index
        %get3A_284 = arith.constant 0 : index
        %get3A_285 = tpu.vector_load %arg12[%get3A_283, %get3A_284] {strides = array<i32>} : memref<256x64xf32, #tpu.memory_space<vmem>>, vector<16xf32>,
        %mul3A_286 = arith.mulf %get3A_83, %get3A_285 : vector<16xf32>
        %get3A_287 = arith.index_cast %add3A_282 : i32 to index
        %get3A_288 = arith.constant 16 : index
        %get3A_289 = tpu.vector_load %arg12[%get3A_287, %get3A_288] {strides = array<i32>} : memref<256x64xf32, #tpu.memory_space<vmem>>, vector<16xf32>,
        %mul3A_290 = arith.mulf %get3A_86, %get3A_289 : vector<16xf32>
        %add3A_291 = arith.addf %mul3A_286, %mul3A_290 : vector<16xf32>
        %get3A_292 = arith.index_cast %add3A_282 : i32 to index
        %get3A_293 = arith.constant 32 : index
        %get3A_294 = tpu.vector_load %arg12[%get3A_292, %get3A_293] {strides = array<i32>} : memref<256x64xf32, #tpu.memory_space<vmem>>, vector<16xf32>,
        %mul3A_295 = arith.mulf %get3A_89, %get3A_294 : vector<16xf32>
        %add3A_296 = arith.addf %add3A_291, %mul3A_295 : vector<16xf32>
        %get3A_297 = arith.index_cast %add3A_282 : i32 to index
        %get3A_298 = arith.constant 48 : index
        %get3A_299 = tpu.vector_load %arg12[%get3A_297, %get3A_298] {strides = array<i32>} : memref<256x64xf32, #tpu.memory_space<vmem>>, vector<16xf32>,
        %mul3A_300 = arith.mulf %get3A_92, %get3A_299 : vector<16xf32>
        %add3A_301 = arith.addf %add3A_296, %mul3A_300 : vector<16xf32>
        %broadcast_in_dim3A_302 = arith.constant 8 : i32
        %broadcast_in_dim3A_303 = vector.broadcast %broadcast_in_dim3A_302 : i32 to vector<16xi32>
        tpu.vector_store_idx %arg13[%iota3A, %broadcast_in_dim3A_303], %add3A_301 : memref<16x16xf32, #tpu.memory_space<vmem>>[vector<16xi32>, vector<16xi32>], vector<16xf32>,
        %add3A_304 = arith.constant 9 : i32
        %add3A_305 = arith.addi %add3A_96, %add3A_304 : i32
        %get3A_306 = arith.index_cast %add3A_305 : i32 to index
        %get3A_307 = arith.constant 0 : index
        %get3A_308 = tpu.vector_load %arg12[%get3A_306, %get3A_307] {strides = array<i32>} : memref<256x64xf32, #tpu.memory_space<vmem>>, vector<16xf32>,
        %mul3A_309 = arith.mulf %get3A_83, %get3A_308 : vector<16xf32>
        %get3A_310 = arith.index_cast %add3A_305 : i32 to index
        %get3A_311 = arith.constant 16 : index
        %get3A_312 = tpu.vector_load %arg12[%get3A_310, %get3A_311] {strides = array<i32>} : memref<256x64xf32, #tpu.memory_space<vmem>>, vector<16xf32>,
        %mul3A_313 = arith.mulf %get3A_86, %get3A_312 : vector<16xf32>
        %add3A_314 = arith.addf %mul3A_309, %mul3A_313 : vector<16xf32>
        %get3A_315 = arith.index_cast %add3A_305 : i32 to index
        %get3A_316 = arith.constant 32 : index
        %get3A_317 = tpu.vector_load %arg12[%get3A_315, %get3A_316] {strides = array<i32>} : memref<256x64xf32, #tpu.memory_space<vmem>>, vector<16xf32>,
        %mul3A_318 = arith.mulf %get3A_89, %get3A_317 : vector<16xf32>
        %add3A_319 = arith.addf %add3A_314, %mul3A_318 : vector<16xf32>
        %get3A_320 = arith.index_cast %add3A_305 : i32 to index
        %get3A_321 = arith.constant 48 : index
        %get3A_322 = tpu.vector_load %arg12[%get3A_320, %get3A_321] {strides = array<i32>} : memref<256x64xf32, #tpu.memory_space<vmem>>, vector<16xf32>,
        %mul3A_323 = arith.mulf %get3A_92, %get3A_322 : vector<16xf32>
        %add3A_324 = arith.addf %add3A_319, %mul3A_323 : vector<16xf32>
        %broadcast_in_dim3A_325 = arith.constant 9 : i32
        %broadcast_in_dim3A_326 = vector.broadcast %broadcast_in_dim3A_325 : i32 to vector<16xi32>
        tpu.vector_store_idx %arg13[%iota3A, %broadcast_in_dim3A_326], %add3A_324 : memref<16x16xf32, #tpu.memory_space<vmem>>[vector<16xi32>, vector<16xi32>], vector<16xf32>,
        %add3A_327 = arith.constant 10 : i32
        %add3A_328 = arith.addi %add3A_96, %add3A_327 : i32
        %get3A_329 = arith.index_cast %add3A_328 : i32 to index
        %get3A_330 = arith.constant 0 : index
        %get3A_331 = tpu.vector_load %arg12[%get3A_329, %get3A_330] {strides = array<i32>} : memref<256x64xf32, #tpu.memory_space<vmem>>, vector<16xf32>,
        %mul3A_332 = arith.mulf %get3A_83, %get3A_331 : vector<16xf32>
        %get3A_333 = arith.index_cast %add3A_328 : i32 to index
        %get3A_334 = arith.constant 16 : index
        %get3A_335 = tpu.vector_load %arg12[%get3A_333, %get3A_334] {strides = array<i32>} : memref<256x64xf32, #tpu.memory_space<vmem>>, vector<16xf32>,
        %mul3A_336 = arith.mulf %get3A_86, %get3A_335 : vector<16xf32>
        %add3A_337 = arith.addf %mul3A_332, %mul3A_336 : vector<16xf32>
        %get3A_338 = arith.index_cast %add3A_328 : i32 to index
        %get3A_339 = arith.constant 32 : index
        %get3A_340 = tpu.vector_load %arg12[%get3A_338, %get3A_339] {strides = array<i32>} : memref<256x64xf32, #tpu.memory_space<vmem>>, vector<16xf32>,
        %mul3A_341 = arith.mulf %get3A_89, %get3A_340 : vector<16xf32>
        %add3A_342 = arith.addf %add3A_337, %mul3A_341 : vector<16xf32>
        %get3A_343 = arith.index_cast %add3A_328 : i32 to index
        %get3A_344 = arith.constant 48 : index
        %get3A_345 = tpu.vector_load %arg12[%get3A_343, %get3A_344] {strides = array<i32>} : memref<256x64xf32, #tpu.memory_space<vmem>>, vector<16xf32>,
        %mul3A_346 = arith.mulf %get3A_92, %get3A_345 : vector<16xf32>
        %add3A_347 = arith.addf %add3A_342, %mul3A_346 : vector<16xf32>
        %broadcast_in_dim3A_348 = arith.constant 10 : i32
        %broadcast_in_dim3A_349 = vector.broadcast %broadcast_in_dim3A_348 : i32 to vector<16xi32>
        tpu.vector_store_idx %arg13[%iota3A, %broadcast_in_dim3A_349], %add3A_347 : memref<16x16xf32, #tpu.memory_space<vmem>>[vector<16xi32>, vector<16xi32>], vector<16xf32>,
        %add3A_350 = arith.constant 11 : i32
        %add3A_351 = arith.addi %add3A_96, %add3A_350 : i32
        %get3A_352 = arith.index_cast %add3A_351 : i32 to index
        %get3A_353 = arith.constant 0 : index
        %get3A_354 = tpu.vector_load %arg12[%get3A_352, %get3A_353] {strides = array<i32>} : memref<256x64xf32, #tpu.memory_space<vmem>>, vector<16xf32>,
        %mul3A_355 = arith.mulf %get3A_83, %get3A_354 : vector<16xf32>
        %get3A_356 = arith.index_cast %add3A_351 : i32 to index
        %get3A_357 = arith.constant 16 : index
        %get3A_358 = tpu.vector_load %arg12[%get3A_356, %get3A_357] {strides = array<i32>} : memref<256x64xf32, #tpu.memory_space<vmem>>, vector<16xf32>,
        %mul3A_359 = arith.mulf %get3A_86, %get3A_358 : vector<16xf32>
        %add3A_360 = arith.addf %mul3A_355, %mul3A_359 : vector<16xf32>
        %get3A_361 = arith.index_cast %add3A_351 : i32 to index
        %get3A_362 = arith.constant 32 : index
        %get3A_363 = tpu.vector_load %arg12[%get3A_361, %get3A_362] {strides = array<i32>} : memref<256x64xf32, #tpu.memory_space<vmem>>, vector<16xf32>,
        %mul3A_364 = arith.mulf %get3A_89, %get3A_363 : vector<16xf32>
        %add3A_365 = arith.addf %add3A_360, %mul3A_364 : vector<16xf32>
        %get3A_366 = arith.index_cast %add3A_351 : i32 to index
        %get3A_367 = arith.constant 48 : index
        %get3A_368 = tpu.vector_load %arg12[%get3A_366, %get3A_367] {strides = array<i32>} : memref<256x64xf32, #tpu.memory_space<vmem>>, vector<16xf32>,
        %mul3A_369 = arith.mulf %get3A_92, %get3A_368 : vector<16xf32>
        %add3A_370 = arith.addf %add3A_365, %mul3A_369 : vector<16xf32>
        %broadcast_in_dim3A_371 = arith.constant 11 : i32
        %broadcast_in_dim3A_372 = vector.broadcast %broadcast_in_dim3A_371 : i32 to vector<16xi32>
        tpu.vector_store_idx %arg13[%iota3A, %broadcast_in_dim3A_372], %add3A_370 : memref<16x16xf32, #tpu.memory_space<vmem>>[vector<16xi32>, vector<16xi32>], vector<16xf32>,
        %add3A_373 = arith.constant 12 : i32
        %add3A_374 = arith.addi %add3A_96, %add3A_373 : i32
        %get3A_375 = arith.index_cast %add3A_374 : i32 to index
        %get3A_376 = arith.constant 0 : index
        %get3A_377 = tpu.vector_load %arg12[%get3A_375, %get3A_376] {strides = array<i32>} : memref<256x64xf32, #tpu.memory_space<vmem>>, vector<16xf32>,
        %mul3A_378 = arith.mulf %get3A_83, %get3A_377 : vector<16xf32>
        %get3A_379 = arith.index_cast %add3A_374 : i32 to index
        %get3A_380 = arith.constant 16 : index
        %get3A_381 = tpu.vector_load %arg12[%get3A_379, %get3A_380] {strides = array<i32>} : memref<256x64xf32, #tpu.memory_space<vmem>>, vector<16xf32>,
        %mul3A_382 = arith.mulf %get3A_86, %get3A_381 : vector<16xf32>
        %add3A_383 = arith.addf %mul3A_378, %mul3A_382 : vector<16xf32>
        %get3A_384 = arith.index_cast %add3A_374 : i32 to index
        %get3A_385 = arith.constant 32 : index
        %get3A_386 = tpu.vector_load %arg12[%get3A_384, %get3A_385] {strides = array<i32>} : memref<256x64xf32, #tpu.memory_space<vmem>>, vector<16xf32>,
        %mul3A_387 = arith.mulf %get3A_89, %get3A_386 : vector<16xf32>
        %add3A_388 = arith.addf %add3A_383, %mul3A_387 : vector<16xf32>
        %get3A_389 = arith.index_cast %add3A_374 : i32 to index
        %get3A_390 = arith.constant 48 : index
        %get3A_391 = tpu.vector_load %arg12[%get3A_389, %get3A_390] {strides = array<i32>} : memref<256x64xf32, #tpu.memory_space<vmem>>, vector<16xf32>,
        %mul3A_392 = arith.mulf %get3A_92, %get3A_391 : vector<16xf32>
        %add3A_393 = arith.addf %add3A_388, %mul3A_392 : vector<16xf32>
        %broadcast_in_dim3A_394 = arith.constant 12 : i32
        %broadcast_in_dim3A_395 = vector.broadcast %broadcast_in_dim3A_394 : i32 to vector<16xi32>
        tpu.vector_store_idx %arg13[%iota3A, %broadcast_in_dim3A_395], %add3A_393 : memref<16x16xf32, #tpu.memory_space<vmem>>[vector<16xi32>, vector<16xi32>], vector<16xf32>,
        %add3A_396 = arith.constant 13 : i32
        %add3A_397 = arith.addi %add3A_96, %add3A_396 : i32
        %get3A_398 = arith.index_cast %add3A_397 : i32 to index
        %get3A_399 = arith.constant 0 : index
        %get3A_400 = tpu.vector_load %arg12[%get3A_398, %get3A_399] {strides = array<i32>} : memref<256x64xf32, #tpu.memory_space<vmem>>, vector<16xf32>,
        %mul3A_401 = arith.mulf %get3A_83, %get3A_400 : vector<16xf32>
        %get3A_402 = arith.index_cast %add3A_397 : i32 to index
        %get3A_403 = arith.constant 16 : index
        %get3A_404 = tpu.vector_load %arg12[%get3A_402, %get3A_403] {strides = array<i32>} : memref<256x64xf32, #tpu.memory_space<vmem>>, vector<16xf32>,
        %mul3A_405 = arith.mulf %get3A_86, %get3A_404 : vector<16xf32>
        %add3A_406 = arith.addf %mul3A_401, %mul3A_405 : vector<16xf32>
        %get3A_407 = arith.index_cast %add3A_397 : i32 to index
        %get3A_408 = arith.constant 32 : index
        %get3A_409 = tpu.vector_load %arg12[%get3A_407, %get3A_408] {strides = array<i32>} : memref<256x64xf32, #tpu.memory_space<vmem>>, vector<16xf32>,
        %mul3A_410 = arith.mulf %get3A_89, %get3A_409 : vector<16xf32>
        %add3A_411 = arith.addf %add3A_406, %mul3A_410 : vector<16xf32>
        %get3A_412 = arith.index_cast %add3A_397 : i32 to index
        %get3A_413 = arith.constant 48 : index
        %get3A_414 = tpu.vector_load %arg12[%get3A_412, %get3A_413] {strides = array<i32>} : memref<256x64xf32, #tpu.memory_space<vmem>>, vector<16xf32>,
        %mul3A_415 = arith.mulf %get3A_92, %get3A_414 : vector<16xf32>
        %add3A_416 = arith.addf %add3A_411, %mul3A_415 : vector<16xf32>
        %broadcast_in_dim3A_417 = arith.constant 13 : i32
        %broadcast_in_dim3A_418 = vector.broadcast %broadcast_in_dim3A_417 : i32 to vector<16xi32>
        tpu.vector_store_idx %arg13[%iota3A, %broadcast_in_dim3A_418], %add3A_416 : memref<16x16xf32, #tpu.memory_space<vmem>>[vector<16xi32>, vector<16xi32>], vector<16xf32>,
        %add3A_419 = arith.constant 14 : i32
        %add3A_420 = arith.addi %add3A_96, %add3A_419 : i32
        %get3A_421 = arith.index_cast %add3A_420 : i32 to index
        %get3A_422 = arith.constant 0 : index
        %get3A_423 = tpu.vector_load %arg12[%get3A_421, %get3A_422] {strides = array<i32>} : memref<256x64xf32, #tpu.memory_space<vmem>>, vector<16xf32>,
        %mul3A_424 = arith.mulf %get3A_83, %get3A_423 : vector<16xf32>
        %get3A_425 = arith.index_cast %add3A_420 : i32 to index
        %get3A_426 = arith.constant 16 : index
        %get3A_427 = tpu.vector_load %arg12[%get3A_425, %get3A_426] {strides = array<i32>} : memref<256x64xf32, #tpu.memory_space<vmem>>, vector<16xf32>,
        %mul3A_428 = arith.mulf %get3A_86, %get3A_427 : vector<16xf32>
        %add3A_429 = arith.addf %mul3A_424, %mul3A_428 : vector<16xf32>
        %get3A_430 = arith.index_cast %add3A_420 : i32 to index
        %get3A_431 = arith.constant 32 : index
        %get3A_432 = tpu.vector_load %arg12[%get3A_430, %get3A_431] {strides = array<i32>} : memref<256x64xf32, #tpu.memory_space<vmem>>, vector<16xf32>,
        %mul3A_433 = arith.mulf %get3A_89, %get3A_432 : vector<16xf32>
        %add3A_434 = arith.addf %add3A_429, %mul3A_433 : vector<16xf32>
        %get3A_435 = arith.index_cast %add3A_420 : i32 to index
        %get3A_436 = arith.constant 48 : index
        %get3A_437 = tpu.vector_load %arg12[%get3A_435, %get3A_436] {strides = array<i32>} : memref<256x64xf32, #tpu.memory_space<vmem>>, vector<16xf32>,
        %mul3A_438 = arith.mulf %get3A_92, %get3A_437 : vector<16xf32>
        %add3A_439 = arith.addf %add3A_434, %mul3A_438 : vector<16xf32>
        %broadcast_in_dim3A_440 = arith.constant 14 : i32
        %broadcast_in_dim3A_441 = vector.broadcast %broadcast_in_dim3A_440 : i32 to vector<16xi32>
        tpu.vector_store_idx %arg13[%iota3A, %broadcast_in_dim3A_441], %add3A_439 : memref<16x16xf32, #tpu.memory_space<vmem>>[vector<16xi32>, vector<16xi32>], vector<16xf32>,
        %add3A_442 = arith.constant 15 : i32
        %add3A_443 = arith.addi %add3A_96, %add3A_442 : i32
        %get3A_444 = arith.index_cast %add3A_443 : i32 to index
        %get3A_445 = arith.constant 0 : index
        %get3A_446 = tpu.vector_load %arg12[%get3A_444, %get3A_445] {strides = array<i32>} : memref<256x64xf32, #tpu.memory_space<vmem>>, vector<16xf32>,
        %mul3A_447 = arith.mulf %get3A_83, %get3A_446 : vector<16xf32>
        %get3A_448 = arith.index_cast %add3A_443 : i32 to index
        %get3A_449 = arith.constant 16 : index
        %get3A_450 = tpu.vector_load %arg12[%get3A_448, %get3A_449] {strides = array<i32>} : memref<256x64xf32, #tpu.memory_space<vmem>>, vector<16xf32>,
        %mul3A_451 = arith.mulf %get3A_86, %get3A_450 : vector<16xf32>
        %add3A_452 = arith.addf %mul3A_447, %mul3A_451 : vector<16xf32>
        %get3A_453 = arith.index_cast %add3A_443 : i32 to index
        %get3A_454 = arith.constant 32 : index
        %get3A_455 = tpu.vector_load %arg12[%get3A_453, %get3A_454] {strides = array<i32>} : memref<256x64xf32, #tpu.memory_space<vmem>>, vector<16xf32>,
        %mul3A_456 = arith.mulf %get3A_89, %get3A_455 : vector<16xf32>
        %add3A_457 = arith.addf %add3A_452, %mul3A_456 : vector<16xf32>
        %get3A_458 = arith.index_cast %add3A_443 : i32 to index
        %get3A_459 = arith.constant 48 : index
        %get3A_460 = tpu.vector_load %arg12[%get3A_458, %get3A_459] {strides = array<i32>} : memref<256x64xf32, #tpu.memory_space<vmem>>, vector<16xf32>,
        %mul3A_461 = arith.mulf %get3A_92, %get3A_460 : vector<16xf32>
        %add3A_462 = arith.addf %add3A_457, %mul3A_461 : vector<16xf32>
        %broadcast_in_dim3A_463 = arith.constant 15 : i32
        %broadcast_in_dim3A_464 = vector.broadcast %broadcast_in_dim3A_463 : i32 to vector<16xi32>
        tpu.vector_store_idx %arg13[%iota3A, %broadcast_in_dim3A_464], %add3A_462 : memref<16x16xf32, #tpu.memory_space<vmem>>[vector<16xi32>, vector<16xi32>], vector<16xf32>,
        %get3A_465 = arith.constant 0 : i32
        %get3A_466 = arith.index_cast %get3A_465 : i32 to index
        %get3A_467 = arith.constant 0 : index
        %get3A_468 = tpu.vector_load %arg13[%get3A_466, %get3A_467] {strides = array<i32>} : memref<16x16xf32, #tpu.memory_space<vmem>>, vector<16xf32>,
        %get3A_469 = arith.constant 1 : i32
        %get3A_470 = arith.index_cast %get3A_469 : i32 to index
        %get3A_471 = arith.constant 0 : index
        %get3A_472 = tpu.vector_load %arg13[%get3A_470, %get3A_471] {strides = array<i32>} : memref<16x16xf32, #tpu.memory_space<vmem>>, vector<16xf32>,
        %add3A_473 = arith.addf %get3A_468, %get3A_472 : vector<16xf32>
        %get3A_474 = arith.constant 2 : i32
        %get3A_475 = arith.index_cast %get3A_474 : i32 to index
        %get3A_476 = arith.constant 0 : index
        %get3A_477 = tpu.vector_load %arg13[%get3A_475, %get3A_476] {strides = array<i32>} : memref<16x16xf32, #tpu.memory_space<vmem>>, vector<16xf32>,
        %add3A_478 = arith.addf %add3A_473, %get3A_477 : vector<16xf32>
        %get3A_479 = arith.constant 3 : i32
        %get3A_480 = arith.index_cast %get3A_479 : i32 to index
        %get3A_481 = arith.constant 0 : index
        %get3A_482 = tpu.vector_load %arg13[%get3A_480, %get3A_481] {strides = array<i32>} : memref<16x16xf32, #tpu.memory_space<vmem>>, vector<16xf32>,
        %add3A_483 = arith.addf %add3A_478, %get3A_482 : vector<16xf32>
        %get3A_484 = arith.constant 4 : i32
        %get3A_485 = arith.index_cast %get3A_484 : i32 to index
        %get3A_486 = arith.constant 0 : index
        %get3A_487 = tpu.vector_load %arg13[%get3A_485, %get3A_486] {strides = array<i32>} : memref<16x16xf32, #tpu.memory_space<vmem>>, vector<16xf32>,
        %add3A_488 = arith.addf %add3A_483, %get3A_487 : vector<16xf32>
        %get3A_489 = arith.constant 5 : i32
        %get3A_490 = arith.index_cast %get3A_489 : i32 to index
        %get3A_491 = arith.constant 0 : index
        %get3A_492 = tpu.vector_load %arg13[%get3A_490, %get3A_491] {strides = array<i32>} : memref<16x16xf32, #tpu.memory_space<vmem>>, vector<16xf32>,
        %add3A_493 = arith.addf %add3A_488, %get3A_492 : vector<16xf32>
        %get3A_494 = arith.constant 6 : i32
        %get3A_495 = arith.index_cast %get3A_494 : i32 to index
        %get3A_496 = arith.constant 0 : index
        %get3A_497 = tpu.vector_load %arg13[%get3A_495, %get3A_496] {strides = array<i32>} : memref<16x16xf32, #tpu.memory_space<vmem>>, vector<16xf32>,
        %add3A_498 = arith.addf %add3A_493, %get3A_497 : vector<16xf32>
        %get3A_499 = arith.constant 7 : i32
        %get3A_500 = arith.index_cast %get3A_499 : i32 to index
        %get3A_501 = arith.constant 0 : index
        %get3A_502 = tpu.vector_load %arg13[%get3A_500, %get3A_501] {strides = array<i32>} : memref<16x16xf32, #tpu.memory_space<vmem>>, vector<16xf32>,
        %add3A_503 = arith.addf %add3A_498, %get3A_502 : vector<16xf32>
        %get3A_504 = arith.constant 8 : i32
        %get3A_505 = arith.index_cast %get3A_504 : i32 to index
        %get3A_506 = arith.constant 0 : index
        %get3A_507 = tpu.vector_load %arg13[%get3A_505, %get3A_506] {strides = array<i32>} : memref<16x16xf32, #tpu.memory_space<vmem>>, vector<16xf32>,
        %add3A_508 = arith.addf %add3A_503, %get3A_507 : vector<16xf32>
        %get3A_509 = arith.constant 9 : i32
        %get3A_510 = arith.index_cast %get3A_509 : i32 to index
        %get3A_511 = arith.constant 0 : index
        %get3A_512 = tpu.vector_load %arg13[%get3A_510, %get3A_511] {strides = array<i32>} : memref<16x16xf32, #tpu.memory_space<vmem>>, vector<16xf32>,
        %add3A_513 = arith.addf %add3A_508, %get3A_512 : vector<16xf32>
        %get3A_514 = arith.constant 10 : i32
        %get3A_515 = arith.index_cast %get3A_514 : i32 to index
        %get3A_516 = arith.constant 0 : index
        %get3A_517 = tpu.vector_load %arg13[%get3A_515, %get3A_516] {strides = array<i32>} : memref<16x16xf32, #tpu.memory_space<vmem>>, vector<16xf32>,
        %add3A_518 = arith.addf %add3A_513, %get3A_517 : vector<16xf32>
        %get3A_519 = arith.constant 11 : i32
        %get3A_520 = arith.index_cast %get3A_519 : i32 to index
        %get3A_521 = arith.constant 0 : index
        %get3A_522 = tpu.vector_load %arg13[%get3A_520, %get3A_521] {strides = array<i32>} : memref<16x16xf32, #tpu.memory_space<vmem>>, vector<16xf32>,
        %add3A_523 = arith.addf %add3A_518, %get3A_522 : vector<16xf32>
        %get3A_524 = arith.constant 12 : i32
        %get3A_525 = arith.index_cast %get3A_524 : i32 to index
        %get3A_526 = arith.constant 0 : index
        %get3A_527 = tpu.vector_load %arg13[%get3A_525, %get3A_526] {strides = array<i32>} : memref<16x16xf32, #tpu.memory_space<vmem>>, vector<16xf32>,
        %add3A_528 = arith.addf %add3A_523, %get3A_527 : vector<16xf32>
        %get3A_529 = arith.constant 13 : i32
        %get3A_530 = arith.index_cast %get3A_529 : i32 to index
        %get3A_531 = arith.constant 0 : index
        %get3A_532 = tpu.vector_load %arg13[%get3A_530, %get3A_531] {strides = array<i32>} : memref<16x16xf32, #tpu.memory_space<vmem>>, vector<16xf32>,
        %add3A_533 = arith.addf %add3A_528, %get3A_532 : vector<16xf32>
        %get3A_534 = arith.constant 14 : i32
        %get3A_535 = arith.index_cast %get3A_534 : i32 to index
        %get3A_536 = arith.constant 0 : index
        %get3A_537 = tpu.vector_load %arg13[%get3A_535, %get3A_536] {strides = array<i32>} : memref<16x16xf32, #tpu.memory_space<vmem>>, vector<16xf32>,
        %add3A_538 = arith.addf %add3A_533, %get3A_537 : vector<16xf32>
        %get3A_539 = arith.constant 15 : i32
        %get3A_540 = arith.index_cast %get3A_539 : i32 to index
        %get3A_541 = arith.constant 0 : index
        %get3A_542 = tpu.vector_load %arg13[%get3A_540, %get3A_541] {strides = array<i32>} : memref<16x16xf32, #tpu.memory_space<vmem>>, vector<16xf32>,
        %add3A_543 = arith.addf %add3A_538, %get3A_542 : vector<16xf32>
        %mul3A_544 = arith.constant 8 : i32
        %mul3A_545 = arith.muli %add3A_75, %mul3A_544 : i32
        %mul3A_546 = arith.constant 32 : i32
        %mul3A_547 = arith.muli %mul3A_545, %mul3A_546 : i32
        %add3A_548 = arith.addi %mul3A_547, %add3A_96 : i32
        %get3A_549 = arith.index_cast %add3A_548 : i32 to index
        %get3A_550 = tpu.vector_load %arg8[%get3A_549] {strides = array<i32>} : memref<16384xi32, #tpu.memory_space<vmem>>, vector<16xi32>,
        %lt3A_551 = arith.constant 10 : i32
        %lt3A_552 = vector.broadcast %lt3A_551 : i32 to vector<16xi32>
        %lt3A_553 = arith.cmpi slt, %iota3A, %lt3A_552 : vector<16xi32>
        %eq3A = arith.constant 0 : i32
        %eq3A_554 = vector.broadcast %eq3A : i32 to vector<16xi32>
        %eq3A_555 = arith.cmpi eq, %get3A_550, %eq3A_554 : vector<16xi32>
        %and3A = arith.andi %lt3A_553, %eq3A_555 : vector<16xi1>
        %mul3A_556 = arith.mulf %add3A_543, %select_n3A : vector<16xf32>
        %jit3A_557 = arith.constant 1.000000e+02 : f32
        %broadcast_in_dim3A_558 = vector.broadcast %jit3A_557 : f32 to vector<16xf32>
        %select_n3A_559 = arith.select %and3A, %broadcast_in_dim3A_558, %mul3A_556 : vector<16xi1>, vector<16xf32>
        %swap3A = arith.index_cast %add3A_548 : i32 to index
        %swap3A_560 = tpu.vector_load %arg14[%swap3A] {strides = array<i32>} : memref<16384xf32, #tpu.memory_space<vmem>>, vector<16xf32>,
        tpu.vector_store %arg14[%swap3A], %select_n3A_559 {strides = array<i32>} : memref<16384xf32, #tpu.memory_space<vmem>>, vector<16xf32>,
        %mul3A_561 = arith.constant 32 : i32
        %mul3A_562 = arith.muli %scan3A_81, %mul3A_561 : i32
        %add3A_563 = arith.constant 16 : i32
        %add3A_564 = arith.addi %mul3A_562, %add3A_563 : i32
        %add3A_565 = arith.constant 0 : i32
        %add3A_566 = arith.addi %add3A_564, %add3A_565 : i32
        %get3A_567 = arith.index_cast %add3A_566 : i32 to index
        %get3A_568 = arith.constant 0 : index
        %get3A_569 = tpu.vector_load %arg12[%get3A_567, %get3A_568] {strides = array<i32>} : memref<256x64xf32, #tpu.memory_space<vmem>>, vector<16xf32>,
        %mul3A_570 = arith.mulf %get3A_83, %get3A_569 : vector<16xf32>
        %get3A_571 = arith.index_cast %add3A_566 : i32 to index
        %get3A_572 = arith.constant 16 : index
        %get3A_573 = tpu.vector_load %arg12[%get3A_571, %get3A_572] {strides = array<i32>} : memref<256x64xf32, #tpu.memory_space<vmem>>, vector<16xf32>,
        %mul3A_574 = arith.mulf %get3A_86, %get3A_573 : vector<16xf32>
        %add3A_575 = arith.addf %mul3A_570, %mul3A_574 : vector<16xf32>
        %get3A_576 = arith.index_cast %add3A_566 : i32 to index
        %get3A_577 = arith.constant 32 : index
        %get3A_578 = tpu.vector_load %arg12[%get3A_576, %get3A_577] {strides = array<i32>} : memref<256x64xf32, #tpu.memory_space<vmem>>, vector<16xf32>,
        %mul3A_579 = arith.mulf %get3A_89, %get3A_578 : vector<16xf32>
        %add3A_580 = arith.addf %add3A_575, %mul3A_579 : vector<16xf32>
        %get3A_581 = arith.index_cast %add3A_566 : i32 to index
        %get3A_582 = arith.constant 48 : index
        %get3A_583 = tpu.vector_load %arg12[%get3A_581, %get3A_582] {strides = array<i32>} : memref<256x64xf32, #tpu.memory_space<vmem>>, vector<16xf32>,
        %mul3A_584 = arith.mulf %get3A_92, %get3A_583 : vector<16xf32>
        %add3A_585 = arith.addf %add3A_580, %mul3A_584 : vector<16xf32>
        %broadcast_in_dim3A_586 = arith.constant 0 : i32
        %broadcast_in_dim3A_587 = vector.broadcast %broadcast_in_dim3A_586 : i32 to vector<16xi32>
        tpu.vector_store_idx %arg13[%iota3A, %broadcast_in_dim3A_587], %add3A_585 : memref<16x16xf32, #tpu.memory_space<vmem>>[vector<16xi32>, vector<16xi32>], vector<16xf32>,
        %add3A_588 = arith.constant 1 : i32
        %add3A_589 = arith.addi %add3A_564, %add3A_588 : i32
        %get3A_590 = arith.index_cast %add3A_589 : i32 to index
        %get3A_591 = arith.constant 0 : index
        %get3A_592 = tpu.vector_load %arg12[%get3A_590, %get3A_591] {strides = array<i32>} : memref<256x64xf32, #tpu.memory_space<vmem>>, vector<16xf32>,
        %mul3A_593 = arith.mulf %get3A_83, %get3A_592 : vector<16xf32>
        %get3A_594 = arith.index_cast %add3A_589 : i32 to index
        %get3A_595 = arith.constant 16 : index
        %get3A_596 = tpu.vector_load %arg12[%get3A_594, %get3A_595] {strides = array<i32>} : memref<256x64xf32, #tpu.memory_space<vmem>>, vector<16xf32>,
        %mul3A_597 = arith.mulf %get3A_86, %get3A_596 : vector<16xf32>
        %add3A_598 = arith.addf %mul3A_593, %mul3A_597 : vector<16xf32>
        %get3A_599 = arith.index_cast %add3A_589 : i32 to index
        %get3A_600 = arith.constant 32 : index
        %get3A_601 = tpu.vector_load %arg12[%get3A_599, %get3A_600] {strides = array<i32>} : memref<256x64xf32, #tpu.memory_space<vmem>>, vector<16xf32>,
        %mul3A_602 = arith.mulf %get3A_89, %get3A_601 : vector<16xf32>
        %add3A_603 = arith.addf %add3A_598, %mul3A_602 : vector<16xf32>
        %get3A_604 = arith.index_cast %add3A_589 : i32 to index
        %get3A_605 = arith.constant 48 : index
        %get3A_606 = tpu.vector_load %arg12[%get3A_604, %get3A_605] {strides = array<i32>} : memref<256x64xf32, #tpu.memory_space<vmem>>, vector<16xf32>,
        %mul3A_607 = arith.mulf %get3A_92, %get3A_606 : vector<16xf32>
        %add3A_608 = arith.addf %add3A_603, %mul3A_607 : vector<16xf32>
        %broadcast_in_dim3A_609 = arith.constant 1 : i32
        %broadcast_in_dim3A_610 = vector.broadcast %broadcast_in_dim3A_609 : i32 to vector<16xi32>
        tpu.vector_store_idx %arg13[%iota3A, %broadcast_in_dim3A_610], %add3A_608 : memref<16x16xf32, #tpu.memory_space<vmem>>[vector<16xi32>, vector<16xi32>], vector<16xf32>,
        %add3A_611 = arith.constant 2 : i32
        %add3A_612 = arith.addi %add3A_564, %add3A_611 : i32
        %get3A_613 = arith.index_cast %add3A_612 : i32 to index
        %get3A_614 = arith.constant 0 : index
        %get3A_615 = tpu.vector_load %arg12[%get3A_613, %get3A_614] {strides = array<i32>} : memref<256x64xf32, #tpu.memory_space<vmem>>, vector<16xf32>,
        %mul3A_616 = arith.mulf %get3A_83, %get3A_615 : vector<16xf32>
        %get3A_617 = arith.index_cast %add3A_612 : i32 to index
        %get3A_618 = arith.constant 16 : index
        %get3A_619 = tpu.vector_load %arg12[%get3A_617, %get3A_618] {strides = array<i32>} : memref<256x64xf32, #tpu.memory_space<vmem>>, vector<16xf32>,
        %mul3A_620 = arith.mulf %get3A_86, %get3A_619 : vector<16xf32>
        %add3A_621 = arith.addf %mul3A_616, %mul3A_620 : vector<16xf32>
        %get3A_622 = arith.index_cast %add3A_612 : i32 to index
        %get3A_623 = arith.constant 32 : index
        %get3A_624 = tpu.vector_load %arg12[%get3A_622, %get3A_623] {strides = array<i32>} : memref<256x64xf32, #tpu.memory_space<vmem>>, vector<16xf32>,
        %mul3A_625 = arith.mulf %get3A_89, %get3A_624 : vector<16xf32>
        %add3A_626 = arith.addf %add3A_621, %mul3A_625 : vector<16xf32>
        %get3A_627 = arith.index_cast %add3A_612 : i32 to index
        %get3A_628 = arith.constant 48 : index
        %get3A_629 = tpu.vector_load %arg12[%get3A_627, %get3A_628] {strides = array<i32>} : memref<256x64xf32, #tpu.memory_space<vmem>>, vector<16xf32>,
        %mul3A_630 = arith.mulf %get3A_92, %get3A_629 : vector<16xf32>
        %add3A_631 = arith.addf %add3A_626, %mul3A_630 : vector<16xf32>
        %broadcast_in_dim3A_632 = arith.constant 2 : i32
        %broadcast_in_dim3A_633 = vector.broadcast %broadcast_in_dim3A_632 : i32 to vector<16xi32>
        tpu.vector_store_idx %arg13[%iota3A, %broadcast_in_dim3A_633], %add3A_631 : memref<16x16xf32, #tpu.memory_space<vmem>>[vector<16xi32>, vector<16xi32>], vector<16xf32>,
        %add3A_634 = arith.constant 3 : i32
        %add3A_635 = arith.addi %add3A_564, %add3A_634 : i32
        %get3A_636 = arith.index_cast %add3A_635 : i32 to index
        %get3A_637 = arith.constant 0 : index
        %get3A_638 = tpu.vector_load %arg12[%get3A_636, %get3A_637] {strides = array<i32>} : memref<256x64xf32, #tpu.memory_space<vmem>>, vector<16xf32>,
        %mul3A_639 = arith.mulf %get3A_83, %get3A_638 : vector<16xf32>
        %get3A_640 = arith.index_cast %add3A_635 : i32 to index
        %get3A_641 = arith.constant 16 : index
        %get3A_642 = tpu.vector_load %arg12[%get3A_640, %get3A_641] {strides = array<i32>} : memref<256x64xf32, #tpu.memory_space<vmem>>, vector<16xf32>,
        %mul3A_643 = arith.mulf %get3A_86, %get3A_642 : vector<16xf32>
        %add3A_644 = arith.addf %mul3A_639, %mul3A_643 : vector<16xf32>
        %get3A_645 = arith.index_cast %add3A_635 : i32 to index
        %get3A_646 = arith.constant 32 : index
        %get3A_647 = tpu.vector_load %arg12[%get3A_645, %get3A_646] {strides = array<i32>} : memref<256x64xf32, #tpu.memory_space<vmem>>, vector<16xf32>,
        %mul3A_648 = arith.mulf %get3A_89, %get3A_647 : vector<16xf32>
        %add3A_649 = arith.addf %add3A_644, %mul3A_648 : vector<16xf32>
        %get3A_650 = arith.index_cast %add3A_635 : i32 to index
        %get3A_651 = arith.constant 48 : index
        %get3A_652 = tpu.vector_load %arg12[%get3A_650, %get3A_651] {strides = array<i32>} : memref<256x64xf32, #tpu.memory_space<vmem>>, vector<16xf32>,
        %mul3A_653 = arith.mulf %get3A_92, %get3A_652 : vector<16xf32>
        %add3A_654 = arith.addf %add3A_649, %mul3A_653 : vector<16xf32>
        %broadcast_in_dim3A_655 = arith.constant 3 : i32
        %broadcast_in_dim3A_656 = vector.broadcast %broadcast_in_dim3A_655 : i32 to vector<16xi32>
        tpu.vector_store_idx %arg13[%iota3A, %broadcast_in_dim3A_656], %add3A_654 : memref<16x16xf32, #tpu.memory_space<vmem>>[vector<16xi32>, vector<16xi32>], vector<16xf32>,
        %add3A_657 = arith.constant 4 : i32
        %add3A_658 = arith.addi %add3A_564, %add3A_657 : i32
        %get3A_659 = arith.index_cast %add3A_658 : i32 to index
        %get3A_660 = arith.constant 0 : index
        %get3A_661 = tpu.vector_load %arg12[%get3A_659, %get3A_660] {strides = array<i32>} : memref<256x64xf32, #tpu.memory_space<vmem>>, vector<16xf32>,
        %mul3A_662 = arith.mulf %get3A_83, %get3A_661 : vector<16xf32>
        %get3A_663 = arith.index_cast %add3A_658 : i32 to index
        %get3A_664 = arith.constant 16 : index
        %get3A_665 = tpu.vector_load %arg12[%get3A_663, %get3A_664] {strides = array<i32>} : memref<256x64xf32, #tpu.memory_space<vmem>>, vector<16xf32>,
        %mul3A_666 = arith.mulf %get3A_86, %get3A_665 : vector<16xf32>
        %add3A_667 = arith.addf %mul3A_662, %mul3A_666 : vector<16xf32>
        %get3A_668 = arith.index_cast %add3A_658 : i32 to index
        %get3A_669 = arith.constant 32 : index
        %get3A_670 = tpu.vector_load %arg12[%get3A_668, %get3A_669] {strides = array<i32>} : memref<256x64xf32, #tpu.memory_space<vmem>>, vector<16xf32>,
        %mul3A_671 = arith.mulf %get3A_89, %get3A_670 : vector<16xf32>
        %add3A_672 = arith.addf %add3A_667, %mul3A_671 : vector<16xf32>
        %get3A_673 = arith.index_cast %add3A_658 : i32 to index
        %get3A_674 = arith.constant 48 : index
        %get3A_675 = tpu.vector_load %arg12[%get3A_673, %get3A_674] {strides = array<i32>} : memref<256x64xf32, #tpu.memory_space<vmem>>, vector<16xf32>,
        %mul3A_676 = arith.mulf %get3A_92, %get3A_675 : vector<16xf32>
        %add3A_677 = arith.addf %add3A_672, %mul3A_676 : vector<16xf32>
        %broadcast_in_dim3A_678 = arith.constant 4 : i32
        %broadcast_in_dim3A_679 = vector.broadcast %broadcast_in_dim3A_678 : i32 to vector<16xi32>
        tpu.vector_store_idx %arg13[%iota3A, %broadcast_in_dim3A_679], %add3A_677 : memref<16x16xf32, #tpu.memory_space<vmem>>[vector<16xi32>, vector<16xi32>], vector<16xf32>,
        %add3A_680 = arith.constant 5 : i32
        %add3A_681 = arith.addi %add3A_564, %add3A_680 : i32
        %get3A_682 = arith.index_cast %add3A_681 : i32 to index
        %get3A_683 = arith.constant 0 : index
        %get3A_684 = tpu.vector_load %arg12[%get3A_682, %get3A_683] {strides = array<i32>} : memref<256x64xf32, #tpu.memory_space<vmem>>, vector<16xf32>,
        %mul3A_685 = arith.mulf %get3A_83, %get3A_684 : vector<16xf32>
        %get3A_686 = arith.index_cast %add3A_681 : i32 to index
        %get3A_687 = arith.constant 16 : index
        %get3A_688 = tpu.vector_load %arg12[%get3A_686, %get3A_687] {strides = array<i32>} : memref<256x64xf32, #tpu.memory_space<vmem>>, vector<16xf32>,
        %mul3A_689 = arith.mulf %get3A_86, %get3A_688 : vector<16xf32>
        %add3A_690 = arith.addf %mul3A_685, %mul3A_689 : vector<16xf32>
        %get3A_691 = arith.index_cast %add3A_681 : i32 to index
        %get3A_692 = arith.constant 32 : index
        %get3A_693 = tpu.vector_load %arg12[%get3A_691, %get3A_692] {strides = array<i32>} : memref<256x64xf32, #tpu.memory_space<vmem>>, vector<16xf32>,
        %mul3A_694 = arith.mulf %get3A_89, %get3A_693 : vector<16xf32>
        %add3A_695 = arith.addf %add3A_690, %mul3A_694 : vector<16xf32>
        %get3A_696 = arith.index_cast %add3A_681 : i32 to index
        %get3A_697 = arith.constant 48 : index
        %get3A_698 = tpu.vector_load %arg12[%get3A_696, %get3A_697] {strides = array<i32>} : memref<256x64xf32, #tpu.memory_space<vmem>>, vector<16xf32>,
        %mul3A_699 = arith.mulf %get3A_92, %get3A_698 : vector<16xf32>
        %add3A_700 = arith.addf %add3A_695, %mul3A_699 : vector<16xf32>
        %broadcast_in_dim3A_701 = arith.constant 5 : i32
        %broadcast_in_dim3A_702 = vector.broadcast %broadcast_in_dim3A_701 : i32 to vector<16xi32>
        tpu.vector_store_idx %arg13[%iota3A, %broadcast_in_dim3A_702], %add3A_700 : memref<16x16xf32, #tpu.memory_space<vmem>>[vector<16xi32>, vector<16xi32>], vector<16xf32>,
        %add3A_703 = arith.constant 6 : i32
        %add3A_704 = arith.addi %add3A_564, %add3A_703 : i32
        %get3A_705 = arith.index_cast %add3A_704 : i32 to index
        %get3A_706 = arith.constant 0 : index
        %get3A_707 = tpu.vector_load %arg12[%get3A_705, %get3A_706] {strides = array<i32>} : memref<256x64xf32, #tpu.memory_space<vmem>>, vector<16xf32>,
        %mul3A_708 = arith.mulf %get3A_83, %get3A_707 : vector<16xf32>
        %get3A_709 = arith.index_cast %add3A_704 : i32 to index
        %get3A_710 = arith.constant 16 : index
        %get3A_711 = tpu.vector_load %arg12[%get3A_709, %get3A_710] {strides = array<i32>} : memref<256x64xf32, #tpu.memory_space<vmem>>, vector<16xf32>,
        %mul3A_712 = arith.mulf %get3A_86, %get3A_711 : vector<16xf32>
        %add3A_713 = arith.addf %mul3A_708, %mul3A_712 : vector<16xf32>
        %get3A_714 = arith.index_cast %add3A_704 : i32 to index
        %get3A_715 = arith.constant 32 : index
        %get3A_716 = tpu.vector_load %arg12[%get3A_714, %get3A_715] {strides = array<i32>} : memref<256x64xf32, #tpu.memory_space<vmem>>, vector<16xf32>,
        %mul3A_717 = arith.mulf %get3A_89, %get3A_716 : vector<16xf32>
        %add3A_718 = arith.addf %add3A_713, %mul3A_717 : vector<16xf32>
        %get3A_719 = arith.index_cast %add3A_704 : i32 to index
        %get3A_720 = arith.constant 48 : index
        %get3A_721 = tpu.vector_load %arg12[%get3A_719, %get3A_720] {strides = array<i32>} : memref<256x64xf32, #tpu.memory_space<vmem>>, vector<16xf32>,
        %mul3A_722 = arith.mulf %get3A_92, %get3A_721 : vector<16xf32>
        %add3A_723 = arith.addf %add3A_718, %mul3A_722 : vector<16xf32>
        %broadcast_in_dim3A_724 = arith.constant 6 : i32
        %broadcast_in_dim3A_725 = vector.broadcast %broadcast_in_dim3A_724 : i32 to vector<16xi32>
        tpu.vector_store_idx %arg13[%iota3A, %broadcast_in_dim3A_725], %add3A_723 : memref<16x16xf32, #tpu.memory_space<vmem>>[vector<16xi32>, vector<16xi32>], vector<16xf32>,
        %add3A_726 = arith.constant 7 : i32
        %add3A_727 = arith.addi %add3A_564, %add3A_726 : i32
        %get3A_728 = arith.index_cast %add3A_727 : i32 to index
        %get3A_729 = arith.constant 0 : index
        %get3A_730 = tpu.vector_load %arg12[%get3A_728, %get3A_729] {strides = array<i32>} : memref<256x64xf32, #tpu.memory_space<vmem>>, vector<16xf32>,
        %mul3A_731 = arith.mulf %get3A_83, %get3A_730 : vector<16xf32>
        %get3A_732 = arith.index_cast %add3A_727 : i32 to index
        %get3A_733 = arith.constant 16 : index
        %get3A_734 = tpu.vector_load %arg12[%get3A_732, %get3A_733] {strides = array<i32>} : memref<256x64xf32, #tpu.memory_space<vmem>>, vector<16xf32>,
        %mul3A_735 = arith.mulf %get3A_86, %get3A_734 : vector<16xf32>
        %add3A_736 = arith.addf %mul3A_731, %mul3A_735 : vector<16xf32>
        %get3A_737 = arith.index_cast %add3A_727 : i32 to index
        %get3A_738 = arith.constant 32 : index
        %get3A_739 = tpu.vector_load %arg12[%get3A_737, %get3A_738] {strides = array<i32>} : memref<256x64xf32, #tpu.memory_space<vmem>>, vector<16xf32>,
        %mul3A_740 = arith.mulf %get3A_89, %get3A_739 : vector<16xf32>
        %add3A_741 = arith.addf %add3A_736, %mul3A_740 : vector<16xf32>
        %get3A_742 = arith.index_cast %add3A_727 : i32 to index
        %get3A_743 = arith.constant 48 : index
        %get3A_744 = tpu.vector_load %arg12[%get3A_742, %get3A_743] {strides = array<i32>} : memref<256x64xf32, #tpu.memory_space<vmem>>, vector<16xf32>,
        %mul3A_745 = arith.mulf %get3A_92, %get3A_744 : vector<16xf32>
        %add3A_746 = arith.addf %add3A_741, %mul3A_745 : vector<16xf32>
        %broadcast_in_dim3A_747 = arith.constant 7 : i32
        %broadcast_in_dim3A_748 = vector.broadcast %broadcast_in_dim3A_747 : i32 to vector<16xi32>
        tpu.vector_store_idx %arg13[%iota3A, %broadcast_in_dim3A_748], %add3A_746 : memref<16x16xf32, #tpu.memory_space<vmem>>[vector<16xi32>, vector<16xi32>], vector<16xf32>,
        %add3A_749 = arith.constant 8 : i32
        %add3A_750 = arith.addi %add3A_564, %add3A_749 : i32
        %get3A_751 = arith.index_cast %add3A_750 : i32 to index
        %get3A_752 = arith.constant 0 : index
        %get3A_753 = tpu.vector_load %arg12[%get3A_751, %get3A_752] {strides = array<i32>} : memref<256x64xf32, #tpu.memory_space<vmem>>, vector<16xf32>,
        %mul3A_754 = arith.mulf %get3A_83, %get3A_753 : vector<16xf32>
        %get3A_755 = arith.index_cast %add3A_750 : i32 to index
        %get3A_756 = arith.constant 16 : index
        %get3A_757 = tpu.vector_load %arg12[%get3A_755, %get3A_756] {strides = array<i32>} : memref<256x64xf32, #tpu.memory_space<vmem>>, vector<16xf32>,
        %mul3A_758 = arith.mulf %get3A_86, %get3A_757 : vector<16xf32>
        %add3A_759 = arith.addf %mul3A_754, %mul3A_758 : vector<16xf32>
        %get3A_760 = arith.index_cast %add3A_750 : i32 to index
        %get3A_761 = arith.constant 32 : index
        %get3A_762 = tpu.vector_load %arg12[%get3A_760, %get3A_761] {strides = array<i32>} : memref<256x64xf32, #tpu.memory_space<vmem>>, vector<16xf32>,
        %mul3A_763 = arith.mulf %get3A_89, %get3A_762 : vector<16xf32>
        %add3A_764 = arith.addf %add3A_759, %mul3A_763 : vector<16xf32>
        %get3A_765 = arith.index_cast %add3A_750 : i32 to index
        %get3A_766 = arith.constant 48 : index
        %get3A_767 = tpu.vector_load %arg12[%get3A_765, %get3A_766] {strides = array<i32>} : memref<256x64xf32, #tpu.memory_space<vmem>>, vector<16xf32>,
        %mul3A_768 = arith.mulf %get3A_92, %get3A_767 : vector<16xf32>
        %add3A_769 = arith.addf %add3A_764, %mul3A_768 : vector<16xf32>
        %broadcast_in_dim3A_770 = arith.constant 8 : i32
        %broadcast_in_dim3A_771 = vector.broadcast %broadcast_in_dim3A_770 : i32 to vector<16xi32>
        tpu.vector_store_idx %arg13[%iota3A, %broadcast_in_dim3A_771], %add3A_769 : memref<16x16xf32, #tpu.memory_space<vmem>>[vector<16xi32>, vector<16xi32>], vector<16xf32>,
        %add3A_772 = arith.constant 9 : i32
        %add3A_773 = arith.addi %add3A_564, %add3A_772 : i32
        %get3A_774 = arith.index_cast %add3A_773 : i32 to index
        %get3A_775 = arith.constant 0 : index
        %get3A_776 = tpu.vector_load %arg12[%get3A_774, %get3A_775] {strides = array<i32>} : memref<256x64xf32, #tpu.memory_space<vmem>>, vector<16xf32>,
        %mul3A_777 = arith.mulf %get3A_83, %get3A_776 : vector<16xf32>
        %get3A_778 = arith.index_cast %add3A_773 : i32 to index
        %get3A_779 = arith.constant 16 : index
        %get3A_780 = tpu.vector_load %arg12[%get3A_778, %get3A_779] {strides = array<i32>} : memref<256x64xf32, #tpu.memory_space<vmem>>, vector<16xf32>,
        %mul3A_781 = arith.mulf %get3A_86, %get3A_780 : vector<16xf32>
        %add3A_782 = arith.addf %mul3A_777, %mul3A_781 : vector<16xf32>
        %get3A_783 = arith.index_cast %add3A_773 : i32 to index
        %get3A_784 = arith.constant 32 : index
        %get3A_785 = tpu.vector_load %arg12[%get3A_783, %get3A_784] {strides = array<i32>} : memref<256x64xf32, #tpu.memory_space<vmem>>, vector<16xf32>,
        %mul3A_786 = arith.mulf %get3A_89, %get3A_785 : vector<16xf32>
        %add3A_787 = arith.addf %add3A_782, %mul3A_786 : vector<16xf32>
        %get3A_788 = arith.index_cast %add3A_773 : i32 to index
        %get3A_789 = arith.constant 48 : index
        %get3A_790 = tpu.vector_load %arg12[%get3A_788, %get3A_789] {strides = array<i32>} : memref<256x64xf32, #tpu.memory_space<vmem>>, vector<16xf32>,
        %mul3A_791 = arith.mulf %get3A_92, %get3A_790 : vector<16xf32>
        %add3A_792 = arith.addf %add3A_787, %mul3A_791 : vector<16xf32>
        %broadcast_in_dim3A_793 = arith.constant 9 : i32
        %broadcast_in_dim3A_794 = vector.broadcast %broadcast_in_dim3A_793 : i32 to vector<16xi32>
        tpu.vector_store_idx %arg13[%iota3A, %broadcast_in_dim3A_794], %add3A_792 : memref<16x16xf32, #tpu.memory_space<vmem>>[vector<16xi32>, vector<16xi32>], vector<16xf32>,
        %add3A_795 = arith.constant 10 : i32
        %add3A_796 = arith.addi %add3A_564, %add3A_795 : i32
        %get3A_797 = arith.index_cast %add3A_796 : i32 to index
        %get3A_798 = arith.constant 0 : index
        %get3A_799 = tpu.vector_load %arg12[%get3A_797, %get3A_798] {strides = array<i32>} : memref<256x64xf32, #tpu.memory_space<vmem>>, vector<16xf32>,
        %mul3A_800 = arith.mulf %get3A_83, %get3A_799 : vector<16xf32>
        %get3A_801 = arith.index_cast %add3A_796 : i32 to index
        %get3A_802 = arith.constant 16 : index
        %get3A_803 = tpu.vector_load %arg12[%get3A_801, %get3A_802] {strides = array<i32>} : memref<256x64xf32, #tpu.memory_space<vmem>>, vector<16xf32>,
        %mul3A_804 = arith.mulf %get3A_86, %get3A_803 : vector<16xf32>
        %add3A_805 = arith.addf %mul3A_800, %mul3A_804 : vector<16xf32>
        %get3A_806 = arith.index_cast %add3A_796 : i32 to index
        %get3A_807 = arith.constant 32 : index
        %get3A_808 = tpu.vector_load %arg12[%get3A_806, %get3A_807] {strides = array<i32>} : memref<256x64xf32, #tpu.memory_space<vmem>>, vector<16xf32>,
        %mul3A_809 = arith.mulf %get3A_89, %get3A_808 : vector<16xf32>
        %add3A_810 = arith.addf %add3A_805, %mul3A_809 : vector<16xf32>
        %get3A_811 = arith.index_cast %add3A_796 : i32 to index
        %get3A_812 = arith.constant 48 : index
        %get3A_813 = tpu.vector_load %arg12[%get3A_811, %get3A_812] {strides = array<i32>} : memref<256x64xf32, #tpu.memory_space<vmem>>, vector<16xf32>,
        %mul3A_814 = arith.mulf %get3A_92, %get3A_813 : vector<16xf32>
        %add3A_815 = arith.addf %add3A_810, %mul3A_814 : vector<16xf32>
        %broadcast_in_dim3A_816 = arith.constant 10 : i32
        %broadcast_in_dim3A_817 = vector.broadcast %broadcast_in_dim3A_816 : i32 to vector<16xi32>
        tpu.vector_store_idx %arg13[%iota3A, %broadcast_in_dim3A_817], %add3A_815 : memref<16x16xf32, #tpu.memory_space<vmem>>[vector<16xi32>, vector<16xi32>], vector<16xf32>,
        %add3A_818 = arith.constant 11 : i32
        %add3A_819 = arith.addi %add3A_564, %add3A_818 : i32
        %get3A_820 = arith.index_cast %add3A_819 : i32 to index
        %get3A_821 = arith.constant 0 : index
        %get3A_822 = tpu.vector_load %arg12[%get3A_820, %get3A_821] {strides = array<i32>} : memref<256x64xf32, #tpu.memory_space<vmem>>, vector<16xf32>,
        %mul3A_823 = arith.mulf %get3A_83, %get3A_822 : vector<16xf32>
        %get3A_824 = arith.index_cast %add3A_819 : i32 to index
        %get3A_825 = arith.constant 16 : index
        %get3A_826 = tpu.vector_load %arg12[%get3A_824, %get3A_825] {strides = array<i32>} : memref<256x64xf32, #tpu.memory_space<vmem>>, vector<16xf32>,
        %mul3A_827 = arith.mulf %get3A_86, %get3A_826 : vector<16xf32>
        %add3A_828 = arith.addf %mul3A_823, %mul3A_827 : vector<16xf32>
        %get3A_829 = arith.index_cast %add3A_819 : i32 to index
        %get3A_830 = arith.constant 32 : index
        %get3A_831 = tpu.vector_load %arg12[%get3A_829, %get3A_830] {strides = array<i32>} : memref<256x64xf32, #tpu.memory_space<vmem>>, vector<16xf32>,
        %mul3A_832 = arith.mulf %get3A_89, %get3A_831 : vector<16xf32>
        %add3A_833 = arith.addf %add3A_828, %mul3A_832 : vector<16xf32>
        %get3A_834 = arith.index_cast %add3A_819 : i32 to index
        %get3A_835 = arith.constant 48 : index
        %get3A_836 = tpu.vector_load %arg12[%get3A_834, %get3A_835] {strides = array<i32>} : memref<256x64xf32, #tpu.memory_space<vmem>>, vector<16xf32>,
        %mul3A_837 = arith.mulf %get3A_92, %get3A_836 : vector<16xf32>
        %add3A_838 = arith.addf %add3A_833, %mul3A_837 : vector<16xf32>
        %broadcast_in_dim3A_839 = arith.constant 11 : i32
        %broadcast_in_dim3A_840 = vector.broadcast %broadcast_in_dim3A_839 : i32 to vector<16xi32>
        tpu.vector_store_idx %arg13[%iota3A, %broadcast_in_dim3A_840], %add3A_838 : memref<16x16xf32, #tpu.memory_space<vmem>>[vector<16xi32>, vector<16xi32>], vector<16xf32>,
        %add3A_841 = arith.constant 12 : i32
        %add3A_842 = arith.addi %add3A_564, %add3A_841 : i32
        %get3A_843 = arith.index_cast %add3A_842 : i32 to index
        %get3A_844 = arith.constant 0 : index
        %get3A_845 = tpu.vector_load %arg12[%get3A_843, %get3A_844] {strides = array<i32>} : memref<256x64xf32, #tpu.memory_space<vmem>>, vector<16xf32>,
        %mul3A_846 = arith.mulf %get3A_83, %get3A_845 : vector<16xf32>
        %get3A_847 = arith.index_cast %add3A_842 : i32 to index
        %get3A_848 = arith.constant 16 : index
        %get3A_849 = tpu.vector_load %arg12[%get3A_847, %get3A_848] {strides = array<i32>} : memref<256x64xf32, #tpu.memory_space<vmem>>, vector<16xf32>,
        %mul3A_850 = arith.mulf %get3A_86, %get3A_849 : vector<16xf32>
        %add3A_851 = arith.addf %mul3A_846, %mul3A_850 : vector<16xf32>
        %get3A_852 = arith.index_cast %add3A_842 : i32 to index
        %get3A_853 = arith.constant 32 : index
        %get3A_854 = tpu.vector_load %arg12[%get3A_852, %get3A_853] {strides = array<i32>} : memref<256x64xf32, #tpu.memory_space<vmem>>, vector<16xf32>,
        %mul3A_855 = arith.mulf %get3A_89, %get3A_854 : vector<16xf32>
        %add3A_856 = arith.addf %add3A_851, %mul3A_855 : vector<16xf32>
        %get3A_857 = arith.index_cast %add3A_842 : i32 to index
        %get3A_858 = arith.constant 48 : index
        %get3A_859 = tpu.vector_load %arg12[%get3A_857, %get3A_858] {strides = array<i32>} : memref<256x64xf32, #tpu.memory_space<vmem>>, vector<16xf32>,
        %mul3A_860 = arith.mulf %get3A_92, %get3A_859 : vector<16xf32>
        %add3A_861 = arith.addf %add3A_856, %mul3A_860 : vector<16xf32>
        %broadcast_in_dim3A_862 = arith.constant 12 : i32
        %broadcast_in_dim3A_863 = vector.broadcast %broadcast_in_dim3A_862 : i32 to vector<16xi32>
        tpu.vector_store_idx %arg13[%iota3A, %broadcast_in_dim3A_863], %add3A_861 : memref<16x16xf32, #tpu.memory_space<vmem>>[vector<16xi32>, vector<16xi32>], vector<16xf32>,
        %add3A_864 = arith.constant 13 : i32
        %add3A_865 = arith.addi %add3A_564, %add3A_864 : i32
        %get3A_866 = arith.index_cast %add3A_865 : i32 to index
        %get3A_867 = arith.constant 0 : index
        %get3A_868 = tpu.vector_load %arg12[%get3A_866, %get3A_867] {strides = array<i32>} : memref<256x64xf32, #tpu.memory_space<vmem>>, vector<16xf32>,
        %mul3A_869 = arith.mulf %get3A_83, %get3A_868 : vector<16xf32>
        %get3A_870 = arith.index_cast %add3A_865 : i32 to index
        %get3A_871 = arith.constant 16 : index
        %get3A_872 = tpu.vector_load %arg12[%get3A_870, %get3A_871] {strides = array<i32>} : memref<256x64xf32, #tpu.memory_space<vmem>>, vector<16xf32>,
        %mul3A_873 = arith.mulf %get3A_86, %get3A_872 : vector<16xf32>
        %add3A_874 = arith.addf %mul3A_869, %mul3A_873 : vector<16xf32>
        %get3A_875 = arith.index_cast %add3A_865 : i32 to index
        %get3A_876 = arith.constant 32 : index
        %get3A_877 = tpu.vector_load %arg12[%get3A_875, %get3A_876] {strides = array<i32>} : memref<256x64xf32, #tpu.memory_space<vmem>>, vector<16xf32>,
        %mul3A_878 = arith.mulf %get3A_89, %get3A_877 : vector<16xf32>
        %add3A_879 = arith.addf %add3A_874, %mul3A_878 : vector<16xf32>
        %get3A_880 = arith.index_cast %add3A_865 : i32 to index
        %get3A_881 = arith.constant 48 : index
        %get3A_882 = tpu.vector_load %arg12[%get3A_880, %get3A_881] {strides = array<i32>} : memref<256x64xf32, #tpu.memory_space<vmem>>, vector<16xf32>,
        %mul3A_883 = arith.mulf %get3A_92, %get3A_882 : vector<16xf32>
        %add3A_884 = arith.addf %add3A_879, %mul3A_883 : vector<16xf32>
        %broadcast_in_dim3A_885 = arith.constant 13 : i32
        %broadcast_in_dim3A_886 = vector.broadcast %broadcast_in_dim3A_885 : i32 to vector<16xi32>
        tpu.vector_store_idx %arg13[%iota3A, %broadcast_in_dim3A_886], %add3A_884 : memref<16x16xf32, #tpu.memory_space<vmem>>[vector<16xi32>, vector<16xi32>], vector<16xf32>,
        %add3A_887 = arith.constant 14 : i32
        %add3A_888 = arith.addi %add3A_564, %add3A_887 : i32
        %get3A_889 = arith.index_cast %add3A_888 : i32 to index
        %get3A_890 = arith.constant 0 : index
        %get3A_891 = tpu.vector_load %arg12[%get3A_889, %get3A_890] {strides = array<i32>} : memref<256x64xf32, #tpu.memory_space<vmem>>, vector<16xf32>,
        %mul3A_892 = arith.mulf %get3A_83, %get3A_891 : vector<16xf32>
        %get3A_893 = arith.index_cast %add3A_888 : i32 to index
        %get3A_894 = arith.constant 16 : index
        %get3A_895 = tpu.vector_load %arg12[%get3A_893, %get3A_894] {strides = array<i32>} : memref<256x64xf32, #tpu.memory_space<vmem>>, vector<16xf32>,
        %mul3A_896 = arith.mulf %get3A_86, %get3A_895 : vector<16xf32>
        %add3A_897 = arith.addf %mul3A_892, %mul3A_896 : vector<16xf32>
        %get3A_898 = arith.index_cast %add3A_888 : i32 to index
        %get3A_899 = arith.constant 32 : index
        %get3A_900 = tpu.vector_load %arg12[%get3A_898, %get3A_899] {strides = array<i32>} : memref<256x64xf32, #tpu.memory_space<vmem>>, vector<16xf32>,
        %mul3A_901 = arith.mulf %get3A_89, %get3A_900 : vector<16xf32>
        %add3A_902 = arith.addf %add3A_897, %mul3A_901 : vector<16xf32>
        %get3A_903 = arith.index_cast %add3A_888 : i32 to index
        %get3A_904 = arith.constant 48 : index
        %get3A_905 = tpu.vector_load %arg12[%get3A_903, %get3A_904] {strides = array<i32>} : memref<256x64xf32, #tpu.memory_space<vmem>>, vector<16xf32>,
        %mul3A_906 = arith.mulf %get3A_92, %get3A_905 : vector<16xf32>
        %add3A_907 = arith.addf %add3A_902, %mul3A_906 : vector<16xf32>
        %broadcast_in_dim3A_908 = arith.constant 14 : i32
        %broadcast_in_dim3A_909 = vector.broadcast %broadcast_in_dim3A_908 : i32 to vector<16xi32>
        tpu.vector_store_idx %arg13[%iota3A, %broadcast_in_dim3A_909], %add3A_907 : memref<16x16xf32, #tpu.memory_space<vmem>>[vector<16xi32>, vector<16xi32>], vector<16xf32>,
        %add3A_910 = arith.constant 15 : i32
        %add3A_911 = arith.addi %add3A_564, %add3A_910 : i32
        %get3A_912 = arith.index_cast %add3A_911 : i32 to index
        %get3A_913 = arith.constant 0 : index
        %get3A_914 = tpu.vector_load %arg12[%get3A_912, %get3A_913] {strides = array<i32>} : memref<256x64xf32, #tpu.memory_space<vmem>>, vector<16xf32>,
        %mul3A_915 = arith.mulf %get3A_83, %get3A_914 : vector<16xf32>
        %get3A_916 = arith.index_cast %add3A_911 : i32 to index
        %get3A_917 = arith.constant 16 : index
        %get3A_918 = tpu.vector_load %arg12[%get3A_916, %get3A_917] {strides = array<i32>} : memref<256x64xf32, #tpu.memory_space<vmem>>, vector<16xf32>,
        %mul3A_919 = arith.mulf %get3A_86, %get3A_918 : vector<16xf32>
        %add3A_920 = arith.addf %mul3A_915, %mul3A_919 : vector<16xf32>
        %get3A_921 = arith.index_cast %add3A_911 : i32 to index
        %get3A_922 = arith.constant 32 : index
        %get3A_923 = tpu.vector_load %arg12[%get3A_921, %get3A_922] {strides = array<i32>} : memref<256x64xf32, #tpu.memory_space<vmem>>, vector<16xf32>,
        %mul3A_924 = arith.mulf %get3A_89, %get3A_923 : vector<16xf32>
        %add3A_925 = arith.addf %add3A_920, %mul3A_924 : vector<16xf32>
        %get3A_926 = arith.index_cast %add3A_911 : i32 to index
        %get3A_927 = arith.constant 48 : index
        %get3A_928 = tpu.vector_load %arg12[%get3A_926, %get3A_927] {strides = array<i32>} : memref<256x64xf32, #tpu.memory_space<vmem>>, vector<16xf32>,
        %mul3A_929 = arith.mulf %get3A_92, %get3A_928 : vector<16xf32>
        %add3A_930 = arith.addf %add3A_925, %mul3A_929 : vector<16xf32>
        %broadcast_in_dim3A_931 = arith.constant 15 : i32
        %broadcast_in_dim3A_932 = vector.broadcast %broadcast_in_dim3A_931 : i32 to vector<16xi32>
        tpu.vector_store_idx %arg13[%iota3A, %broadcast_in_dim3A_932], %add3A_930 : memref<16x16xf32, #tpu.memory_space<vmem>>[vector<16xi32>, vector<16xi32>], vector<16xf32>,
        %get3A_933 = arith.constant 0 : i32
        %get3A_934 = arith.index_cast %get3A_933 : i32 to index
        %get3A_935 = arith.constant 0 : index
        %get3A_936 = tpu.vector_load %arg13[%get3A_934, %get3A_935] {strides = array<i32>} : memref<16x16xf32, #tpu.memory_space<vmem>>, vector<16xf32>,
        %get3A_937 = arith.constant 1 : i32
        %get3A_938 = arith.index_cast %get3A_937 : i32 to index
        %get3A_939 = arith.constant 0 : index
        %get3A_940 = tpu.vector_load %arg13[%get3A_938, %get3A_939] {strides = array<i32>} : memref<16x16xf32, #tpu.memory_space<vmem>>, vector<16xf32>,
        %add3A_941 = arith.addf %get3A_936, %get3A_940 : vector<16xf32>
        %get3A_942 = arith.constant 2 : i32
        %get3A_943 = arith.index_cast %get3A_942 : i32 to index
        %get3A_944 = arith.constant 0 : index
        %get3A_945 = tpu.vector_load %arg13[%get3A_943, %get3A_944] {strides = array<i32>} : memref<16x16xf32, #tpu.memory_space<vmem>>, vector<16xf32>,
        %add3A_946 = arith.addf %add3A_941, %get3A_945 : vector<16xf32>
        %get3A_947 = arith.constant 3 : i32
        %get3A_948 = arith.index_cast %get3A_947 : i32 to index
        %get3A_949 = arith.constant 0 : index
        %get3A_950 = tpu.vector_load %arg13[%get3A_948, %get3A_949] {strides = array<i32>} : memref<16x16xf32, #tpu.memory_space<vmem>>, vector<16xf32>,
        %add3A_951 = arith.addf %add3A_946, %get3A_950 : vector<16xf32>
        %get3A_952 = arith.constant 4 : i32
        %get3A_953 = arith.index_cast %get3A_952 : i32 to index
        %get3A_954 = arith.constant 0 : index
        %get3A_955 = tpu.vector_load %arg13[%get3A_953, %get3A_954] {strides = array<i32>} : memref<16x16xf32, #tpu.memory_space<vmem>>, vector<16xf32>,
        %add3A_956 = arith.addf %add3A_951, %get3A_955 : vector<16xf32>
        %get3A_957 = arith.constant 5 : i32
        %get3A_958 = arith.index_cast %get3A_957 : i32 to index
        %get3A_959 = arith.constant 0 : index
        %get3A_960 = tpu.vector_load %arg13[%get3A_958, %get3A_959] {strides = array<i32>} : memref<16x16xf32, #tpu.memory_space<vmem>>, vector<16xf32>,
        %add3A_961 = arith.addf %add3A_956, %get3A_960 : vector<16xf32>
        %get3A_962 = arith.constant 6 : i32
        %get3A_963 = arith.index_cast %get3A_962 : i32 to index
        %get3A_964 = arith.constant 0 : index
        %get3A_965 = tpu.vector_load %arg13[%get3A_963, %get3A_964] {strides = array<i32>} : memref<16x16xf32, #tpu.memory_space<vmem>>, vector<16xf32>,
        %add3A_966 = arith.addf %add3A_961, %get3A_965 : vector<16xf32>
        %get3A_967 = arith.constant 7 : i32
        %get3A_968 = arith.index_cast %get3A_967 : i32 to index
        %get3A_969 = arith.constant 0 : index
        %get3A_970 = tpu.vector_load %arg13[%get3A_968, %get3A_969] {strides = array<i32>} : memref<16x16xf32, #tpu.memory_space<vmem>>, vector<16xf32>,
        %add3A_971 = arith.addf %add3A_966, %get3A_970 : vector<16xf32>
        %get3A_972 = arith.constant 8 : i32
        %get3A_973 = arith.index_cast %get3A_972 : i32 to index
        %get3A_974 = arith.constant 0 : index
        %get3A_975 = tpu.vector_load %arg13[%get3A_973, %get3A_974] {strides = array<i32>} : memref<16x16xf32, #tpu.memory_space<vmem>>, vector<16xf32>,
        %add3A_976 = arith.addf %add3A_971, %get3A_975 : vector<16xf32>
        %get3A_977 = arith.constant 9 : i32
        %get3A_978 = arith.index_cast %get3A_977 : i32 to index
        %get3A_979 = arith.constant 0 : index
        %get3A_980 = tpu.vector_load %arg13[%get3A_978, %get3A_979] {strides = array<i32>} : memref<16x16xf32, #tpu.memory_space<vmem>>, vector<16xf32>,
        %add3A_981 = arith.addf %add3A_976, %get3A_980 : vector<16xf32>
        %get3A_982 = arith.constant 10 : i32
        %get3A_983 = arith.index_cast %get3A_982 : i32 to index
        %get3A_984 = arith.constant 0 : index
        %get3A_985 = tpu.vector_load %arg13[%get3A_983, %get3A_984] {strides = array<i32>} : memref<16x16xf32, #tpu.memory_space<vmem>>, vector<16xf32>,
        %add3A_986 = arith.addf %add3A_981, %get3A_985 : vector<16xf32>
        %get3A_987 = arith.constant 11 : i32
        %get3A_988 = arith.index_cast %get3A_987 : i32 to index
        %get3A_989 = arith.constant 0 : index
        %get3A_990 = tpu.vector_load %arg13[%get3A_988, %get3A_989] {strides = array<i32>} : memref<16x16xf32, #tpu.memory_space<vmem>>, vector<16xf32>,
        %add3A_991 = arith.addf %add3A_986, %get3A_990 : vector<16xf32>
        %get3A_992 = arith.constant 12 : i32
        %get3A_993 = arith.index_cast %get3A_992 : i32 to index
        %get3A_994 = arith.constant 0 : index
        %get3A_995 = tpu.vector_load %arg13[%get3A_993, %get3A_994] {strides = array<i32>} : memref<16x16xf32, #tpu.memory_space<vmem>>, vector<16xf32>,
        %add3A_996 = arith.addf %add3A_991, %get3A_995 : vector<16xf32>
        %get3A_997 = arith.constant 13 : i32
        %get3A_998 = arith.index_cast %get3A_997 : i32 to index
        %get3A_999 = arith.constant 0 : index
        %get3A_1000 = tpu.vector_load %arg13[%get3A_998, %get3A_999] {strides = array<i32>} : memref<16x16xf32, #tpu.memory_space<vmem>>, vector<16xf32>,
        %add3A_1001 = arith.addf %add3A_996, %get3A_1000 : vector<16xf32>
        %get3A_1002 = arith.constant 14 : i32
        %get3A_1003 = arith.index_cast %get3A_1002 : i32 to index
        %get3A_1004 = arith.constant 0 : index
        %get3A_1005 = tpu.vector_load %arg13[%get3A_1003, %get3A_1004] {strides = array<i32>} : memref<16x16xf32, #tpu.memory_space<vmem>>, vector<16xf32>,
        %add3A_1006 = arith.addf %add3A_1001, %get3A_1005 : vector<16xf32>
        %get3A_1007 = arith.constant 15 : i32
        %get3A_1008 = arith.index_cast %get3A_1007 : i32 to index
        %get3A_1009 = arith.constant 0 : index
        %get3A_1010 = tpu.vector_load %arg13[%get3A_1008, %get3A_1009] {strides = array<i32>} : memref<16x16xf32, #tpu.memory_space<vmem>>, vector<16xf32>,
        %add3A_1011 = arith.addf %add3A_1006, %get3A_1010 : vector<16xf32>
        %mul3A_1012 = arith.constant 8 : i32
        %mul3A_1013 = arith.muli %add3A_75, %mul3A_1012 : i32
        %mul3A_1014 = arith.constant 32 : i32
        %mul3A_1015 = arith.muli %mul3A_1013, %mul3A_1014 : i32
        %add3A_1016 = arith.addi %mul3A_1015, %add3A_564 : i32
        %ge3A = arith.constant 14 : i32
        %ge3A_1017 = vector.broadcast %ge3A : i32 to vector<16xi32>
        %ge3A_1018 = arith.cmpi sge, %iota3A, %ge3A_1017 : vector<16xi32>
        %neg3A = arith.constant 0.000000e+00 : f32
        %neg3A_1019 = vector.broadcast %neg3A : f32 to vector<16xf32>
        %neg3A_1020 = arith.subf %neg3A_1019, %add3A_1011 : vector<16xf32>
        %jit3A_1021 = arith.constant 1.000000e+02 : f32
        %broadcast_in_dim3A_1022 = vector.broadcast %jit3A_1021 : f32 to vector<16xf32>
        %select_n3A_1023 = arith.select %ge3A_1018, %broadcast_in_dim3A_1022, %neg3A_1020 : vector<16xi1>, vector<16xf32>
        %swap3A_1024 = arith.index_cast %add3A_1016 : i32 to index
        %swap3A_1025 = tpu.vector_load %arg14[%swap3A_1024] {strides = array<i32>} : memref<16384xf32, #tpu.memory_space<vmem>>, vector<16xf32>,
        tpu.vector_store %arg14[%swap3A_1024], %select_n3A_1023 {strides = array<i32>} : memref<16384xf32, #tpu.memory_space<vmem>>, vector<16xf32>,
      }
      %scan3A_80 = arith.constant 8 : i32
    }
    %scan3A_17 = arith.constant 32 : i32
    "tpu.region"() ({
      %run_scoped3A = tpu.sem_alloc : memref<!tpu.dma_semaphore, #tpu.memory_space<semaphore_mem>>
      %dma_start3A_18 = arith.constant 0 : i32
      %dma_start3A_19 = tpu.memref_slice %arg6[%add3A, %dma_start3A_18] : memref<32x16384xf32, #tpu.memory_space<hbm>> -> memref<1x16384xf32, #tpu.memory_space<hbm>>
      %dma_start3A_20 = tpu.memref_squeeze %dma_start3A_19 : memref<1x16384xf32, #tpu.memory_space<hbm>> -> memref<16384xf32, #tpu.memory_space<hbm>>
      %dma_start3A_21 = arith.constant 0 : i32
      %dma_start3A_22 = tpu.memref_slice %arg6[%add3A, %dma_start3A_21] : memref<32x16384xf32, #tpu.memory_space<hbm>> -> memref<1x16384xf32, #tpu.memory_space<hbm>>
      %dma_start3A_23 = tpu.memref_squeeze %dma_start3A_22 : memref<1x16384xf32, #tpu.memory_space<hbm>> -> memref<16384xf32, #tpu.memory_space<hbm>>
      tpu.enqueue_dma source(%arg14 : memref<16384xf32, #tpu.memory_space<vmem>>) target(%dma_start3A_23 : memref<16384xf32, #tpu.memory_space<hbm>>) target_semaphore(%run_scoped3A : memref<!tpu.dma_semaphore, #tpu.memory_space<semaphore_mem>>)
      %dma_wait3A = arith.constant 0 : i32
      %dma_wait3A_24 = tpu.memref_slice %arg6[%add3A, %dma_wait3A] : memref<32x16384xf32, #tpu.memory_space<hbm>> -> memref<1x16384xf32, #tpu.memory_space<hbm>>
      %dma_wait3A_25 = tpu.memref_squeeze %dma_wait3A_24 : memref<1x16384xf32, #tpu.memory_space<hbm>> -> memref<16384xf32, #tpu.memory_space<hbm>>
      %dma_wait3A_26 = arith.constant 0 : i32
      %dma_wait3A_27 = tpu.memref_slice %arg6[%add3A, %dma_wait3A_26] : memref<32x16384xf32, #tpu.memory_space<hbm>> -> memref<1x16384xf32, #tpu.memory_space<hbm>>
      %dma_wait3A_28 = tpu.memref_squeeze %dma_wait3A_27 : memref<1x16384xf32, #tpu.memory_space<hbm>> -> memref<16384xf32, #tpu.memory_space<hbm>>
      tpu.wait_dma2 semaphore(%run_scoped3A : memref<!tpu.dma_semaphore, #tpu.memory_space<semaphore_mem>>) src(%arg14 : memref<16384xf32, #tpu.memory_space<vmem>>) dst(%dma_wait3A_28 : memref<16384xf32, #tpu.memory_space<hbm>>)
      tpu.yield
    }) : () -> ()
    return
  }
}

module attributes {stable_mosaic.version = 14 : i64} {
  func.func @body(%arg0: memref<32x16384xf32, #tpu.memory_space<vmem>>, %arg1: memref<1x1xf32, #tpu.memory_space<smem>>) attributes {dimension_semantics = [], scalar_prefetch = 0 : i64, scratch_operands = 0 : i64, tpu.core_type = #tpu.core_type<tc>} {
    %get3A = arith.constant 0 : index
    %get3A_0 = arith.constant 0 : index
    %get3A_1 = vector.load %arg0[%get3A, %get3A_0] : memref<32x16384xf32, #tpu.memory_space<vmem>>, vector<32x16384xf32>
    %neg3A = arith.constant 0.000000e+00 : f32
    %neg3A_2 = vector.broadcast %neg3A : f32 to vector<32x16384xf32>
    %neg3A_3 = arith.subf %neg3A_2, %get3A_1 : vector<32x16384xf32>
    %max3A = arith.constant 0.000000e+00 : f32
    %max3A_4 = vector.broadcast %max3A : f32 to vector<32x16384xf32>
    %max3A_5 = arith.maximumf %neg3A_3, %max3A_4 : vector<32x16384xf32>
    %abs3A = math.absf %neg3A_3 : vector<32x16384xf32>
    %neg3A_6 = arith.constant 0.000000e+00 : f32
    %neg3A_7 = vector.broadcast %neg3A_6 : f32 to vector<32x16384xf32>
    %neg3A_8 = arith.subf %neg3A_7, %abs3A : vector<32x16384xf32>
    %exp3A = math.exp %neg3A_8 : vector<32x16384xf32>
    %log1p3A = math.log1p %exp3A : vector<32x16384xf32>
    %add3A = arith.addf %max3A_5, %log1p3A : vector<32x16384xf32>
    %reduce_sum3A = vector.shape_cast %add3A : vector<32x16384xf32> to vector<1x32x16384xf32>
    %reduce_sum3A_9 = arith.constant dense<0.000000e+00> : vector<1xf32>
    %reduce_sum3A_10 = vector.multi_reduction <add>, %reduce_sum3A, %reduce_sum3A_9 [1, 2] : vector<1x32x16384xf32> to vector<1xf32>
    %reduce_sum3A_11 = vector.shape_cast %reduce_sum3A_10 : vector<1xf32> to vector<1x1x1xf32>
    %reduce_sum3A_12 = vector.extract %reduce_sum3A_11[0, 0, 0] : f32 from vector<1x1x1xf32>
    %mul3A = arith.constant 6.10351563E-5 : f32
    %mul3A_13 = arith.mulf %reduce_sum3A_12, %mul3A : f32
    %swap3A = arith.constant 0 : index
    %swap3A_14 = arith.constant 0 : index
    %swap3A_15 = memref.load %arg1[%swap3A, %swap3A_14] : memref<1x1xf32, #tpu.memory_space<smem>>
    memref.store %mul3A_13, %arg1[%swap3A, %swap3A_14] : memref<1x1xf32, #tpu.memory_space<smem>>
    return
  }
}

</mosaic_0001>

<sc_bundles>
// kernel: kernel.4.cloned.1.call-start
scs
__scs_entry_jumppad:
0x0: {  	(pc) =	sbr.rel $0x88, $3  }
0x1: {  	(tag) =	ssettag $0x0;
	lr =	simm.s32 $0x1  }
0x2: {  	[smem:$0x3F9C] =	sst lr;
	_ =	strace $0xD0000000  }
0x3: {  	_ = 	snop  }
0x4: {  	_ = 	snop  }
0x5: {  	_ = 	snop  }
0x6: {  	_ = 	snop  }
0x7: {  	_ = 	snop  }
__scs_overlays_trampoline_lowered:
0x8: {  	[smem:$0x3FAB] =	sst s0  }
0x9: {  	[smem:$0x3FAC] =	sst s1  }
0xa: {  	[smem:$0x3FAD] =	sst s2  }
0xb: {  	[smem:$0x3FAE] =	sst s3  }
0xc: {  	[smem:$0x3FAF] =	sst s4  }
0xd: {  	[smem:$0x3FB0] =	sst s5  }
0xe: {  	[smem:$0x3FB1] =	sst s6  }
0xf: {  	[smem:$0x3FB2] =	sst s7  }
0x10: {  	[smem:$0x3FB3] =	sst s8  }
0x11: {  	[smem:$0x3FB4] =	sst s9;
	s0 =	simm.s32 @!p0 $0x0  }
0x12: {  	s1 =	sld [smem:$0x3F9A];
	s0 =	simm.s32 @p0 $0x1  }
0x13: {  	[smem:$0x3FB5] =	sst s0;
	s0 =	simm.s32 @!p1 $0x0  }
0x14: {  	s2 =	sld [smem:$0x3F99];
	s0 =	simm.s32 @p1 $0x1  }
0x15: {  	[smem:$0x3FB6] =	sst s0;
	s0 =	simm.s32 @!p2 $0x0  }
0x16: {  	s3 =	sld [smem:$0x3FDB];
	s0 =	simm.s32 @p2 $0x1  }
0x17: {  	s4 =	simm.s32 $0x1BF5;
	[smem:$0x3FB8] =	sst s0  }
0x18: {  	s0 =	sld [smem:$0x3F9B];
	_ =	swait.ge [sflag:s4], $0x0  }
0x19: {  	s7 =	sld [smem:$0x3F9C]  }
0x1a: {  	s8 =	sadd.s32 $0xFFFFE003, lr  }
0x1b: {  	s9 =	sadd.s32 $0xFFFFFEF7, lr;
	s5 =	simm.s32 $0xFFFFFFFF;
	p2 =	slt.u32 s8, $0xFFFFF086  }
0x1c: {  	p1 =	slt.u32 s9, $0xF7A;
	s5 =	simm.s32 @!p2 $0x0  }
0x1d: {  	s5 =	simm.s32 @p1 $0x1;
	p0 =	seq.s32 s7, s2  }
0x1e: {  	s7 =	smul.u32 @!p0 $0xF7A, s2;
	p2 =	seq.s32 @!p0 s5, $0x0  }
0x1f: {  	s9 =	smul.u32 $0xF7A, s1;
	s8 =	simm.s32 @!p0 $0x1BF5;
	p2 =	por !p2, p0  }
0x20: {  	[sflag:s8] =	ssyncset.s32 @!p0 $0xFFFFF086;
	s6 =	sadd.s32 @!p0 s3, s7;
	s7 =	simm.s32 @!p0 $0x108  }
0x21: {  	s3 =	sadd.s32 s3, s9;
	s6 =	sadd.s32 @!p0 $0x88, s6;
	s7 =	simm.s32 @p2 $0x1082  }
0x22: {  	[simem:s7], [sflag:s8] =	dma.local @!p0 [hbm:s6], $0xF7A  }
0x23: {  	s9 =	sor.u32 $0xD0000000, s2;
	s6 =	simm.s32 $0x108;
	_ =	swait.ge @!p0 [sflag:s8], $0x0  }
0x24: {  	s3 =	sadd.s32 $0x88, s3;
	s6 =	simm.s32 @!p1 $0x1082;
	[sflag:s4] =	ssyncset.s32 $0xFFFFF086  }
0x25: {  	[simem:s6], [sflag:s4] =	dma.local [hbm:s3], $0xF7A  }
0x26: {  	[smem:$0x3F9C] =	sst s1;
	(tag) =	ssettag s2;
	_ =	strace s9  }
0x27: {  	s1 =	sld [smem:$0x3FAC]  }
0x28: {  	s2 =	sld [smem:$0x3FAD]  }
0x29: {  	s4 =	sld [smem:$0x3FAF]  }
0x2a: {  	p0 =	seq.s32 s5, $0x0;
	s5 =	sld [smem:$0x3FB0]  }
0x2b: {  	s6 =	sld [smem:$0x3FB1]  }
0x2c: {  	s7 =	sld [smem:$0x3FB2]  }
0x2d: {  	s3 =	simm.s32 $0x108;
	s8 =	sld [smem:$0x3FB3]  }
0x2e: {  	s3 =	simm.s32 @!p0 $0x1082;
	s9 =	sld [smem:$0x3FB4]  }
0x2f: {  	lr =	sadd.s32 s0, s3;
	s0 =	sld [smem:$0x3FAB]  }
0x30: {  	s3 =	sld [smem:$0x3FAE]  }
0x31: {  	[smem:$0x3FB7] =	sst s10  }
0x32: {  	s10 =	sld [smem:$0x3FB5];
	_ =	sdelay $0x3  }
0x33: {  	p0 =	seq.s32 s10, $0x1;
	s10 =	sld [smem:$0x3FB7];
	_ =	sdelay $0x3  }
0x34: {  	[smem:$0x3FB7] =	sst s10  }
0x35: {  	s10 =	sld [smem:$0x3FB6];
	_ =	sdelay $0x3  }
0x36: {  	p1 =	seq.s32 s10, $0x1;
	s10 =	sld [smem:$0x3FB7];
	_ =	sdelay $0x3  }
0x37: {  	[smem:$0x3FB7] =	sst s10  }
0x38: {  	s10 =	sld [smem:$0x3FB8]  }
0x39: {  	_ = 	snop;
	(pc) =	sbr.ind lr, $3  }
0x3a: {  	_ = 	snop  }
0x3b: {  	_ = 	snop  }
0x3c: {  	p2 =	seq.s32 s10, $0x1;
	s10 =	sld [smem:$0x3FB7]  }
0x3d: {  	_ =	shalt  }
0x3e: {  	_ =	shalt  }
0x3f: {  	_ =	shalt  }
0x40: {  	_ =	shalt  }
0x41: {  	_ =	shalt  }
0x42: {  	_ =	shalt  }
0x43: {  	_ =	shalt  }
0x44: {  	_ =	shalt  }
0x45: {  	_ =	shalt  }
0x46: {  	_ =	shalt  }
0x47: {  	_ =	shalt  }
0x48: {  	_ =	shalt  }
0x49: {  	_ =	shalt  }
0x4a: {  	_ =	shalt  }
0x4b: {  	_ =	shalt  }
0x4c: {  	_ =	shalt  }
0x4d: {  	_ =	shalt  }
0x4e: {  	_ =	shalt  }
0x4f: {  	_ =	shalt  }
0x50: {  	_ =	shalt  }
0x51: {  	_ =	shalt  }
0x52: {  	_ =	shalt  }
0x53: {  	_ =	shalt  }
0x54: {  	_ =	shalt  }
0x55: {  	_ =	shalt  }
0x56: {  	_ =	shalt  }
0x57: {  	_ =	shalt  }
0x58: {  	_ =	shalt  }
0x59: {  	_ =	shalt  }
0x5a: {  	_ =	shalt  }
0x5b: {  	_ =	shalt  }
0x5c: {  	_ =	shalt  }
0x5d: {  	_ =	shalt  }
0x5e: {  	_ =	shalt  }
0x5f: {  	_ =	shalt  }
0x60: {  	_ =	shalt  }
0x61: {  	_ =	shalt  }
0x62: {  	_ =	shalt  }
0x63: {  	_ =	shalt  }
0x64: {  	_ =	shalt  }
0x65: {  	_ =	shalt  }
0x66: {  	_ =	shalt  }
0x67: {  	_ =	shalt  }
0x68: {  	_ =	shalt  }
0x69: {  	_ =	shalt  }
0x6a: {  	_ =	shalt  }
0x6b: {  	_ =	shalt  }
0x6c: {  	_ =	shalt  }
0x6d: {  	_ =	shalt  }
0x6e: {  	_ =	shalt  }
0x6f: {  	_ =	shalt  }
0x70: {  	_ =	shalt  }
0x71: {  	_ =	shalt  }
0x72: {  	_ =	shalt  }
0x73: {  	_ =	shalt  }
0x74: {  	_ =	shalt  }
0x75: {  	_ =	shalt  }
0x76: {  	_ =	shalt  }
0x77: {  	_ =	shalt  }
0x78: {  	_ =	shalt  }
0x79: {  	_ =	shalt  }
0x7a: {  	_ =	shalt  }
0x7b: {  	_ =	shalt  }
0x7c: {  	_ =	shalt  }
0x7d: {  	_ =	shalt  }
0x7e: {  	_ =	shalt  }
0x7f: {  	_ =	shalt  }
0x80: {  	_ =	shalt  }
0x81: {  	_ =	shalt  }
0x82: {  	_ =	shalt  }
0x83: {  	_ =	shalt  }
0x84: {  	_ =	shalt  }
0x85: {  	_ =	shalt  }
0x86: {  	_ =	shalt  }
0x87: {  	_ =	shalt  }
.Lfunc_end0:
.L_simem_size_0:
called_computation_lowered:
.L_overlay_start_0:
0x88: {  	s2 =	sld [smem:$0x3FD9]  }
0x89: {  	s3 =	sld [smem:$0x3FFE];
	_ =	sdelay $0x1  }
0x8a: {  	s1 =	srdreg.scid  }
0x8b: {  	s0 =	sand.u32 $0x1, s1  }
0x8c: {  	s17 =	sshll.u32 s0, $0xA;
	s2 =	sadd.s32 s3, s2  }
0x8d: {  	s2 =	sadd.s32 s2, s17  }
0x8e: {  	[smem:$0x3FC3] =	sst s2  }
0x8f: {  	_ = 	snop  }
0x90: {  	s2 =	sld [smem:$0x3FC9];
	(tm) =	ssettm $0x1  }
0x91: {  	s18 =	sld [smem:$0x3FFB];
	_ =	sdelay $0x3  }
0x92: {  	_ =	strace s18  }
0x93: {  	s3 =	sld [smem:$0x3FFC];
	_ =	sdelay $0x3  }
0x94: {  	_ =	strace s3  }
0x95: {  	s3 =	sld [smem:$0x3FFD];
	_ =	sdelay $0x3  }
0x96: {  	_ =	strace s3  }
0x97: {  	_ =	strace $0x8FFFFFFF  }
0x98: {  	s19 =	sld [smem:$0x3FDB];
	_ =	sdelay $0x1  }
0x99: {  	s4 =	simm.s32 $_scs_section_size  }
0x9a: {  	s5 =	simm.s32 $_size__tile_overlayer_lowered;
	s6 =	simm.s32 $_tile_overlayer_lowered  }
0x9b: {  	s22 =	simm.s32 $0x1BFF;
	s21 =	sshll.u32 s6, $0x1;
	s3 =	sadd.s32 s4, s19  }
0x9c: {  	s7 =	simm.s32 $0x0;
	s20 =	sshll.u32 s5, $0x1;
	s5 =	sadd.s32 s21, s3  }
0x9d: {  	[timem:s7], [sflag:s22] =	dma.local [hbm:s5], s20  }
0x9e: {  	_ =	swait.ge [sflag:s22], s20  }
0x9f: {  	s4 =	ssub.s32 $0x0, s20;
	[sflag:s22] =	ssyncset.done $0x0  }
0xa0: {  	[sflag:s22] =	ssyncadd.s32 s4;
	_ =	sdelay $0x1  }
0xa1: {  	s23 =	simm.s32 $0x1B8B  }
0xa2: {  	_ =	swait.ge [sflag:s23], $0x1  }
0xa3: {  	[sflag:s23] =	ssyncset.done $0x0  }
0xa4: {  	s25 =	simm.s32 $0x1B8E;
	s24 =	sld [smem:$0x3FFE];
	[sflag:s23] =	ssyncadd.s32 $0xFFFFFFFF  }
0xa5: {  	s26 =	simm.s32 $execute0_lowered;
	[smem:$0x3FD2] =	sst s25  }
0xa6: {  	s5 =	sshll.u32 s26, $0x1;
	_ =	strace $0x80000046;
	[dreg:$0x1] =	wrdreg $0xFFFFFFFF  }
0xa7: {  	s28 =	simm.s32 $_size_execute0_lowered;
	s3 =	sadd.s32 s3, s5;
	[dreg:$0x0] =	wrdreg $0x0  }
0xa8: {  	s5 =	sshll.u32 s28, $0x1;
	[dreg:$0x2] =	wrdreg s3  }
0xa9: {  	[dreg:$0x3] =	wrdreg s5  }
0xaa: {  	[dreg:$0x4] =	wrdreg $0xC0  }
0xab: {  	_ =	task [dreg:s7], $0x5FFFF  }
0xac: {  	[dreg:$0x1] =	wrdreg $0xFFFFFFFF  }
0xad: {  	[dreg:$0x0] =	wrdreg $0x60  }
0xae: {  	[dreg:$0x2] =	wrdreg s24  }
0xaf: {  	[dreg:$0x3] =	wrdreg s2  }
0xb0: {  	[dreg:$0x4] =	wrdreg $0x9  }
0xb1: {  	_ =	task.clear_ibuf [dreg:s7], $0x5FFFF;
	_ =	strace $0x90000046  }
0xb2: {  	s29 =	simm.s32 $0x9;
	_ =	strace $0x80000048  }
0xb3: {  	_ =	swait.ge [sflag:s29], $0x1  }
0xb4: {  	[sflag:s29] =	ssyncadd.s32 $0xFFFFFFFF  }
0xb5: {  	_ =	strace $0x90000048  }
0xb6: {  	_ =	sfence  }
0xb7: {  	s30 =	sld [smem:$0x0];
	_ =	sdelay $0x2  }
0xb8: {  	s31 =	sshll.u32 s1, $0xD;
	s1 =	sshrl.u32 s1, $0x2  }
0xb9: {  	s3 =	sand.u32 $0x4000, s31;
	s1 =	sadd.s32 s1, s30  }
0xba: {  	s0 =	sor.u32 s3, s0;
	s1 =	sshll.u32 s1, $0x11  }
0xbb: {  	s0 =	sor.u32 s1, s0  }
0xbc: {  	s0 =	sadd.s32 $0x8F2B, s0  }
0xbd: {  	[sflag:s0] =	ssyncadd.remote.s32 $0x1  }
0xbe: {  	_ =	sfence.sel $0xFFFF  }
0xbf: {  	[dreg:$0x0] =	wrdreg $0xFFFFFFFF;
	(pc) =	sbr.abs _section_cstart, $3  }
0xc0: {  	[dreg:$0x1] =	wrdreg $0xFFFFFFFF  }
0xc1: {  	_ =	task.clear_ibuf [dreg:s7], $0x2FFFF;
	_ =	strace $0x9FFFFFFF  }
0xc2: {  	(tm) =	ssettm $0x7FFFFFFF  }
0xc3: {  	_ =	shalt  }
tec
execute0_lowered:
.L_overlay_start_1:
0x0: {  	(tag) =	ssettag $0x1  }
0x1: {  	s5 =	rddreg [dreg:$0x0]  }
0x2: {  	s6 =	rddreg [dreg:$0x1]  }
0x3: {  	s0 =	rddreg [dreg:$0x2];
	s2 =	simm.s32 $0x0;
	s4 =	srdreg.scid  }
0x4: {  	s1 =	stileid.u32;
	s11 =	simm.s32 $0x4200;
	s12 =	simm.s32 $0x100  }
0x5: {  	s13 =	simm.s32 $0x4600;
	s14 =	simm.s32 $0x4400;
	s15 =	simm.s32 $0x8600  }
0x6: {  	v0 =	vlaneseq.u32;
	s16 =	simm.s32 $0x1;
	s17 =	simm.s32 $0xC600;
	s18 =	simm.s32 $0x2  }
0x7: {  	v16 =	vimm.f32 $-1.000000000e+00;
	vm1 =	vcmask $0x2700;
	s19 =	simm.s32 $0xC700;
	s20 =	simm.s32 $0x0;
	[smem:$0x7FF] =	sst s2;
	v0 =	vmul.u32 $0x10, v0  }
0x8: {  	vm0 =	vmmov $0x3ff;
	s3 =	sadd.s32 $0x16E3E00, s5;
	s7 =	sand.u32 $0x1, s4;
	s8 =	sshll.u32 s1, $0x1;
	v16 =	vsel vm1, $0x3F800000, v16;
	vm1 =	vmmov $0x3fff  }
0x9: {  	s4 =	sadd.s32 $0xF42C00, s5;
	s8 =	sor.u32 s7, s8;
	s7 =	ssub.s32 $0x2, s7;
	v1 =	vor.u32 $0x1, v0;
	v2 =	vor.u32 $0x2, v0;
	v3 =	vor.u32 $0x3, v0  }
0xa: {  	_ =	strace $0x80000047;
	s9 =	sshll.u32 s8, $0xB;
	s10 =	sshrl.u32 s7, $0x1;
	v4 =	vor.u32 $0x4, v0;
	v5 =	vor.u32 $0x5, v0;
	v6 =	vor.u32 $0x6, v0  }
0xb: {  	s8 =	sshll.u32 s8, $0x6;
	v7 =	vor.u32 $0x7, v0;
	v8 =	vor.u32 $0x8, v0;
	v9 =	vor.u32 $0x9, v0;
	s9 =	sadd.s32 s9, s5;
	s10 =	ssub.s32 s7, s10  }
0xc: {  	v10 =	vor.u32 $0xA, v0;
	v11 =	vor.u32 $0xB, v0;
	v12 =	vor.u32 $0xC, v0;
	s5 =	sadd.s32 s6, s8;
	s6 =	sadd.s32 $0x800, s9;
	s7 =	sadd.s32 $0x10800, s9  }
0xd: {  	v13 =	vor.u32 $0xD, v0;
	v14 =	vor.u32 $0xE, v0;
	v15 =	vor.u32 $0xF, v0;
	s8 =	smax.u32 s10, $0x1;
	s9 =	simm.s32 $0x3;
	s10 =	simm.s32 $0x8  }
.LBB2_1:
0xe: {  	[tilespmem:s2], [sflag:$0x3] =	stream.linear.gather [hbm4b:s5+s2], $0x200, $0x38;
	[tilespmem:$0x10700] =	vst v63  }
0xf: {  	_ =	swait.ge [sflag:s9], $0x200  }
0x10: {  	[sflag:s9] =	ssyncset.done $0x0  }
0x11: {  	s21 =	simm.s32 $0x200;
	[sflag:s9] =	ssyncadd.s32 $0xFFFFFE00  }
0x12: {  	[tilespmem:s21], [sflag:$0x3] =	stream.linear.gather [hbm4b:s6+s2], $0x4000, $0x38;
	[tilespmem:$0x10700] =	vst v63  }
0x13: {  	_ =	swait.ge [sflag:s9], $0x4000  }
0x14: {  	[sflag:s9] =	ssyncset.done $0x0  }
0x15: {  	s22 =	simm.s32 $0xC710;
	[sflag:s9] =	ssyncadd.s32 $0xFFFFC000  }
0x16: {  	[tilespmem:s11], [sflag:$0x1] =	stream.indirect.gather [hbm4b:s3+s10], $0x40, s2, s10, $0xb8;
	[tilespmem:$0x10700] =	vst v63  }
0x17: {  	s23 =	simm.s32 $0x300;
	s24 =	simm.s32 $0xC810;
	s25 =	simm.s32 $0x0  }
0x18: {  	[tilespmem:s13], [sflag:$0x1] =	stream.indirect.gather [hbm4b:s4+s12], $0x40, s21, s12, $0xb8;
	[tilespmem:$0x10700] =	vst v63  }
.LBB2_2:
0x19: {  	s26 =	sshllo.u32 s25, $0x1  }
0x1a: {  	s28 =	sshll.u32 s26, $0x3  }
0x1b: {  	s26 =	sshll.u32 s26, $0x8;
	s28 =	sand.u32 $0x3FFFFFF8, s28  }
0x1c: {  	[tilespmem:s14], [sflag:$0x2] =	stream.indirect.gather [hbm4b:s3+s10], $0x40, s28, s10, $0xb8;
	[tilespmem:$0x10700] =	vst v63  }
0x1d: {  	s26 =	sadd.s32 $0x200, s26  }
0x1e: {  	[tilespmem:s15], [sflag:$0x2] =	stream.indirect.gather [hbm4b:s4+s12], $0x40, s26, s12, $0xb8;
	[tilespmem:$0x10700] =	vst v63  }
0x1f: {  	_ =	swait.ge [sflag:s16], $0x200  }
0x20: {  	[sflag:s16] =	ssyncset.done $0x0  }
0x21: {  	[sflag:s16] =	ssyncadd.s32 $0xFFFFFE00  }
0x22: {  	_ =	swait.ge [sflag:s16], $0x4000  }
0x23: {  	s29 =	simm.s32 $0x4220;
	s30 =	simm.s32 $0x4A00;
	[sflag:s16] =	ssyncset.done $0x0  }
0x24: {  	v17 =	vmov s21;
	v18 =	vmov s22;
	s28 =	simm.s32 $0x0;
	s26 =	sshll.u32 s25, $0x1;
	[sflag:s16] =	ssyncadd.s32 $0xFFFFC000  }
.LBB2_3:
0x25: {  	v19 =	vld [tilespmem:s29+$0xFFFFFFE0]  }
0x26: {  	v20 =	vld [tilespmem:s29+$0xFFFFFFF0]  }
0x27: {  	v23 =	vld [tilespmem:s30+$0xFFFFFC00]  }
0x28: {  	v24 =	vld [tilespmem:s30+$0xFFFFFC10]  }
0x29: {  	v21 =	vld [tilespmem:s29+$0x0]  }
0x2a: {  	v25 =	vld [tilespmem:s30+$0xFFFFFC20]  }
0x2b: {  	v22 =	vld [tilespmem:s29+$0x10]  }
0x2c: {  	v26 =	vld [tilespmem:s30+$0xFFFFFC30]  }
0x2d: {  	v23 =	vmul.f32 v23, v19;
	v24 =	vmul.f32 v24, v20;
	_ =	sdelay $0x1  }
0x2e: {  	v63 =	vmul.f32 v25, v21;
	v23 =	vadd.f32 v24, v23;
	_ =	sdelay $0x1  }
0x2f: {  	v28 =	vmul.f32 v26, v22;
	v23 =	vadd.f32 v63, v23;
	_ =	sdelay $0x1  }
0x30: {  	v23 =	vadd.f32 v28, v23;
	_ =	sdelay $0x1  }
0x31: {  	[tilespmem:v0+s17+$0x0] =	vst.idx.msk $0xffff, v23  }
0x32: {  	v23 =	vld [tilespmem:s30+$0xFFFFFC40]  }
0x33: {  	v29 =	vld [tilespmem:s30+$0xFFFFFC50];
	_ =	sdelay $0x1  }
0x34: {  	v30 =	vld [tilespmem:s30+$0xFFFFFC60];
	_ =	sdelay $0x1  }
0x35: {  	v31 =	vld [tilespmem:s30+$0xFFFFFC70]  }
0x36: {  	v23 =	vmul.f32 v23, v19;
	v24 =	vmul.f32 v29, v20;
	_ =	sdelay $0x1  }
0x37: {  	v32 =	vmul.f32 v30, v21;
	v23 =	vadd.f32 v24, v23;
	_ =	sdelay $0x1  }
0x38: {  	v33 =	vmul.f32 v31, v22;
	v23 =	vadd.f32 v32, v23;
	_ =	sdelay $0x1  }
0x39: {  	v23 =	vadd.f32 v33, v23;
	_ =	sdelay $0x1  }
0x3a: {  	[tilespmem:v1+s17+$0x0] =	vst.idx.msk $0xffff, v23  }
0x3b: {  	v23 =	vld [tilespmem:s30+$0xFFFFFC80]  }
0x3c: {  	v34 =	vld [tilespmem:s30+$0xFFFFFC90];
	_ =	sdelay $0x1  }
0x3d: {  	v35 =	vld [tilespmem:s30+$0xFFFFFCA0];
	_ =	sdelay $0x1  }
0x3e: {  	v36 =	vld [tilespmem:s30+$0xFFFFFCB0]  }
0x3f: {  	v23 =	vmul.f32 v23, v19;
	v24 =	vmul.f32 v34, v20;
	_ =	sdelay $0x1  }
0x40: {  	v37 =	vmul.f32 v35, v21;
	v23 =	vadd.f32 v24, v23;
	_ =	sdelay $0x1  }
0x41: {  	v38 =	vmul.f32 v36, v22;
	v23 =	vadd.f32 v37, v23;
	_ =	sdelay $0x1  }
0x42: {  	v23 =	vadd.f32 v38, v23;
	_ =	sdelay $0x1  }
0x43: {  	[tilespmem:v2+s17+$0x0] =	vst.idx.msk $0xffff, v23  }
0x44: {  	v23 =	vld [tilespmem:s30+$0xFFFFFCC0]  }
0x45: {  	v39 =	vld [tilespmem:s30+$0xFFFFFCD0];
	_ =	sdelay $0x1  }
0x46: {  	v40 =	vld [tilespmem:s30+$0xFFFFFCE0];
	_ =	sdelay $0x1  }
0x47: {  	v41 =	vld [tilespmem:s30+$0xFFFFFCF0]  }
0x48: {  	v23 =	vmul.f32 v23, v19;
	v24 =	vmul.f32 v39, v20;
	_ =	sdelay $0x1  }
0x49: {  	v42 =	vmul.f32 v40, v21;
	v23 =	vadd.f32 v24, v23;
	_ =	sdelay $0x1  }
0x4a: {  	v43 =	vmul.f32 v41, v22;
	v23 =	vadd.f32 v42, v23;
	_ =	sdelay $0x1  }
0x4b: {  	v23 =	vadd.f32 v43, v23;
	_ =	sdelay $0x1  }
0x4c: {  	[tilespmem:v3+s17+$0x0] =	vst.idx.msk $0xffff, v23  }
0x4d: {  	v23 =	vld [tilespmem:s30+$0xFFFFFD00]  }
0x4e: {  	v44 =	vld [tilespmem:s30+$0xFFFFFD10];
	_ =	sdelay $0x1  }
0x4f: {  	v45 =	vld [tilespmem:s30+$0xFFFFFD20];
	_ =	sdelay $0x1  }
0x50: {  	v46 =	vld [tilespmem:s30+$0xFFFFFD30]  }
0x51: {  	v23 =	vmul.f32 v23, v19;
	v24 =	vmul.f32 v44, v20;
	_ =	sdelay $0x1  }
0x52: {  	v47 =	vmul.f32 v45, v21;
	v23 =	vadd.f32 v24, v23;
	_ =	sdelay $0x1  }
0x53: {  	v48 =	vmul.f32 v46, v22;
	v23 =	vadd.f32 v47, v23;
	_ =	sdelay $0x1  }
0x54: {  	v23 =	vadd.f32 v48, v23;
	_ =	sdelay $0x1  }
0x55: {  	[tilespmem:v4+s17+$0x0] =	vst.idx.msk $0xffff, v23  }
0x56: {  	v23 =	vld [tilespmem:s30+$0xFFFFFD40]  }
0x57: {  	v49 =	vld [tilespmem:s30+$0xFFFFFD50];
	_ =	sdelay $0x1  }
0x58: {  	v50 =	vld [tilespmem:s30+$0xFFFFFD60];
	_ =	sdelay $0x1  }
0x59: {  	v51 =	vld [tilespmem:s30+$0xFFFFFD70]  }
0x5a: {  	v23 =	vmul.f32 v23, v19;
	v24 =	vmul.f32 v49, v20;
	_ =	sdelay $0x1  }
0x5b: {  	v52 =	vmul.f32 v50, v21;
	v23 =	vadd.f32 v24, v23;
	_ =	sdelay $0x1  }
0x5c: {  	v53 =	vmul.f32 v51, v22;
	v23 =	vadd.f32 v52, v23;
	_ =	sdelay $0x1  }
0x5d: {  	v23 =	vadd.f32 v53, v23;
	_ =	sdelay $0x1  }
0x5e: {  	[tilespmem:v5+s17+$0x0] =	vst.idx.msk $0xffff, v23  }
0x5f: {  	v23 =	vld [tilespmem:s30+$0xFFFFFD80]  }
0x60: {  	v54 =	vld [tilespmem:s30+$0xFFFFFD90];
	_ =	sdelay $0x1  }
0x61: {  	v55 =	vld [tilespmem:s30+$0xFFFFFDA0];
	_ =	sdelay $0x1  }
0x62: {  	v56 =	vld [tilespmem:s30+$0xFFFFFDB0]  }
0x63: {  	v23 =	vmul.f32 v23, v19;
	v24 =	vmul.f32 v54, v20;
	_ =	sdelay $0x1  }
0x64: {  	v57 =	vmul.f32 v55, v21;
	v23 =	vadd.f32 v24, v23;
	_ =	sdelay $0x1  }
0x65: {  	v58 =	vmul.f32 v56, v22;
	v23 =	vadd.f32 v57, v23;
	_ =	sdelay $0x1  }
0x66: {  	v23 =	vadd.f32 v58, v23;
	_ =	sdelay $0x1  }
0x67: {  	[tilespmem:v6+s17+$0x0] =	vst.idx.msk $0xffff, v23  }
0x68: {  	v23 =	vld [tilespmem:s30+$0xFFFFFDC0]  }
0x69: {  	v59 =	vld [tilespmem:s30+$0xFFFFFDD0];
	_ =	sdelay $0x1  }
0x6a: {  	v60 =	vld [tilespmem:s30+$0xFFFFFDE0];
	_ =	sdelay $0x1  }
0x6b: {  	v61 =	vld [tilespmem:s30+$0xFFFFFDF0]  }
0x6c: {  	v23 =	vmul.f32 v23, v19;
	v24 =	vmul.f32 v59, v20;
	_ =	sdelay $0x1  }
0x6d: {  	v62 =	vmul.f32 v60, v21;
	v23 =	vadd.f32 v24, v23;
	_ =	sdelay $0x1  }
0x6e: {  	v63 =	vmul.f32 v61, v22;
	v23 =	vadd.f32 v62, v23;
	_ =	sdelay $0x1  }
0x6f: {  	v23 =	vadd.f32 v63, v23;
	_ =	sdelay $0x1  }
0x70: {  	[tilespmem:v7+s17+$0x0] =	vst.idx.msk $0xffff, v23  }
0x71: {  	v23 =	vld [tilespmem:s30+$0xFFFFFE00]  }
0x72: {  	v28 =	vld [tilespmem:s30+$0xFFFFFE10];
	_ =	sdelay $0x1  }
0x73: {  	v29 =	vld [tilespmem:s30+$0xFFFFFE20];
	_ =	sdelay $0x1  }
0x74: {  	v30 =	vld [tilespmem:s30+$0xFFFFFE30]  }
0x75: {  	v23 =	vmul.f32 v23, v19;
	v24 =	vmul.f32 v28, v20;
	_ =	sdelay $0x1  }
0x76: {  	v31 =	vmul.f32 v29, v21;
	v23 =	vadd.f32 v24, v23;
	_ =	sdelay $0x1  }
0x77: {  	v32 =	vmul.f32 v30, v22;
	v23 =	vadd.f32 v31, v23;
	_ =	sdelay $0x1  }
0x78: {  	v23 =	vadd.f32 v32, v23;
	_ =	sdelay $0x1  }
0x79: {  	[tilespmem:v8+s17+$0x0] =	vst.idx.msk $0xffff, v23  }
0x7a: {  	v23 =	vld [tilespmem:s30+$0xFFFFFE40]  }
0x7b: {  	v33 =	vld [tilespmem:s30+$0xFFFFFE50];
	_ =	sdelay $0x1  }
0x7c: {  	v34 =	vld [tilespmem:s30+$0xFFFFFE60];
	_ =	sdelay $0x1  }
0x7d: {  	v35 =	vld [tilespmem:s30+$0xFFFFFE70]  }
0x7e: {  	v23 =	vmul.f32 v23, v19;
	v24 =	vmul.f32 v33, v20;
	_ =	sdelay $0x1  }
0x7f: {  	v36 =	vmul.f32 v34, v21;
	v23 =	vadd.f32 v24, v23;
	_ =	sdelay $0x1  }
0x80: {  	v37 =	vmul.f32 v35, v22;
	v23 =	vadd.f32 v36, v23;
	_ =	sdelay $0x1  }
0x81: {  	v23 =	vadd.f32 v37, v23;
	_ =	sdelay $0x1  }
0x82: {  	[tilespmem:v9+s17+$0x0] =	vst.idx.msk $0xffff, v23  }
0x83: {  	v23 =	vld [tilespmem:s30+$0xFFFFFE80]  }
0x84: {  	v38 =	vld [tilespmem:s30+$0xFFFFFE90];
	_ =	sdelay $0x1  }
0x85: {  	v39 =	vld [tilespmem:s30+$0xFFFFFEA0];
	_ =	sdelay $0x1  }
0x86: {  	v40 =	vld [tilespmem:s30+$0xFFFFFEB0]  }
0x87: {  	v23 =	vmul.f32 v23, v19;
	v24 =	vmul.f32 v38, v20;
	_ =	sdelay $0x1  }
0x88: {  	v41 =	vmul.f32 v39, v21;
	v23 =	vadd.f32 v24, v23;
	_ =	sdelay $0x1  }
0x89: {  	v42 =	vmul.f32 v40, v22;
	v23 =	vadd.f32 v41, v23;
	_ =	sdelay $0x1  }
0x8a: {  	v23 =	vadd.f32 v42, v23;
	_ =	sdelay $0x1  }
0x8b: {  	[tilespmem:v10+s17+$0x0] =	vst.idx.msk $0xffff, v23  }
0x8c: {  	v23 =	vld [tilespmem:s30+$0xFFFFFEC0]  }
0x8d: {  	v43 =	vld [tilespmem:s30+$0xFFFFFED0];
	_ =	sdelay $0x1  }
0x8e: {  	v44 =	vld [tilespmem:s30+$0xFFFFFEE0];
	_ =	sdelay $0x1  }
0x8f: {  	v45 =	vld [tilespmem:s30+$0xFFFFFEF0]  }
0x90: {  	v23 =	vmul.f32 v23, v19;
	v24 =	vmul.f32 v43, v20;
	_ =	sdelay $0x1  }
0x91: {  	v46 =	vmul.f32 v44, v21;
	v23 =	vadd.f32 v24, v23;
	_ =	sdelay $0x1  }
0x92: {  	v47 =	vmul.f32 v45, v22;
	v23 =	vadd.f32 v46, v23;
	_ =	sdelay $0x1  }
0x93: {  	v23 =	vadd.f32 v47, v23;
	_ =	sdelay $0x1  }
0x94: {  	[tilespmem:v11+s17+$0x0] =	vst.idx.msk $0xffff, v23  }
0x95: {  	v23 =	vld [tilespmem:s30+$0xFFFFFF00]  }
0x96: {  	v48 =	vld [tilespmem:s30+$0xFFFFFF10];
	_ =	sdelay $0x1  }
0x97: {  	v49 =	vld [tilespmem:s30+$0xFFFFFF20];
	_ =	sdelay $0x1  }
0x98: {  	v50 =	vld [tilespmem:s30+$0xFFFFFF30]  }
0x99: {  	v23 =	vmul.f32 v23, v19;
	v24 =	vmul.f32 v48, v20;
	_ =	sdelay $0x1  }
0x9a: {  	v51 =	vmul.f32 v49, v21;
	v23 =	vadd.f32 v24, v23;
	_ =	sdelay $0x1  }
0x9b: {  	v52 =	vmul.f32 v50, v22;
	v23 =	vadd.f32 v51, v23;
	_ =	sdelay $0x1  }
0x9c: {  	v23 =	vadd.f32 v52, v23;
	_ =	sdelay $0x1  }
0x9d: {  	[tilespmem:v12+s17+$0x0] =	vst.idx.msk $0xffff, v23  }
0x9e: {  	v23 =	vld [tilespmem:s30+$0xFFFFFF40]  }
0x9f: {  	v53 =	vld [tilespmem:s30+$0xFFFFFF50];
	_ =	sdelay $0x1  }
0xa0: {  	v54 =	vld [tilespmem:s30+$0xFFFFFF60];
	_ =	sdelay $0x1  }
0xa1: {  	v55 =	vld [tilespmem:s30+$0xFFFFFF70]  }
0xa2: {  	v23 =	vmul.f32 v23, v19;
	v24 =	vmul.f32 v53, v20;
	_ =	sdelay $0x1  }
0xa3: {  	v56 =	vmul.f32 v54, v21;
	v23 =	vadd.f32 v24, v23;
	_ =	sdelay $0x1  }
0xa4: {  	v57 =	vmul.f32 v55, v22;
	v23 =	vadd.f32 v56, v23;
	_ =	sdelay $0x1  }
0xa5: {  	v23 =	vadd.f32 v57, v23;
	_ =	sdelay $0x1  }
0xa6: {  	[tilespmem:v13+s17+$0x0] =	vst.idx.msk $0xffff, v23  }
0xa7: {  	v23 =	vld [tilespmem:s30+$0xFFFFFF80]  }
0xa8: {  	v58 =	vld [tilespmem:s30+$0xFFFFFF90];
	_ =	sdelay $0x1  }
0xa9: {  	v59 =	vld [tilespmem:s30+$0xFFFFFFA0];
	_ =	sdelay $0x1  }
0xaa: {  	v60 =	vld [tilespmem:s30+$0xFFFFFFB0]  }
0xab: {  	v23 =	vmul.f32 v23, v19;
	v24 =	vmul.f32 v58, v20;
	_ =	sdelay $0x1  }
0xac: {  	v61 =	vmul.f32 v59, v21;
	v23 =	vadd.f32 v24, v23;
	_ =	sdelay $0x1  }
0xad: {  	v62 =	vmul.f32 v60, v22;
	v23 =	vadd.f32 v61, v23;
	_ =	sdelay $0x1  }
0xae: {  	v23 =	vadd.f32 v62, v23;
	_ =	sdelay $0x1  }
0xaf: {  	[tilespmem:v14+s17+$0x0] =	vst.idx.msk $0xffff, v23  }
0xb0: {  	v23 =	vld [tilespmem:s30+$0xFFFFFFC0]  }
0xb1: {  	v63 =	vld [tilespmem:s30+$0xFFFFFFD0];
	_ =	sdelay $0x1  }
0xb2: {  	v28 =	vld [tilespmem:s30+$0xFFFFFFE0];
	_ =	sdelay $0x1  }
0xb3: {  	v29 =	vld [tilespmem:s30+$0xFFFFFFF0]  }
0xb4: {  	v23 =	vmul.f32 v23, v19;
	v24 =	vmul.f32 v63, v20;
	_ =	sdelay $0x1  }
0xb5: {  	v30 =	vmul.f32 v28, v21;
	v23 =	vadd.f32 v24, v23;
	_ =	sdelay $0x1  }
0xb6: {  	v31 =	vmul.f32 v29, v22;
	v23 =	vadd.f32 v30, v23;
	_ =	sdelay $0x1  }
0xb7: {  	v23 =	vadd.f32 v31, v23;
	_ =	sdelay $0x1  }
0xb8: {  	[tilespmem:v15+s17+$0x0] =	vst.idx.msk $0xffff, v23  }
0xb9: {  	v23 =	vld [tilespmem:$0xC600]  }
0xba: {  	v32 =	vld [tilespmem:$0xC610];
	_ =	sdelay $0x1  }
0xbb: {  	v33 =	vld [tilespmem:$0xC620];
	_ =	sdelay $0x1  }
0xbc: {  	v34 =	vld [tilespmem:$0xC630]  }
0xbd: {  	v23 =	vadd.f32 v32, v23  }
0xbe: {  	v35 =	vld [tilespmem:$0xC640]  }
0xbf: {  	v23 =	vadd.f32 v33, v23  }
0xc0: {  	v36 =	vld [tilespmem:$0xC650]  }
0xc1: {  	v23 =	vadd.f32 v34, v23  }
0xc2: {  	v37 =	vld [tilespmem:$0xC660]  }
0xc3: {  	v23 =	vadd.f32 v35, v23  }
0xc4: {  	v38 =	vld [tilespmem:$0xC670]  }
0xc5: {  	v23 =	vadd.f32 v36, v23  }
0xc6: {  	v39 =	vld [tilespmem:$0xC680]  }
0xc7: {  	v23 =	vadd.f32 v37, v23  }
0xc8: {  	v40 =	vld [tilespmem:$0xC690]  }
0xc9: {  	v23 =	vadd.f32 v38, v23  }
0xca: {  	v41 =	vld [tilespmem:$0xC6A0]  }
0xcb: {  	v23 =	vadd.f32 v39, v23  }
0xcc: {  	v42 =	vld [tilespmem:$0xC6B0]  }
0xcd: {  	v23 =	vadd.f32 v40, v23  }
0xce: {  	v43 =	vld [tilespmem:$0xC6C0]  }
0xcf: {  	v23 =	vadd.f32 v41, v23  }
0xd0: {  	v44 =	vld [tilespmem:$0xC6D0]  }
0xd1: {  	v23 =	vadd.f32 v42, v23  }
0xd2: {  	v45 =	vld [tilespmem:$0xC6E0]  }
0xd3: {  	v23 =	vadd.f32 v43, v23  }
0xd4: {  	v46 =	vld [tilespmem:$0xC6F0]  }
0xd5: {  	s31 =	sshra.s32 s28, $0x2;
	v23 =	vadd.f32 v44, v23  }
0xd6: {  	v47 =	vld.idx.msk [tilespmem:v17+s31+$0x0 ss:$0x1], $0xffff  }
0xd7: {  	v23 =	vadd.f32 v45, v23;
	_ =	sdelay $0x1  }
0xd8: {  	v23 =	vadd.f32 v46, v23;
	_ =	sdelay $0x1  }
0xd9: {  	vm2 =	veq.s32 v47, $0x0;
	v23 =	vmul.f32 v16, v23  }
0xda: {  	vm2 =	vmand vm2, vm0  }
0xdb: {  	v23 =	vsel vm2, $0x42C80000, v23  }
0xdc: {  	[tilespmem:v18+s31+$0xFFFFFFF0 ss:$0x1] =	vst.idx.msk $0xffff, v23  }
0xdd: {  	v23 =	vld [tilespmem:s30+$0x0]  }
0xde: {  	v48 =	vld [tilespmem:s30+$0x10];
	_ =	sdelay $0x1  }
0xdf: {  	v49 =	vld [tilespmem:s30+$0x20];
	_ =	sdelay $0x1  }
0xe0: {  	v50 =	vld [tilespmem:s30+$0x30]  }
0xe1: {  	v23 =	vmul.f32 v23, v19;
	v24 =	vmul.f32 v48, v20;
	_ =	sdelay $0x1  }
0xe2: {  	v51 =	vmul.f32 v49, v21;
	v23 =	vadd.f32 v24, v23;
	_ =	sdelay $0x1  }
0xe3: {  	v52 =	vmul.f32 v50, v22;
	v23 =	vadd.f32 v51, v23;
	_ =	sdelay $0x1  }
0xe4: {  	v23 =	vadd.f32 v52, v23;
	_ =	sdelay $0x1  }
0xe5: {  	[tilespmem:v0+s17+$0x0] =	vst.idx.msk $0xffff, v23  }
0xe6: {  	v23 =	vld [tilespmem:s30+$0x40]  }
0xe7: {  	v53 =	vld [tilespmem:s30+$0x50];
	_ =	sdelay $0x1  }
0xe8: {  	v54 =	vld [tilespmem:s30+$0x60];
	_ =	sdelay $0x1  }
0xe9: {  	v55 =	vld [tilespmem:s30+$0x70]  }
0xea: {  	v23 =	vmul.f32 v23, v19;
	v24 =	vmul.f32 v53, v20;
	_ =	sdelay $0x1  }
0xeb: {  	v56 =	vmul.f32 v54, v21;
	v23 =	vadd.f32 v24, v23;
	_ =	sdelay $0x1  }
0xec: {  	v57 =	vmul.f32 v55, v22;
	v23 =	vadd.f32 v56, v23;
	_ =	sdelay $0x1  }
0xed: {  	v23 =	vadd.f32 v57, v23;
	_ =	sdelay $0x1  }
0xee: {  	[tilespmem:v1+s17+$0x0] =	vst.idx.msk $0xffff, v23  }
0xef: {  	v23 =	vld [tilespmem:s30+$0x80]  }
0xf0: {  	v58 =	vld [tilespmem:s30+$0x90];
	_ =	sdelay $0x1  }
0xf1: {  	v59 =	vld [tilespmem:s30+$0xA0];
	_ =	sdelay $0x1  }
0xf2: {  	v60 =	vld [tilespmem:s30+$0xB0]  }
0xf3: {  	v23 =	vmul.f32 v23, v19;
	v24 =	vmul.f32 v58, v20;
	_ =	sdelay $0x1  }
0xf4: {  	v61 =	vmul.f32 v59, v21;
	v23 =	vadd.f32 v24, v23;
	_ =	sdelay $0x1  }
0xf5: {  	v62 =	vmul.f32 v60, v22;
	v23 =	vadd.f32 v61, v23;
	_ =	sdelay $0x1  }
0xf6: {  	v23 =	vadd.f32 v62, v23;
	_ =	sdelay $0x1  }
0xf7: {  	[tilespmem:v2+s17+$0x0] =	vst.idx.msk $0xffff, v23  }
0xf8: {  	v23 =	vld [tilespmem:s30+$0xC0]  }
0xf9: {  	v63 =	vld [tilespmem:s30+$0xD0];
	_ =	sdelay $0x1  }
0xfa: {  	v28 =	vld [tilespmem:s30+$0xE0];
	_ =	sdelay $0x1  }
0xfb: {  	v29 =	vld [tilespmem:s30+$0xF0]  }
0xfc: {  	v23 =	vmul.f32 v23, v19;
	v24 =	vmul.f32 v63, v20;
	_ =	sdelay $0x1  }
0xfd: {  	v30 =	vmul.f32 v28, v21;
	v23 =	vadd.f32 v24, v23;
	_ =	sdelay $0x1  }
0xfe: {  	v31 =	vmul.f32 v29, v22;
	v23 =	vadd.f32 v30, v23;
	_ =	sdelay $0x1  }
0xff: {  	v23 =	vadd.f32 v31, v23;
	_ =	sdelay $0x1  }
0x100: {  	[tilespmem:v3+s17+$0x0] =	vst.idx.msk $0xffff, v23  }
0x101: {  	v23 =	vld [tilespmem:s30+$0x100]  }
0x102: {  	v32 =	vld [tilespmem:s30+$0x110];
	_ =	sdelay $0x1  }
0x103: {  	v33 =	vld [tilespmem:s30+$0x120];
	_ =	sdelay $0x1  }
0x104: {  	v34 =	vld [tilespmem:s30+$0x130]  }
0x105: {  	v23 =	vmul.f32 v23, v19;
	v24 =	vmul.f32 v32, v20;
	_ =	sdelay $0x1  }
0x106: {  	v35 =	vmul.f32 v33, v21;
	v23 =	vadd.f32 v24, v23;
	_ =	sdelay $0x1  }
0x107: {  	v36 =	vmul.f32 v34, v22;
	v23 =	vadd.f32 v35, v23;
	_ =	sdelay $0x1  }
0x108: {  	v23 =	vadd.f32 v36, v23;
	_ =	sdelay $0x1  }
0x109: {  	[tilespmem:v4+s17+$0x0] =	vst.idx.msk $0xffff, v23  }
0x10a: {  	v23 =	vld [tilespmem:s30+$0x140]  }
0x10b: {  	v37 =	vld [tilespmem:s30+$0x150];
	_ =	sdelay $0x1  }
0x10c: {  	v38 =	vld [tilespmem:s30+$0x160];
	_ =	sdelay $0x1  }
0x10d: {  	v39 =	vld [tilespmem:s30+$0x170]  }
0x10e: {  	v23 =	vmul.f32 v23, v19;
	v24 =	vmul.f32 v37, v20;
	_ =	sdelay $0x1  }
0x10f: {  	v40 =	vmul.f32 v38, v21;
	v23 =	vadd.f32 v24, v23;
	_ =	sdelay $0x1  }
0x110: {  	v41 =	vmul.f32 v39, v22;
	v23 =	vadd.f32 v40, v23;
	_ =	sdelay $0x1  }
0x111: {  	v23 =	vadd.f32 v41, v23;
	_ =	sdelay $0x1  }
0x112: {  	[tilespmem:v5+s17+$0x0] =	vst.idx.msk $0xffff, v23  }
0x113: {  	v23 =	vld [tilespmem:s30+$0x180]  }
0x114: {  	v42 =	vld [tilespmem:s30+$0x190];
	_ =	sdelay $0x1  }
0x115: {  	v43 =	vld [tilespmem:s30+$0x1A0];
	_ =	sdelay $0x1  }
0x116: {  	v44 =	vld [tilespmem:s30+$0x1B0]  }
0x117: {  	v23 =	vmul.f32 v23, v19;
	v24 =	vmul.f32 v42, v20;
	_ =	sdelay $0x1  }
0x118: {  	v45 =	vmul.f32 v43, v21;
	v23 =	vadd.f32 v24, v23;
	_ =	sdelay $0x1  }
0x119: {  	v46 =	vmul.f32 v44, v22;
	v23 =	vadd.f32 v45, v23;
	_ =	sdelay $0x1  }
0x11a: {  	v23 =	vadd.f32 v46, v23;
	_ =	sdelay $0x1  }
0x11b: {  	[tilespmem:v6+s17+$0x0] =	vst.idx.msk $0xffff, v23  }
0x11c: {  	v23 =	vld [tilespmem:s30+$0x1C0]  }
0x11d: {  	v47 =	vld [tilespmem:s30+$0x1D0];
	_ =	sdelay $0x1  }
0x11e: {  	v48 =	vld [tilespmem:s30+$0x1E0];
	_ =	sdelay $0x1  }
0x11f: {  	v49 =	vld [tilespmem:s30+$0x1F0]  }
0x120: {  	v23 =	vmul.f32 v23, v19;
	v24 =	vmul.f32 v47, v20;
	_ =	sdelay $0x1  }
0x121: {  	v50 =	vmul.f32 v48, v21;
	v23 =	vadd.f32 v24, v23;
	_ =	sdelay $0x1  }
0x122: {  	v51 =	vmul.f32 v49, v22;
	v23 =	vadd.f32 v50, v23;
	_ =	sdelay $0x1  }
0x123: {  	v23 =	vadd.f32 v51, v23;
	_ =	sdelay $0x1  }
0x124: {  	[tilespmem:v7+s17+$0x0] =	vst.idx.msk $0xffff, v23  }
0x125: {  	v23 =	vld [tilespmem:s30+$0x200]  }
0x126: {  	v52 =	vld [tilespmem:s30+$0x210];
	_ =	sdelay $0x1  }
0x127: {  	v53 =	vld [tilespmem:s30+$0x220];
	_ =	sdelay $0x1  }
0x128: {  	v54 =	vld [tilespmem:s30+$0x230]  }
0x129: {  	v23 =	vmul.f32 v23, v19;
	v24 =	vmul.f32 v52, v20;
	_ =	sdelay $0x1  }
0x12a: {  	v55 =	vmul.f32 v53, v21;
	v23 =	vadd.f32 v24, v23;
	_ =	sdelay $0x1  }
0x12b: {  	v56 =	vmul.f32 v54, v22;
	v23 =	vadd.f32 v55, v23;
	_ =	sdelay $0x1  }
0x12c: {  	v23 =	vadd.f32 v56, v23;
	_ =	sdelay $0x1  }
0x12d: {  	[tilespmem:v8+s17+$0x0] =	vst.idx.msk $0xffff, v23  }
0x12e: {  	v23 =	vld [tilespmem:s30+$0x240]  }
0x12f: {  	v57 =	vld [tilespmem:s30+$0x250];
	_ =	sdelay $0x1  }
0x130: {  	v58 =	vld [tilespmem:s30+$0x260];
	_ =	sdelay $0x1  }
0x131: {  	v59 =	vld [tilespmem:s30+$0x270]  }
0x132: {  	v23 =	vmul.f32 v23, v19;
	v24 =	vmul.f32 v57, v20;
	_ =	sdelay $0x1  }
0x133: {  	v60 =	vmul.f32 v58, v21;
	v23 =	vadd.f32 v24, v23;
	_ =	sdelay $0x1  }
0x134: {  	v61 =	vmul.f32 v59, v22;
	v23 =	vadd.f32 v60, v23;
	_ =	sdelay $0x1  }
0x135: {  	v23 =	vadd.f32 v61, v23;
	_ =	sdelay $0x1  }
0x136: {  	[tilespmem:v9+s17+$0x0] =	vst.idx.msk $0xffff, v23  }
0x137: {  	v23 =	vld [tilespmem:s30+$0x280]  }
0x138: {  	v62 =	vld [tilespmem:s30+$0x290];
	_ =	sdelay $0x1  }
0x139: {  	v63 =	vld [tilespmem:s30+$0x2A0];
	_ =	sdelay $0x1  }
0x13a: {  	v28 =	vld [tilespmem:s30+$0x2B0]  }
0x13b: {  	v23 =	vmul.f32 v23, v19;
	v24 =	vmul.f32 v62, v20;
	_ =	sdelay $0x1  }
0x13c: {  	v29 =	vmul.f32 v63, v21;
	v23 =	vadd.f32 v24, v23;
	_ =	sdelay $0x1  }
0x13d: {  	v30 =	vmul.f32 v28, v22;
	v23 =	vadd.f32 v29, v23;
	_ =	sdelay $0x1  }
0x13e: {  	v23 =	vadd.f32 v30, v23;
	_ =	sdelay $0x1  }
0x13f: {  	[tilespmem:v10+s17+$0x0] =	vst.idx.msk $0xffff, v23  }
0x140: {  	v23 =	vld [tilespmem:s30+$0x2C0]  }
0x141: {  	v31 =	vld [tilespmem:s30+$0x2D0];
	_ =	sdelay $0x1  }
0x142: {  	v32 =	vld [tilespmem:s30+$0x2E0];
	_ =	sdelay $0x1  }
0x143: {  	v33 =	vld [tilespmem:s30+$0x2F0]  }
0x144: {  	v23 =	vmul.f32 v23, v19;
	v24 =	vmul.f32 v31, v20;
	_ =	sdelay $0x1  }
0x145: {  	v34 =	vmul.f32 v32, v21;
	v23 =	vadd.f32 v24, v23;
	_ =	sdelay $0x1  }
0x146: {  	v35 =	vmul.f32 v33, v22;
	v23 =	vadd.f32 v34, v23;
	_ =	sdelay $0x1  }
0x147: {  	v23 =	vadd.f32 v35, v23;
	_ =	sdelay $0x1  }
0x148: {  	[tilespmem:v11+s17+$0x0] =	vst.idx.msk $0xffff, v23  }
0x149: {  	v23 =	vld [tilespmem:s30+$0x300]  }
0x14a: {  	v36 =	vld [tilespmem:s30+$0x310];
	_ =	sdelay $0x1  }
0x14b: {  	v37 =	vld [tilespmem:s30+$0x320];
	_ =	sdelay $0x1  }
0x14c: {  	v38 =	vld [tilespmem:s30+$0x330]  }
0x14d: {  	v23 =	vmul.f32 v23, v19;
	v24 =	vmul.f32 v36, v20;
	_ =	sdelay $0x1  }
0x14e: {  	v39 =	vmul.f32 v37, v21;
	v23 =	vadd.f32 v24, v23;
	_ =	sdelay $0x1  }
0x14f: {  	v40 =	vmul.f32 v38, v22;
	v23 =	vadd.f32 v39, v23;
	_ =	sdelay $0x1  }
0x150: {  	v23 =	vadd.f32 v40, v23;
	_ =	sdelay $0x1  }
0x151: {  	[tilespmem:v12+s17+$0x0] =	vst.idx.msk $0xffff, v23  }
0x152: {  	v23 =	vld [tilespmem:s30+$0x340]  }
0x153: {  	v41 =	vld [tilespmem:s30+$0x350];
	_ =	sdelay $0x1  }
0x154: {  	v42 =	vld [tilespmem:s30+$0x360];
	_ =	sdelay $0x1  }
0x155: {  	v43 =	vld [tilespmem:s30+$0x370]  }
0x156: {  	v23 =	vmul.f32 v23, v19;
	v24 =	vmul.f32 v41, v20;
	_ =	sdelay $0x1  }
0x157: {  	v44 =	vmul.f32 v42, v21;
	v23 =	vadd.f32 v24, v23;
	_ =	sdelay $0x1  }
0x158: {  	v45 =	vmul.f32 v43, v22;
	v23 =	vadd.f32 v44, v23;
	_ =	sdelay $0x1  }
0x159: {  	v23 =	vadd.f32 v45, v23;
	_ =	sdelay $0x1  }
0x15a: {  	[tilespmem:v13+s17+$0x0] =	vst.idx.msk $0xffff, v23  }
0x15b: {  	v23 =	vld [tilespmem:s30+$0x380]  }
0x15c: {  	v46 =	vld [tilespmem:s30+$0x390];
	_ =	sdelay $0x1  }
0x15d: {  	v47 =	vld [tilespmem:s30+$0x3A0];
	_ =	sdelay $0x1  }
0x15e: {  	v48 =	vld [tilespmem:s30+$0x3B0]  }
0x15f: {  	v23 =	vmul.f32 v23, v19;
	v24 =	vmul.f32 v46, v20;
	_ =	sdelay $0x1  }
0x160: {  	v49 =	vmul.f32 v47, v21;
	v23 =	vadd.f32 v24, v23;
	_ =	sdelay $0x1  }
0x161: {  	v50 =	vmul.f32 v48, v22;
	v23 =	vadd.f32 v49, v23;
	_ =	sdelay $0x1  }
0x162: {  	v23 =	vadd.f32 v50, v23;
	_ =	sdelay $0x1  }
0x163: {  	[tilespmem:v14+s17+$0x0] =	vst.idx.msk $0xffff, v23  }
0x164: {  	v23 =	vld [tilespmem:s30+$0x3C0]  }
0x165: {  	v51 =	vld [tilespmem:s30+$0x3D0];
	_ =	sdelay $0x1  }
0x166: {  	v52 =	vld [tilespmem:s30+$0x3E0];
	_ =	sdelay $0x1  }
0x167: {  	v53 =	vld [tilespmem:s30+$0x3F0]  }
0x168: {  	v19 =	vmul.f32 v23, v19;
	v20 =	vmul.f32 v51, v20;
	_ =	sdelay $0x1  }
0x169: {  	v19 =	vadd.f32 v20, v19;
	v20 =	vmul.f32 v52, v21;
	_ =	sdelay $0x1  }
0x16a: {  	v19 =	vadd.f32 v20, v19;
	v20 =	vmul.f32 v53, v22;
	_ =	sdelay $0x1  }
0x16b: {  	v19 =	vadd.f32 v20, v19;
	_ =	sdelay $0x1  }
0x16c: {  	[tilespmem:v15+s17+$0x0] =	vst.idx.msk $0xffff, v19  }
0x16d: {  	v19 =	vld [tilespmem:$0xC600]  }
0x16e: {  	v20 =	vld [tilespmem:$0xC610];
	_ =	sdelay $0x1  }
0x16f: {  	v54 =	vld [tilespmem:$0xC620];
	_ =	sdelay $0x1  }
0x170: {  	v55 =	vld [tilespmem:$0xC630]  }
0x171: {  	v19 =	vadd.f32 v20, v19  }
0x172: {  	v20 =	vld [tilespmem:$0xC640]  }
0x173: {  	v19 =	vadd.f32 v54, v19  }
0x174: {  	v56 =	vld [tilespmem:$0xC650]  }
0x175: {  	v19 =	vadd.f32 v55, v19  }
0x176: {  	v57 =	vld [tilespmem:$0xC660]  }
0x177: {  	v19 =	vadd.f32 v20, v19  }
0x178: {  	v20 =	vld [tilespmem:$0xC670]  }
0x179: {  	v19 =	vadd.f32 v56, v19  }
0x17a: {  	v58 =	vld [tilespmem:$0xC680]  }
0x17b: {  	v19 =	vadd.f32 v57, v19  }
0x17c: {  	v59 =	vld [tilespmem:$0xC690]  }
0x17d: {  	v19 =	vadd.f32 v20, v19  }
0x17e: {  	v20 =	vld [tilespmem:$0xC6A0]  }
0x17f: {  	v19 =	vadd.f32 v58, v19  }
0x180: {  	v60 =	vld [tilespmem:$0xC6B0]  }
0x181: {  	v19 =	vadd.f32 v59, v19  }
0x182: {  	v61 =	vld [tilespmem:$0xC6C0]  }
0x183: {  	v19 =	vadd.f32 v20, v19  }
0x184: {  	v20 =	vld [tilespmem:$0xC6D0]  }
0x185: {  	v19 =	vadd.f32 v60, v19  }
0x186: {  	v62 =	vld [tilespmem:$0xC6E0]  }
0x187: {  	v19 =	vadd.f32 v61, v19  }
0x188: {  	v63 =	vld [tilespmem:$0xC6F0]  }
0x189: {  	v19 =	vadd.f32 v20, v19;
	_ =	sdelay $0x1  }
0x18a: {  	v19 =	vadd.f32 v62, v19;
	_ =	sdelay $0x1  }
0x18b: {  	p0 =	sne.s32 s28, $0x380;
	v19 =	vadd.f32 v63, v19  }
.Ltmp0:
0x18c: {  	_ = 	snop;
	(pc) =	sbr.rel @p0 .LBB2_3-.Ltmp0, $3  }
0x18d: {  	v19 =	vsub.f32 $0.0e+00, v19;
	_ =	sdelay $0x1  }
0x18e: {  	v19 =	vnsel vm1, $0x42C80000, v19  }
0x18f: {  	s29 =	sadd.s32 $0x40, s29;
	s28 =	sadd.s32 $0x80, s28;
	s30 =	sadd.s32 $0x800, s30;
	[tilespmem:v18+s31+$0x0 ss:$0x1] =	vst.idx.msk $0xffff, v19  }
0x190: {  	p0 =	seq.s32 s25, $0x1F  }
0x191: {  	s26 =	sadd.s32 @!p0 $0x2, s26  }
0x192: {  	s30 =	simm.s32 @!p0 $0x4200;
	s28 =	sshll.u32 @!p0 s26, $0x3;
	s26 =	sshll.u32 @!p0 s26, $0x8  }
0x193: {  	s29 =	simm.s32 @!p0 $0x8;
	s28 =	sand.u32 @!p0 $0x3FFFFFF8, s28;
	s26 =	sand.u32 @!p0 $0x3FFFFF00, s26  }
0x194: {  	[tilespmem:s30], [sflag:$0x1] =	stream.indirect.gather @!p0 [hbm4b:s3+s29], $0x40, s28, s29, $0xb8;
	[tilespmem:$0x10700] =	vst v63  }
0x195: {  	s26 =	sadd.s32 @!p0 $0x200, s26;
	s28 =	simm.s32 @!p0 $0x100;
	s29 =	simm.s32 @!p0 $0x4600  }
0x196: {  	[tilespmem:s29], [sflag:$0x1] =	stream.indirect.gather @!p0 [hbm4b:s4+s28], $0x40, s26, s28, $0xb8;
	[tilespmem:$0x10700] =	vst v63  }
0x197: {  	_ =	swait.ge [sflag:s18], $0x200  }
0x198: {  	[sflag:s18] =	ssyncset.done $0x0  }
0x199: {  	[sflag:s18] =	ssyncadd.s32 $0xFFFFFE00  }
0x19a: {  	_ =	swait.ge [sflag:s18], $0x4000  }
0x19b: {  	s26 =	simm.s32 $0x0;
	[sflag:s18] =	ssyncset.done $0x0  }
0x19c: {  	v17 =	vmov s23;
	v18 =	vmov s24;
	s28 =	simm.s32 $0x4420;
	s29 =	simm.s32 $0x8A00;
	[sflag:s18] =	ssyncadd.s32 $0xFFFFC000  }
.LBB2_5:
0x19d: {  	v19 =	vld [tilespmem:s28+$0xFFFFFFE0]  }
0x19e: {  	v20 =	vld [tilespmem:s28+$0xFFFFFFF0]  }
0x19f: {  	v23 =	vld [tilespmem:s29+$0xFFFFFC00]  }
0x1a0: {  	v24 =	vld [tilespmem:s29+$0xFFFFFC10]  }
0x1a1: {  	v21 =	vld [tilespmem:s28+$0x0]  }
0x1a2: {  	v25 =	vld [tilespmem:s29+$0xFFFFFC20]  }
0x1a3: {  	v22 =	vld [tilespmem:s28+$0x10]  }
0x1a4: {  	v26 =	vld [tilespmem:s29+$0xFFFFFC30]  }
0x1a5: {  	v23 =	vmul.f32 v23, v19;
	v24 =	vmul.f32 v24, v20;
	_ =	sdelay $0x1  }
0x1a6: {  	v63 =	vmul.f32 v25, v21;
	v23 =	vadd.f32 v24, v23;
	_ =	sdelay $0x1  }
0x1a7: {  	v28 =	vmul.f32 v26, v22;
	v23 =	vadd.f32 v63, v23;
	_ =	sdelay $0x1  }
0x1a8: {  	v23 =	vadd.f32 v28, v23;
	_ =	sdelay $0x1  }
0x1a9: {  	[tilespmem:v0+s17+$0x0] =	vst.idx.msk $0xffff, v23  }
0x1aa: {  	v23 =	vld [tilespmem:s29+$0xFFFFFC40]  }
0x1ab: {  	v29 =	vld [tilespmem:s29+$0xFFFFFC50];
	_ =	sdelay $0x1  }
0x1ac: {  	v30 =	vld [tilespmem:s29+$0xFFFFFC60];
	_ =	sdelay $0x1  }
0x1ad: {  	v31 =	vld [tilespmem:s29+$0xFFFFFC70]  }
0x1ae: {  	v23 =	vmul.f32 v23, v19;
	v24 =	vmul.f32 v29, v20;
	_ =	sdelay $0x1  }
0x1af: {  	v32 =	vmul.f32 v30, v21;
	v23 =	vadd.f32 v24, v23;
	_ =	sdelay $0x1  }
0x1b0: {  	v33 =	vmul.f32 v31, v22;
	v23 =	vadd.f32 v32, v23;
	_ =	sdelay $0x1  }
0x1b1: {  	v23 =	vadd.f32 v33, v23;
	_ =	sdelay $0x1  }
0x1b2: {  	[tilespmem:v1+s17+$0x0] =	vst.idx.msk $0xffff, v23  }
0x1b3: {  	v23 =	vld [tilespmem:s29+$0xFFFFFC80]  }
0x1b4: {  	v34 =	vld [tilespmem:s29+$0xFFFFFC90];
	_ =	sdelay $0x1  }
0x1b5: {  	v35 =	vld [tilespmem:s29+$0xFFFFFCA0];
	_ =	sdelay $0x1  }
0x1b6: {  	v36 =	vld [tilespmem:s29+$0xFFFFFCB0]  }
0x1b7: {  	v23 =	vmul.f32 v23, v19;
	v24 =	vmul.f32 v34, v20;
	_ =	sdelay $0x1  }
0x1b8: {  	v37 =	vmul.f32 v35, v21;
	v23 =	vadd.f32 v24, v23;
	_ =	sdelay $0x1  }
0x1b9: {  	v38 =	vmul.f32 v36, v22;
	v23 =	vadd.f32 v37, v23;
	_ =	sdelay $0x1  }
0x1ba: {  	v23 =	vadd.f32 v38, v23;
	_ =	sdelay $0x1  }
0x1bb: {  	[tilespmem:v2+s17+$0x0] =	vst.idx.msk $0xffff, v23  }
0x1bc: {  	v23 =	vld [tilespmem:s29+$0xFFFFFCC0]  }
0x1bd: {  	v39 =	vld [tilespmem:s29+$0xFFFFFCD0];
	_ =	sdelay $0x1  }
0x1be: {  	v40 =	vld [tilespmem:s29+$0xFFFFFCE0];
	_ =	sdelay $0x1  }
0x1bf: {  	v41 =	vld [tilespmem:s29+$0xFFFFFCF0]  }
0x1c0: {  	v23 =	vmul.f32 v23, v19;
	v24 =	vmul.f32 v39, v20;
	_ =	sdelay $0x1  }
0x1c1: {  	v42 =	vmul.f32 v40, v21;
	v23 =	vadd.f32 v24, v23;
	_ =	sdelay $0x1  }
0x1c2: {  	v43 =	vmul.f32 v41, v22;
	v23 =	vadd.f32 v42, v23;
	_ =	sdelay $0x1  }
0x1c3: {  	v23 =	vadd.f32 v43, v23;
	_ =	sdelay $0x1  }
0x1c4: {  	[tilespmem:v3+s17+$0x0] =	vst.idx.msk $0xffff, v23  }
0x1c5: {  	v23 =	vld [tilespmem:s29+$0xFFFFFD00]  }
0x1c6: {  	v44 =	vld [tilespmem:s29+$0xFFFFFD10];
	_ =	sdelay $0x1  }
0x1c7: {  	v45 =	vld [tilespmem:s29+$0xFFFFFD20];
	_ =	sdelay $0x1  }
0x1c8: {  	v46 =	vld [tilespmem:s29+$0xFFFFFD30]  }
0x1c9: {  	v23 =	vmul.f32 v23, v19;
	v24 =	vmul.f32 v44, v20;
	_ =	sdelay $0x1  }
0x1ca: {  	v47 =	vmul.f32 v45, v21;
	v23 =	vadd.f32 v24, v23;
	_ =	sdelay $0x1  }
0x1cb: {  	v48 =	vmul.f32 v46, v22;
	v23 =	vadd.f32 v47, v23;
	_ =	sdelay $0x1  }
0x1cc: {  	v23 =	vadd.f32 v48, v23;
	_ =	sdelay $0x1  }
0x1cd: {  	[tilespmem:v4+s17+$0x0] =	vst.idx.msk $0xffff, v23  }
0x1ce: {  	v23 =	vld [tilespmem:s29+$0xFFFFFD40]  }
0x1cf: {  	v49 =	vld [tilespmem:s29+$0xFFFFFD50];
	_ =	sdelay $0x1  }
0x1d0: {  	v50 =	vld [tilespmem:s29+$0xFFFFFD60];
	_ =	sdelay $0x1  }
0x1d1: {  	v51 =	vld [tilespmem:s29+$0xFFFFFD70]  }
0x1d2: {  	v23 =	vmul.f32 v23, v19;
	v24 =	vmul.f32 v49, v20;
	_ =	sdelay $0x1  }
0x1d3: {  	v52 =	vmul.f32 v50, v21;
	v23 =	vadd.f32 v24, v23;
	_ =	sdelay $0x1  }
0x1d4: {  	v53 =	vmul.f32 v51, v22;
	v23 =	vadd.f32 v52, v23;
	_ =	sdelay $0x1  }
0x1d5: {  	v23 =	vadd.f32 v53, v23;
	_ =	sdelay $0x1  }
0x1d6: {  	[tilespmem:v5+s17+$0x0] =	vst.idx.msk $0xffff, v23  }
0x1d7: {  	v23 =	vld [tilespmem:s29+$0xFFFFFD80]  }
0x1d8: {  	v54 =	vld [tilespmem:s29+$0xFFFFFD90];
	_ =	sdelay $0x1  }
0x1d9: {  	v55 =	vld [tilespmem:s29+$0xFFFFFDA0];
	_ =	sdelay $0x1  }
0x1da: {  	v56 =	vld [tilespmem:s29+$0xFFFFFDB0]  }
0x1db: {  	v23 =	vmul.f32 v23, v19;
	v24 =	vmul.f32 v54, v20;
	_ =	sdelay $0x1  }
0x1dc: {  	v57 =	vmul.f32 v55, v21;
	v23 =	vadd.f32 v24, v23;
	_ =	sdelay $0x1  }
0x1dd: {  	v58 =	vmul.f32 v56, v22;
	v23 =	vadd.f32 v57, v23;
	_ =	sdelay $0x1  }
0x1de: {  	v23 =	vadd.f32 v58, v23;
	_ =	sdelay $0x1  }
0x1df: {  	[tilespmem:v6+s17+$0x0] =	vst.idx.msk $0xffff, v23  }
0x1e0: {  	v23 =	vld [tilespmem:s29+$0xFFFFFDC0]  }
0x1e1: {  	v59 =	vld [tilespmem:s29+$0xFFFFFDD0];
	_ =	sdelay $0x1  }
0x1e2: {  	v60 =	vld [tilespmem:s29+$0xFFFFFDE0];
	_ =	sdelay $0x1  }
0x1e3: {  	v61 =	vld [tilespmem:s29+$0xFFFFFDF0]  }
0x1e4: {  	v23 =	vmul.f32 v23, v19;
	v24 =	vmul.f32 v59, v20;
	_ =	sdelay $0x1  }
0x1e5: {  	v62 =	vmul.f32 v60, v21;
	v23 =	vadd.f32 v24, v23;
	_ =	sdelay $0x1  }
0x1e6: {  	v63 =	vmul.f32 v61, v22;
	v23 =	vadd.f32 v62, v23;
	_ =	sdelay $0x1  }
0x1e7: {  	v23 =	vadd.f32 v63, v23;
	_ =	sdelay $0x1  }
0x1e8: {  	[tilespmem:v7+s17+$0x0] =	vst.idx.msk $0xffff, v23  }
0x1e9: {  	v23 =	vld [tilespmem:s29+$0xFFFFFE00]  }
0x1ea: {  	v28 =	vld [tilespmem:s29+$0xFFFFFE10];
	_ =	sdelay $0x1  }
0x1eb: {  	v29 =	vld [tilespmem:s29+$0xFFFFFE20];
	_ =	sdelay $0x1  }
0x1ec: {  	v30 =	vld [tilespmem:s29+$0xFFFFFE30]  }
0x1ed: {  	v23 =	vmul.f32 v23, v19;
	v24 =	vmul.f32 v28, v20;
	_ =	sdelay $0x1  }
0x1ee: {  	v31 =	vmul.f32 v29, v21;
	v23 =	vadd.f32 v24, v23;
	_ =	sdelay $0x1  }
0x1ef: {  	v32 =	vmul.f32 v30, v22;
	v23 =	vadd.f32 v31, v23;
	_ =	sdelay $0x1  }
0x1f0: {  	v23 =	vadd.f32 v32, v23;
	_ =	sdelay $0x1  }
0x1f1: {  	[tilespmem:v8+s17+$0x0] =	vst.idx.msk $0xffff, v23  }
0x1f2: {  	v23 =	vld [tilespmem:s29+$0xFFFFFE40]  }
0x1f3: {  	v33 =	vld [tilespmem:s29+$0xFFFFFE50];
	_ =	sdelay $0x1  }
0x1f4: {  	v34 =	vld [tilespmem:s29+$0xFFFFFE60];
	_ =	sdelay $0x1  }
0x1f5: {  	v35 =	vld [tilespmem:s29+$0xFFFFFE70]  }
0x1f6: {  	v23 =	vmul.f32 v23, v19;
	v24 =	vmul.f32 v33, v20;
	_ =	sdelay $0x1  }
0x1f7: {  	v36 =	vmul.f32 v34, v21;
	v23 =	vadd.f32 v24, v23;
	_ =	sdelay $0x1  }
0x1f8: {  	v37 =	vmul.f32 v35, v22;
	v23 =	vadd.f32 v36, v23;
	_ =	sdelay $0x1  }
0x1f9: {  	v23 =	vadd.f32 v37, v23;
	_ =	sdelay $0x1  }
0x1fa: {  	[tilespmem:v9+s17+$0x0] =	vst.idx.msk $0xffff, v23  }
0x1fb: {  	v23 =	vld [tilespmem:s29+$0xFFFFFE80]  }
0x1fc: {  	v38 =	vld [tilespmem:s29+$0xFFFFFE90];
	_ =	sdelay $0x1  }
0x1fd: {  	v39 =	vld [tilespmem:s29+$0xFFFFFEA0];
	_ =	sdelay $0x1  }
0x1fe: {  	v40 =	vld [tilespmem:s29+$0xFFFFFEB0]  }
0x1ff: {  	v23 =	vmul.f32 v23, v19;
	v24 =	vmul.f32 v38, v20;
	_ =	sdelay $0x1  }
0x200: {  	v41 =	vmul.f32 v39, v21;
	v23 =	vadd.f32 v24, v23;
	_ =	sdelay $0x1  }
0x201: {  	v42 =	vmul.f32 v40, v22;
	v23 =	vadd.f32 v41, v23;
	_ =	sdelay $0x1  }
0x202: {  	v23 =	vadd.f32 v42, v23;
	_ =	sdelay $0x1  }
0x203: {  	[tilespmem:v10+s17+$0x0] =	vst.idx.msk $0xffff, v23  }
0x204: {  	v23 =	vld [tilespmem:s29+$0xFFFFFEC0]  }
0x205: {  	v43 =	vld [tilespmem:s29+$0xFFFFFED0];
	_ =	sdelay $0x1  }
0x206: {  	v44 =	vld [tilespmem:s29+$0xFFFFFEE0];
	_ =	sdelay $0x1  }
0x207: {  	v45 =	vld [tilespmem:s29+$0xFFFFFEF0]  }
0x208: {  	v23 =	vmul.f32 v23, v19;
	v24 =	vmul.f32 v43, v20;
	_ =	sdelay $0x1  }
0x209: {  	v46 =	vmul.f32 v44, v21;
	v23 =	vadd.f32 v24, v23;
	_ =	sdelay $0x1  }
0x20a: {  	v47 =	vmul.f32 v45, v22;
	v23 =	vadd.f32 v46, v23;
	_ =	sdelay $0x1  }
0x20b: {  	v23 =	vadd.f32 v47, v23;
	_ =	sdelay $0x1  }
0x20c: {  	[tilespmem:v11+s17+$0x0] =	vst.idx.msk $0xffff, v23  }
0x20d: {  	v23 =	vld [tilespmem:s29+$0xFFFFFF00]  }
0x20e: {  	v48 =	vld [tilespmem:s29+$0xFFFFFF10];
	_ =	sdelay $0x1  }
0x20f: {  	v49 =	vld [tilespmem:s29+$0xFFFFFF20];
	_ =	sdelay $0x1  }
0x210: {  	v50 =	vld [tilespmem:s29+$0xFFFFFF30]  }
0x211: {  	v23 =	vmul.f32 v23, v19;
	v24 =	vmul.f32 v48, v20;
	_ =	sdelay $0x1  }
0x212: {  	v51 =	vmul.f32 v49, v21;
	v23 =	vadd.f32 v24, v23;
	_ =	sdelay $0x1  }
0x213: {  	v52 =	vmul.f32 v50, v22;
	v23 =	vadd.f32 v51, v23;
	_ =	sdelay $0x1  }
0x214: {  	v23 =	vadd.f32 v52, v23;
	_ =	sdelay $0x1  }
0x215: {  	[tilespmem:v12+s17+$0x0] =	vst.idx.msk $0xffff, v23  }
0x216: {  	v23 =	vld [tilespmem:s29+$0xFFFFFF40]  }
0x217: {  	v53 =	vld [tilespmem:s29+$0xFFFFFF50];
	_ =	sdelay $0x1  }
0x218: {  	v54 =	vld [tilespmem:s29+$0xFFFFFF60];
	_ =	sdelay $0x1  }
0x219: {  	v55 =	vld [tilespmem:s29+$0xFFFFFF70]  }
0x21a: {  	v23 =	vmul.f32 v23, v19;
	v24 =	vmul.f32 v53, v20;
	_ =	sdelay $0x1  }
0x21b: {  	v56 =	vmul.f32 v54, v21;
	v23 =	vadd.f32 v24, v23;
	_ =	sdelay $0x1  }
0x21c: {  	v57 =	vmul.f32 v55, v22;
	v23 =	vadd.f32 v56, v23;
	_ =	sdelay $0x1  }
0x21d: {  	v23 =	vadd.f32 v57, v23;
	_ =	sdelay $0x1  }
0x21e: {  	[tilespmem:v13+s17+$0x0] =	vst.idx.msk $0xffff, v23  }
0x21f: {  	v23 =	vld [tilespmem:s29+$0xFFFFFF80]  }
0x220: {  	v58 =	vld [tilespmem:s29+$0xFFFFFF90];
	_ =	sdelay $0x1  }
0x221: {  	v59 =	vld [tilespmem:s29+$0xFFFFFFA0];
	_ =	sdelay $0x1  }
0x222: {  	v60 =	vld [tilespmem:s29+$0xFFFFFFB0]  }
0x223: {  	v23 =	vmul.f32 v23, v19;
	v24 =	vmul.f32 v58, v20;
	_ =	sdelay $0x1  }
0x224: {  	v61 =	vmul.f32 v59, v21;
	v23 =	vadd.f32 v24, v23;
	_ =	sdelay $0x1  }
0x225: {  	v62 =	vmul.f32 v60, v22;
	v23 =	vadd.f32 v61, v23;
	_ =	sdelay $0x1  }
0x226: {  	v23 =	vadd.f32 v62, v23;
	_ =	sdelay $0x1  }
0x227: {  	[tilespmem:v14+s17+$0x0] =	vst.idx.msk $0xffff, v23  }
0x228: {  	v23 =	vld [tilespmem:s29+$0xFFFFFFC0]  }
0x229: {  	v63 =	vld [tilespmem:s29+$0xFFFFFFD0];
	_ =	sdelay $0x1  }
0x22a: {  	v28 =	vld [tilespmem:s29+$0xFFFFFFE0];
	_ =	sdelay $0x1  }
0x22b: {  	v29 =	vld [tilespmem:s29+$0xFFFFFFF0]  }
0x22c: {  	v23 =	vmul.f32 v23, v19;
	v24 =	vmul.f32 v63, v20;
	_ =	sdelay $0x1  }
0x22d: {  	v30 =	vmul.f32 v28, v21;
	v23 =	vadd.f32 v24, v23;
	_ =	sdelay $0x1  }
0x22e: {  	v31 =	vmul.f32 v29, v22;
	v23 =	vadd.f32 v30, v23;
	_ =	sdelay $0x1  }
0x22f: {  	v23 =	vadd.f32 v31, v23;
	_ =	sdelay $0x1  }
0x230: {  	[tilespmem:v15+s17+$0x0] =	vst.idx.msk $0xffff, v23  }
0x231: {  	v23 =	vld [tilespmem:$0xC600]  }
0x232: {  	v32 =	vld [tilespmem:$0xC610];
	_ =	sdelay $0x1  }
0x233: {  	v33 =	vld [tilespmem:$0xC620];
	_ =	sdelay $0x1  }
0x234: {  	v34 =	vld [tilespmem:$0xC630]  }
0x235: {  	v23 =	vadd.f32 v32, v23  }
0x236: {  	v35 =	vld [tilespmem:$0xC640]  }
0x237: {  	v23 =	vadd.f32 v33, v23  }
0x238: {  	v36 =	vld [tilespmem:$0xC650]  }
0x239: {  	v23 =	vadd.f32 v34, v23  }
0x23a: {  	v37 =	vld [tilespmem:$0xC660]  }
0x23b: {  	v23 =	vadd.f32 v35, v23  }
0x23c: {  	v38 =	vld [tilespmem:$0xC670]  }
0x23d: {  	v23 =	vadd.f32 v36, v23  }
0x23e: {  	v39 =	vld [tilespmem:$0xC680]  }
0x23f: {  	v23 =	vadd.f32 v37, v23  }
0x240: {  	v40 =	vld [tilespmem:$0xC690]  }
0x241: {  	v23 =	vadd.f32 v38, v23  }
0x242: {  	v41 =	vld [tilespmem:$0xC6A0]  }
0x243: {  	v23 =	vadd.f32 v39, v23  }
0x244: {  	v42 =	vld [tilespmem:$0xC6B0]  }
0x245: {  	v23 =	vadd.f32 v40, v23  }
0x246: {  	v43 =	vld [tilespmem:$0xC6C0]  }
0x247: {  	v23 =	vadd.f32 v41, v23  }
0x248: {  	v44 =	vld [tilespmem:$0xC6D0]  }
0x249: {  	v23 =	vadd.f32 v42, v23  }
0x24a: {  	v45 =	vld [tilespmem:$0xC6E0]  }
0x24b: {  	v23 =	vadd.f32 v43, v23  }
0x24c: {  	v46 =	vld [tilespmem:$0xC6F0]  }
0x24d: {  	s30 =	sshra.s32 s26, $0x2;
	v23 =	vadd.f32 v44, v23  }
0x24e: {  	v47 =	vld.idx.msk [tilespmem:v17+s30+$0x0 ss:$0x1], $0xffff  }
0x24f: {  	v23 =	vadd.f32 v45, v23;
	_ =	sdelay $0x1  }
0x250: {  	v23 =	vadd.f32 v46, v23;
	_ =	sdelay $0x1  }
0x251: {  	vm2 =	veq.s32 v47, $0x0;
	v23 =	vmul.f32 v16, v23  }
0x252: {  	vm2 =	vmand vm2, vm0  }
0x253: {  	v23 =	vsel vm2, $0x42C80000, v23  }
0x254: {  	[tilespmem:v18+s30+$0xFFFFFFF0 ss:$0x1] =	vst.idx.msk $0xffff, v23  }
0x255: {  	v23 =	vld [tilespmem:s29+$0x0]  }
0x256: {  	v48 =	vld [tilespmem:s29+$0x10];
	_ =	sdelay $0x1  }
0x257: {  	v49 =	vld [tilespmem:s29+$0x20];
	_ =	sdelay $0x1  }
0x258: {  	v50 =	vld [tilespmem:s29+$0x30]  }
0x259: {  	v23 =	vmul.f32 v23, v19;
	v24 =	vmul.f32 v48, v20;
	_ =	sdelay $0x1  }
0x25a: {  	v51 =	vmul.f32 v49, v21;
	v23 =	vadd.f32 v24, v23;
	_ =	sdelay $0x1  }
0x25b: {  	v52 =	vmul.f32 v50, v22;
	v23 =	vadd.f32 v51, v23;
	_ =	sdelay $0x1  }
0x25c: {  	v23 =	vadd.f32 v52, v23;
	_ =	sdelay $0x1  }
0x25d: {  	[tilespmem:v0+s17+$0x0] =	vst.idx.msk $0xffff, v23  }
0x25e: {  	v23 =	vld [tilespmem:s29+$0x40]  }
0x25f: {  	v53 =	vld [tilespmem:s29+$0x50];
	_ =	sdelay $0x1  }
0x260: {  	v54 =	vld [tilespmem:s29+$0x60];
	_ =	sdelay $0x1  }
0x261: {  	v55 =	vld [tilespmem:s29+$0x70]  }
0x262: {  	v23 =	vmul.f32 v23, v19;
	v24 =	vmul.f32 v53, v20;
	_ =	sdelay $0x1  }
0x263: {  	v56 =	vmul.f32 v54, v21;
	v23 =	vadd.f32 v24, v23;
	_ =	sdelay $0x1  }
0x264: {  	v57 =	vmul.f32 v55, v22;
	v23 =	vadd.f32 v56, v23;
	_ =	sdelay $0x1  }
0x265: {  	v23 =	vadd.f32 v57, v23;
	_ =	sdelay $0x1  }
0x266: {  	[tilespmem:v1+s17+$0x0] =	vst.idx.msk $0xffff, v23  }
0x267: {  	v23 =	vld [tilespmem:s29+$0x80]  }
0x268: {  	v58 =	vld [tilespmem:s29+$0x90];
	_ =	sdelay $0x1  }
0x269: {  	v59 =	vld [tilespmem:s29+$0xA0];
	_ =	sdelay $0x1  }
0x26a: {  	v60 =	vld [tilespmem:s29+$0xB0]  }
0x26b: {  	v23 =	vmul.f32 v23, v19;
	v24 =	vmul.f32 v58, v20;
	_ =	sdelay $0x1  }
0x26c: {  	v61 =	vmul.f32 v59, v21;
	v23 =	vadd.f32 v24, v23;
	_ =	sdelay $0x1  }
0x26d: {  	v62 =	vmul.f32 v60, v22;
	v23 =	vadd.f32 v61, v23;
	_ =	sdelay $0x1  }
0x26e: {  	v23 =	vadd.f32 v62, v23;
	_ =	sdelay $0x1  }
0x26f: {  	[tilespmem:v2+s17+$0x0] =	vst.idx.msk $0xffff, v23  }
0x270: {  	v23 =	vld [tilespmem:s29+$0xC0]  }
0x271: {  	v63 =	vld [tilespmem:s29+$0xD0];
	_ =	sdelay $0x1  }
0x272: {  	v28 =	vld [tilespmem:s29+$0xE0];
	_ =	sdelay $0x1  }
0x273: {  	v29 =	vld [tilespmem:s29+$0xF0]  }
0x274: {  	v23 =	vmul.f32 v23, v19;
	v24 =	vmul.f32 v63, v20;
	_ =	sdelay $0x1  }
0x275: {  	v30 =	vmul.f32 v28, v21;
	v23 =	vadd.f32 v24, v23;
	_ =	sdelay $0x1  }
0x276: {  	v31 =	vmul.f32 v29, v22;
	v23 =	vadd.f32 v30, v23;
	_ =	sdelay $0x1  }
0x277: {  	v23 =	vadd.f32 v31, v23;
	_ =	sdelay $0x1  }
0x278: {  	[tilespmem:v3+s17+$0x0] =	vst.idx.msk $0xffff, v23  }
0x279: {  	v23 =	vld [tilespmem:s29+$0x100]  }
0x27a: {  	v32 =	vld [tilespmem:s29+$0x110];
	_ =	sdelay $0x1  }
0x27b: {  	v33 =	vld [tilespmem:s29+$0x120];
	_ =	sdelay $0x1  }
0x27c: {  	v34 =	vld [tilespmem:s29+$0x130]  }
0x27d: {  	v23 =	vmul.f32 v23, v19;
	v24 =	vmul.f32 v32, v20;
	_ =	sdelay $0x1  }
0x27e: {  	v35 =	vmul.f32 v33, v21;
	v23 =	vadd.f32 v24, v23;
	_ =	sdelay $0x1  }
0x27f: {  	v36 =	vmul.f32 v34, v22;
	v23 =	vadd.f32 v35, v23;
	_ =	sdelay $0x1  }
0x280: {  	v23 =	vadd.f32 v36, v23;
	_ =	sdelay $0x1  }
0x281: {  	[tilespmem:v4+s17+$0x0] =	vst.idx.msk $0xffff, v23  }
0x282: {  	v23 =	vld [tilespmem:s29+$0x140]  }
0x283: {  	v37 =	vld [tilespmem:s29+$0x150];
	_ =	sdelay $0x1  }
0x284: {  	v38 =	vld [tilespmem:s29+$0x160];
	_ =	sdelay $0x1  }
0x285: {  	v39 =	vld [tilespmem:s29+$0x170]  }
0x286: {  	v23 =	vmul.f32 v23, v19;
	v24 =	vmul.f32 v37, v20;
	_ =	sdelay $0x1  }
0x287: {  	v40 =	vmul.f32 v38, v21;
	v23 =	vadd.f32 v24, v23;
	_ =	sdelay $0x1  }
0x288: {  	v41 =	vmul.f32 v39, v22;
	v23 =	vadd.f32 v40, v23;
	_ =	sdelay $0x1  }
0x289: {  	v23 =	vadd.f32 v41, v23;
	_ =	sdelay $0x1  }
0x28a: {  	[tilespmem:v5+s17+$0x0] =	vst.idx.msk $0xffff, v23  }
0x28b: {  	v23 =	vld [tilespmem:s29+$0x180]  }
0x28c: {  	v42 =	vld [tilespmem:s29+$0x190];
	_ =	sdelay $0x1  }
0x28d: {  	v43 =	vld [tilespmem:s29+$0x1A0];
	_ =	sdelay $0x1  }
0x28e: {  	v44 =	vld [tilespmem:s29+$0x1B0]  }
0x28f: {  	v23 =	vmul.f32 v23, v19;
	v24 =	vmul.f32 v42, v20;
	_ =	sdelay $0x1  }
0x290: {  	v45 =	vmul.f32 v43, v21;
	v23 =	vadd.f32 v24, v23;
	_ =	sdelay $0x1  }
0x291: {  	v46 =	vmul.f32 v44, v22;
	v23 =	vadd.f32 v45, v23;
	_ =	sdelay $0x1  }
0x292: {  	v23 =	vadd.f32 v46, v23;
	_ =	sdelay $0x1  }
0x293: {  	[tilespmem:v6+s17+$0x0] =	vst.idx.msk $0xffff, v23  }
0x294: {  	v23 =	vld [tilespmem:s29+$0x1C0]  }
0x295: {  	v47 =	vld [tilespmem:s29+$0x1D0];
	_ =	sdelay $0x1  }
0x296: {  	v48 =	vld [tilespmem:s29+$0x1E0];
	_ =	sdelay $0x1  }
0x297: {  	v49 =	vld [tilespmem:s29+$0x1F0]  }
0x298: {  	v23 =	vmul.f32 v23, v19;
	v24 =	vmul.f32 v47, v20;
	_ =	sdelay $0x1  }
0x299: {  	v50 =	vmul.f32 v48, v21;
	v23 =	vadd.f32 v24, v23;
	_ =	sdelay $0x1  }
0x29a: {  	v51 =	vmul.f32 v49, v22;
	v23 =	vadd.f32 v50, v23;
	_ =	sdelay $0x1  }
0x29b: {  	v23 =	vadd.f32 v51, v23;
	_ =	sdelay $0x1  }
0x29c: {  	[tilespmem:v7+s17+$0x0] =	vst.idx.msk $0xffff, v23  }
0x29d: {  	v23 =	vld [tilespmem:s29+$0x200]  }
0x29e: {  	v52 =	vld [tilespmem:s29+$0x210];
	_ =	sdelay $0x1  }
0x29f: {  	v53 =	vld [tilespmem:s29+$0x220];
	_ =	sdelay $0x1  }
0x2a0: {  	v54 =	vld [tilespmem:s29+$0x230]  }
0x2a1: {  	v23 =	vmul.f32 v23, v19;
	v24 =	vmul.f32 v52, v20;
	_ =	sdelay $0x1  }
0x2a2: {  	v55 =	vmul.f32 v53, v21;
	v23 =	vadd.f32 v24, v23;
	_ =	sdelay $0x1  }
0x2a3: {  	v56 =	vmul.f32 v54, v22;
	v23 =	vadd.f32 v55, v23;
	_ =	sdelay $0x1  }
0x2a4: {  	v23 =	vadd.f32 v56, v23;
	_ =	sdelay $0x1  }
0x2a5: {  	[tilespmem:v8+s17+$0x0] =	vst.idx.msk $0xffff, v23  }
0x2a6: {  	v23 =	vld [tilespmem:s29+$0x240]  }
0x2a7: {  	v57 =	vld [tilespmem:s29+$0x250];
	_ =	sdelay $0x1  }
0x2a8: {  	v58 =	vld [tilespmem:s29+$0x260];
	_ =	sdelay $0x1  }
0x2a9: {  	v59 =	vld [tilespmem:s29+$0x270]  }
0x2aa: {  	v23 =	vmul.f32 v23, v19;
	v24 =	vmul.f32 v57, v20;
	_ =	sdelay $0x1  }
0x2ab: {  	v60 =	vmul.f32 v58, v21;
	v23 =	vadd.f32 v24, v23;
	_ =	sdelay $0x1  }
0x2ac: {  	v61 =	vmul.f32 v59, v22;
	v23 =	vadd.f32 v60, v23;
	_ =	sdelay $0x1  }
0x2ad: {  	v23 =	vadd.f32 v61, v23;
	_ =	sdelay $0x1  }
0x2ae: {  	[tilespmem:v9+s17+$0x0] =	vst.idx.msk $0xffff, v23  }
0x2af: {  	v23 =	vld [tilespmem:s29+$0x280]  }
0x2b0: {  	v62 =	vld [tilespmem:s29+$0x290];
	_ =	sdelay $0x1  }
0x2b1: {  	v63 =	vld [tilespmem:s29+$0x2A0];
	_ =	sdelay $0x1  }
0x2b2: {  	v28 =	vld [tilespmem:s29+$0x2B0]  }
0x2b3: {  	v23 =	vmul.f32 v23, v19;
	v24 =	vmul.f32 v62, v20;
	_ =	sdelay $0x1  }
0x2b4: {  	v29 =	vmul.f32 v63, v21;
	v23 =	vadd.f32 v24, v23;
	_ =	sdelay $0x1  }
0x2b5: {  	v30 =	vmul.f32 v28, v22;
	v23 =	vadd.f32 v29, v23;
	_ =	sdelay $0x1  }
0x2b6: {  	v23 =	vadd.f32 v30, v23;
	_ =	sdelay $0x1  }
0x2b7: {  	[tilespmem:v10+s17+$0x0] =	vst.idx.msk $0xffff, v23  }
0x2b8: {  	v23 =	vld [tilespmem:s29+$0x2C0]  }
0x2b9: {  	v31 =	vld [tilespmem:s29+$0x2D0];
	_ =	sdelay $0x1  }
0x2ba: {  	v32 =	vld [tilespmem:s29+$0x2E0];
	_ =	sdelay $0x1  }
0x2bb: {  	v33 =	vld [tilespmem:s29+$0x2F0]  }
0x2bc: {  	v23 =	vmul.f32 v23, v19;
	v24 =	vmul.f32 v31, v20;
	_ =	sdelay $0x1  }
0x2bd: {  	v34 =	vmul.f32 v32, v21;
	v23 =	vadd.f32 v24, v23;
	_ =	sdelay $0x1  }
0x2be: {  	v35 =	vmul.f32 v33, v22;
	v23 =	vadd.f32 v34, v23;
	_ =	sdelay $0x1  }
0x2bf: {  	v23 =	vadd.f32 v35, v23;
	_ =	sdelay $0x1  }
0x2c0: {  	[tilespmem:v11+s17+$0x0] =	vst.idx.msk $0xffff, v23  }
0x2c1: {  	v23 =	vld [tilespmem:s29+$0x300]  }
0x2c2: {  	v36 =	vld [tilespmem:s29+$0x310];
	_ =	sdelay $0x1  }
0x2c3: {  	v37 =	vld [tilespmem:s29+$0x320];
	_ =	sdelay $0x1  }
0x2c4: {  	v38 =	vld [tilespmem:s29+$0x330]  }
0x2c5: {  	v23 =	vmul.f32 v23, v19;
	v24 =	vmul.f32 v36, v20;
	_ =	sdelay $0x1  }
0x2c6: {  	v39 =	vmul.f32 v37, v21;
	v23 =	vadd.f32 v24, v23;
	_ =	sdelay $0x1  }
0x2c7: {  	v40 =	vmul.f32 v38, v22;
	v23 =	vadd.f32 v39, v23;
	_ =	sdelay $0x1  }
0x2c8: {  	v23 =	vadd.f32 v40, v23;
	_ =	sdelay $0x1  }
0x2c9: {  	[tilespmem:v12+s17+$0x0] =	vst.idx.msk $0xffff, v23  }
0x2ca: {  	v23 =	vld [tilespmem:s29+$0x340]  }
0x2cb: {  	v41 =	vld [tilespmem:s29+$0x350];
	_ =	sdelay $0x1  }
0x2cc: {  	v42 =	vld [tilespmem:s29+$0x360];
	_ =	sdelay $0x1  }
0x2cd: {  	v43 =	vld [tilespmem:s29+$0x370]  }
0x2ce: {  	v23 =	vmul.f32 v23, v19;
	v24 =	vmul.f32 v41, v20;
	_ =	sdelay $0x1  }
0x2cf: {  	v44 =	vmul.f32 v42, v21;
	v23 =	vadd.f32 v24, v23;
	_ =	sdelay $0x1  }
0x2d0: {  	v45 =	vmul.f32 v43, v22;
	v23 =	vadd.f32 v44, v23;
	_ =	sdelay $0x1  }
0x2d1: {  	v23 =	vadd.f32 v45, v23;
	_ =	sdelay $0x1  }
0x2d2: {  	[tilespmem:v13+s17+$0x0] =	vst.idx.msk $0xffff, v23  }
0x2d3: {  	v23 =	vld [tilespmem:s29+$0x380]  }
0x2d4: {  	v46 =	vld [tilespmem:s29+$0x390];
	_ =	sdelay $0x1  }
0x2d5: {  	v47 =	vld [tilespmem:s29+$0x3A0];
	_ =	sdelay $0x1  }
0x2d6: {  	v48 =	vld [tilespmem:s29+$0x3B0]  }
0x2d7: {  	v23 =	vmul.f32 v23, v19;
	v24 =	vmul.f32 v46, v20;
	_ =	sdelay $0x1  }
0x2d8: {  	v49 =	vmul.f32 v47, v21;
	v23 =	vadd.f32 v24, v23;
	_ =	sdelay $0x1  }
0x2d9: {  	v50 =	vmul.f32 v48, v22;
	v23 =	vadd.f32 v49, v23;
	_ =	sdelay $0x1  }
0x2da: {  	v23 =	vadd.f32 v50, v23;
	_ =	sdelay $0x1  }
0x2db: {  	[tilespmem:v14+s17+$0x0] =	vst.idx.msk $0xffff, v23  }
0x2dc: {  	v23 =	vld [tilespmem:s29+$0x3C0]  }
0x2dd: {  	v51 =	vld [tilespmem:s29+$0x3D0];
	_ =	sdelay $0x1  }
0x2de: {  	v52 =	vld [tilespmem:s29+$0x3E0];
	_ =	sdelay $0x1  }
0x2df: {  	v53 =	vld [tilespmem:s29+$0x3F0]  }
0x2e0: {  	v19 =	vmul.f32 v23, v19;
	v20 =	vmul.f32 v51, v20;
	_ =	sdelay $0x1  }
0x2e1: {  	v19 =	vadd.f32 v20, v19;
	v20 =	vmul.f32 v52, v21;
	_ =	sdelay $0x1  }
0x2e2: {  	v19 =	vadd.f32 v20, v19;
	v20 =	vmul.f32 v53, v22;
	_ =	sdelay $0x1  }
0x2e3: {  	v19 =	vadd.f32 v20, v19;
	_ =	sdelay $0x1  }
0x2e4: {  	[tilespmem:v15+s17+$0x0] =	vst.idx.msk $0xffff, v19  }
0x2e5: {  	v19 =	vld [tilespmem:$0xC600]  }
0x2e6: {  	v20 =	vld [tilespmem:$0xC610];
	_ =	sdelay $0x1  }
0x2e7: {  	v54 =	vld [tilespmem:$0xC620];
	_ =	sdelay $0x1  }
0x2e8: {  	v55 =	vld [tilespmem:$0xC630]  }
0x2e9: {  	v19 =	vadd.f32 v20, v19  }
0x2ea: {  	v20 =	vld [tilespmem:$0xC640]  }
0x2eb: {  	v19 =	vadd.f32 v54, v19  }
0x2ec: {  	v56 =	vld [tilespmem:$0xC650]  }
0x2ed: {  	v19 =	vadd.f32 v55, v19  }
0x2ee: {  	v57 =	vld [tilespmem:$0xC660]  }
0x2ef: {  	v19 =	vadd.f32 v20, v19  }
0x2f0: {  	v20 =	vld [tilespmem:$0xC670]  }
0x2f1: {  	v19 =	vadd.f32 v56, v19  }
0x2f2: {  	v58 =	vld [tilespmem:$0xC680]  }
0x2f3: {  	v19 =	vadd.f32 v57, v19  }
0x2f4: {  	v59 =	vld [tilespmem:$0xC690]  }
0x2f5: {  	v19 =	vadd.f32 v20, v19  }
0x2f6: {  	v20 =	vld [tilespmem:$0xC6A0]  }
0x2f7: {  	v19 =	vadd.f32 v58, v19  }
0x2f8: {  	v60 =	vld [tilespmem:$0xC6B0]  }
0x2f9: {  	v19 =	vadd.f32 v59, v19  }
0x2fa: {  	v61 =	vld [tilespmem:$0xC6C0]  }
0x2fb: {  	v19 =	vadd.f32 v20, v19  }
0x2fc: {  	v20 =	vld [tilespmem:$0xC6D0]  }
0x2fd: {  	v19 =	vadd.f32 v60, v19  }
0x2fe: {  	v62 =	vld [tilespmem:$0xC6E0]  }
0x2ff: {  	v19 =	vadd.f32 v61, v19  }
0x300: {  	v63 =	vld [tilespmem:$0xC6F0]  }
0x301: {  	v19 =	vadd.f32 v20, v19;
	_ =	sdelay $0x1  }
0x302: {  	v19 =	vadd.f32 v62, v19;
	_ =	sdelay $0x1  }
0x303: {  	p0 =	sne.s32 s26, $0x380;
	v19 =	vadd.f32 v63, v19  }
.Ltmp1:
0x304: {  	_ = 	snop;
	(pc) =	sbr.rel @p0 .LBB2_5-.Ltmp1, $3  }
0x305: {  	v19 =	vsub.f32 $0.0e+00, v19;
	_ =	sdelay $0x1  }
0x306: {  	v19 =	vnsel vm1, $0x42C80000, v19  }
0x307: {  	s28 =	sadd.s32 $0x40, s28;
	s26 =	sadd.s32 $0x80, s26;
	s29 =	sadd.s32 $0x800, s29;
	[tilespmem:v18+s30+$0x0 ss:$0x1] =	vst.idx.msk $0xffff, v19  }
0x308: {  	s25 =	sadd.s32 $0x1, s25  }
0x309: {  	p0 =	sne.s32 s25, $0x20  }
.Ltmp2:
0x30a: {  	_ = 	snop;
	(pc) =	sbr.rel @p0 .LBB2_2-.Ltmp2, $3  }
0x30b: {  	_ =	sdelay $0x1  }
0x30c: {  	s21 =	sadd.s32 $0x200, s21  }
0x30d: {  	s22 =	sadd.s32 $0x200, s22;
	s23 =	sadd.s32 $0x200, s23;
	s24 =	sadd.s32 $0x200, s24  }
0x30e: {  	s20 =	sadd.s32 $0x1, s20  }
0x30f: {  	p0 =	sne.s32 s20, s8  }
.Ltmp3:
0x310: {  	_ = 	snop;
	(pc) =	sbr.rel @p0 .LBB2_1-.Ltmp3, $4  }
0x311: {  	[hbm4b:s7+s2] =	stream.linear.scatter [tilespmem:s19], [sflag:$0x3], $0x4000, $0x38;
	[tilespmem:$0x10700] =	vst v63  }
0x312: {  	_ =	swait.ge [sflag:s9], $0x4000  }
0x313: {  	[sflag:s9] =	ssyncset.done $0x0  }
0x314: {  	[sflag:s9] =	ssyncadd.s32 $0xFFFFC000  }
0x315: {  	_ =	sfence.sel $0x180000  }
0x316: {  	[bflag:$0x0] =	sbarrier.arrive $0xFFFF  }
0x317: {  	p0 =	sne.s32 s1, $0x0;
	_ =	strace $0x90000047  }
0x318: {  	s0 =	sadd.s32 @!p0 $0x100000, s0;
	[bflag:$0x2] =	sbarrier.arrive $0xFFFF  }
0x319: {  	[sflag:s0] =	ssyncadd.tile.s32 @!p0 $0x1;
	_ =	shalt  }
.Lfunc_end2:
_tile_overlayer_lowered:
.L_overlay_start_2:
0x31a: {  	(tag) =	ssettag $0x2  }
0x31b: {  	s0 =	rddreg [dreg:$0x0];
	s2 =	stileid.u32  }
0x31c: {  	s1 =	rddreg [dreg:$0x1];
	p0 =	sne.s32 s2, $0x0  }
0x31d: {  	s3 =	rddreg [dreg:$0x2];
	[bflag:$0x3] =	sbarrier.arrive $0xFFFF;
	s2 =	simm.s32 @!p0 $0x1C03  }
0x31e: {  	[timem:s3], [sflag:s2] =	dma.local @!p0 [hbm:s0], s1  }
0x31f: {  	s0 =	simm.s32 @!p0 $0x3  }
0x320: {  	_ =	swait.ge @!p0 [sflag:s0], s1  }
0x321: {  	s1 =	ssub.s32 @!p0 $0x0, s1;
	[sflag:s0] =	ssyncset.done @!p0 $0x0  }
0x322: {  	[sflag:s0] =	ssyncadd.s32 @!p0 s1  }
0x323: {  	[bflag:$0x3] =	sbarrier.arrive $0xFFFF  }
0x324: {  	_ =	shalt  }

</sc_bundles>
